<compile_context>
chip_gen: v7x
topology: tpu7x:2x2x1
jax: 0.10.2.dev20260603
libtpu: 0.0.44.dev20260713+nightly
codegen_flags: <defaults>
</compile_context>

<pallas_src>
import functools

import jax
import jax.numpy as jnp
from jax import lax
from jax.experimental import pallas as pl
from jax.experimental.pallas import tpu as pltpu
from jax.experimental.pallas import tpu_sc as plsc

N = 10000
F = 256
E = 320000
NCLUS = 5000
HALF = 128
CH = 128

NP = 10240
EP = 327680
NCP = 5120

_MESH = plsc.VectorSubcoreMesh(core_axis_name="c", subcore_axis_name="s")


def _zero_rows(ref, nrows, ncols):
    z = jnp.zeros((16,), jnp.float32)

    def body(r, carry):
        for k in range(ncols // 16):
            ref[r, pl.ds(k * 16, 16)] = z
        return carry

    lax.fori_loop(0, nrows, body, 0)


def _fill_onehot(ref, nrows):
    iota = lax.iota(jnp.int32, 16)
    oh = jnp.where(iota == 0, 1.0, 0.0).astype(jnp.float32)
    z = jnp.zeros((16,), jnp.float32)

    def body(r, carry):
        ref[r, pl.ds(0, 16)] = oh
        for k in range(1, HALF // 16):
            ref[r, pl.ds(k * 16, 16)] = z
        return carry

    lax.fori_loop(0, nrows, body, 0)


@functools.partial(
    pl.kernel,
    out_type=jax.ShapeDtypeStruct((2 * NP, HALF), jnp.float32),
    mesh=_MESH,
    scratch_types=[
        pltpu.VMEM((CH,), jnp.int32),
        pltpu.VMEM((CH, HALF), jnp.float32),
        pltpu.VMEM((CH, HALF), jnp.float32),
        pltpu.VMEM_SHARED((NP, HALF), jnp.float32),
    ],
)
def _sc_degree(dst_hbm, deg_out, idx_b, one_b, zero_b, deg_acc):
    c = lax.axis_index("c")
    s = lax.axis_index("s")
    _fill_onehot(one_b, CH)
    _zero_rows(zero_b, CH, HALF)
    for k in range(5):
        pltpu.sync_copy(zero_b, deg_acc.at[pl.ds(s * 640 + k * CH, CH)])
    plsc.subcore_barrier()

    def dbody(j, carry):
        base = ((c * 16 + s) * 80 + j) * CH
        pltpu.sync_copy(dst_hbm.at[pl.ds(base, CH)], idx_b)
        pltpu.sync_copy(one_b, deg_acc.at[idx_b], add=True)
        return carry

    lax.fori_loop(0, 80, dbody, 0)
    plsc.subcore_barrier()
    pltpu.sync_copy(deg_acc.at[pl.ds(s * 640, 640)],
                    deg_out.at[pl.ds(c * NP + s * 640, 640)])


_NBUF = 5
_ECH = 64
_ECHUNKS = 20480 // _ECH


@functools.partial(
    pl.kernel,
    out_type=jax.ShapeDtypeStruct((2 * NP, HALF), jnp.float32),
    mesh=_MESH,
    scratch_types=(
        [pltpu.VMEM((_ECH,), jnp.int32) for _ in range(_NBUF)]
        + [pltpu.VMEM((_ECH,), jnp.int32) for _ in range(_NBUF)]
        + [pltpu.VMEM((_ECH, HALF), jnp.float32) for _ in range(_NBUF)]
        + [pltpu.VMEM_SHARED((NP, HALF), jnp.float32)]
        + [pltpu.SemaphoreType.DMA for _ in range(2 * _NBUF)]
    ),
)
def _sc_edge_agg(y_hbm, src2_hbm, dst_hbm, out_hbm, *refs):
    srcs = refs[0:_NBUF]
    dsts = refs[_NBUF:2 * _NBUF]
    rows = refs[2 * _NBUF:3 * _NBUF]
    acc = refs[3 * _NBUF]
    gsem = refs[3 * _NBUF + 1:3 * _NBUF + 1 + _NBUF]
    ssem = refs[3 * _NBUF + 1 + _NBUF:]
    c = lax.axis_index("c")
    s = lax.axis_index("s")
    _zero_rows(rows[0], _ECH, HALF)
    for k in range(640 // _ECH):
        pltpu.sync_copy(rows[0], acc.at[pl.ds(s * 640 + k * _ECH, _ECH)])
    plsc.subcore_barrier()

    def load_idx(j, p):
        base = (s * _ECHUNKS + j) * _ECH
        pltpu.sync_copy(src2_hbm.at[pl.ds(c * EP + base, _ECH)], srcs[p])
        pltpu.sync_copy(dst_hbm.at[pl.ds(base, _ECH)], dsts[p])

    load_idx(0, 0)
    pltpu.async_copy(y_hbm.at[srcs[0]], rows[0], gsem[0])
    load_idx(1, 1)
    pltpu.async_copy(y_hbm.at[srcs[1]], rows[1], gsem[1])

    def ebody(i, carry):
        for p in range(_NBUF):
            j = _NBUF * i + p
            n = (p + 2) % _NBUF
            pltpu.make_async_copy(y_hbm.at[srcs[p]], rows[p], gsem[p]).wait()

            @pl.when(j < _ECHUNKS - 2)
            def _():
                @pl.when(j >= _NBUF - 2)
                def _():
                    pltpu.make_async_copy(rows[n], acc.at[dsts[n]],
                                          ssem[n]).wait()
                load_idx(j + 2, n)
                pltpu.async_copy(y_hbm.at[srcs[n]], rows[n], gsem[n])

            pltpu.async_copy(rows[p], acc.at[dsts[p]], ssem[p], add=True)
        return carry

    lax.fori_loop(0, _ECHUNKS // _NBUF, ebody, 0)
    for p in range(_NBUF):
        pltpu.make_async_copy(rows[p], acc.at[dsts[p]], ssem[p]).wait()
    plsc.subcore_barrier()
    pltpu.sync_copy(acc.at[pl.ds(s * 640, 640)],
                    out_hbm.at[pl.ds(c * NP + s * 640, 640)])


@functools.partial(
    pl.kernel,
    out_type=(jax.ShapeDtypeStruct((2 * NCP, HALF), jnp.float32),
              jax.ShapeDtypeStruct((NCP, HALF), jnp.float32)),
    mesh=_MESH,
    scratch_types=[
        pltpu.VMEM((CH,), jnp.int32),
        pltpu.VMEM((CH, HALF), jnp.float32),
        pltpu.VMEM((CH, HALF), jnp.float32),
        pltpu.VMEM_SHARED((NCP, HALF), jnp.float32),
        pltpu.VMEM_SHARED((NCP, HALF), jnp.float32),
    ],
)
def _sc_pool(h_hbm, cl_hbm, out_hbm, cnt_out, idx_b, rows_b, one_b, acc, cnt_acc):
    c = lax.axis_index("c")
    s = lax.axis_index("s")
    _zero_rows(rows_b, CH, HALF)
    _fill_onehot(one_b, CH)
    for k in range(2):
        pltpu.sync_copy(rows_b, acc.at[pl.ds(s * 320 + k * CH, CH)])
        pltpu.sync_copy(rows_b, cnt_acc.at[pl.ds(s * 320 + k * CH, CH)])
    pltpu.sync_copy(rows_b.at[pl.ds(0, 64)], acc.at[pl.ds(s * 320 + 256, 64)])
    pltpu.sync_copy(rows_b.at[pl.ds(0, 64)], cnt_acc.at[pl.ds(s * 320 + 256, 64)])
    plsc.subcore_barrier()

    def pbody(j, carry):
        nbase = s * 640 + j * CH
        pltpu.sync_copy(cl_hbm.at[pl.ds(nbase, CH)], idx_b)
        pltpu.sync_copy(h_hbm.at[pl.ds(c * NP + nbase, CH)], rows_b)
        pltpu.sync_copy(rows_b, acc.at[idx_b], add=True)

        @pl.when(c == 0)
        def _():
            pltpu.sync_copy(one_b, cnt_acc.at[idx_b], add=True)
        return carry

    lax.fori_loop(0, 5, pbody, 0)
    plsc.subcore_barrier()
    pltpu.sync_copy(acc.at[pl.ds(s * 320, 320)],
                    out_hbm.at[pl.ds(c * NCP + s * 320, 320)])

    @pl.when(c == 0)
    def _():
        pltpu.sync_copy(cnt_acc.at[pl.ds(s * 320, 320)],
                        cnt_out.at[pl.ds(s * 320, 320)])


def _tc1_body(x_ref, w_ref, degp_ref, y_ref):
    xw = jnp.dot(x_ref[...], w_ref[...], preferred_element_type=jnp.float32)
    d = degp_ref[...]
    y = xw * lax.rsqrt(d[0, :, 0:1] + d[1, :, 0:1] + 1.0)
    y_ref[0, :, :] = y[:, :HALF]
    y_ref[1, :, :] = y[:, HALF:]


def _tc2_body(y_ref, a_ref, degp_ref, b_ref, h_ref):
    d = degp_ref[...]
    dinv = lax.rsqrt(d[0, :, 0:1] + d[1, :, 0:1] + 1.0)
    for half in range(2):
        h_ref[half, :, :] = jnp.tanh(
            (y_ref[half, :, :] + a_ref[half, :, :]) * dinv + b_ref[half, :, :])


def _tc3_body(p_ref, cnt_ref, w_ref, b_ref, o_ref):
    inv = 1.0 / jnp.maximum(cnt_ref[:, 0:1], 1.0)
    p0 = p_ref[0, :, :] * inv
    p1 = p_ref[1, :, :] * inv
    o_ref[...] = (jnp.dot(p0, w_ref[:HALF, :], preferred_element_type=jnp.float32)
                  + jnp.dot(p1, w_ref[HALF:, :], preferred_element_type=jnp.float32)
                  + b_ref[...])


_BM = 256


def _tc1(x_pad, w, deg_parts):
    return pl.pallas_call(
        _tc1_body,
        grid=(NP // _BM,),
        in_specs=[pl.BlockSpec((_BM, F), lambda i: (i, 0)),
                  pl.BlockSpec((F, F), lambda i: (0, 0)),
                  pl.BlockSpec((2, _BM, HALF), lambda i: (0, i, 0))],
        out_specs=pl.BlockSpec((2, _BM, HALF), lambda i: (0, i, 0)),
        out_shape=jax.ShapeDtypeStruct((2, NP, HALF), jnp.float32),
    )(x_pad, w, deg_parts)


def _tc2(y, agg, deg_parts, b2):
    return pl.pallas_call(
        _tc2_body,
        grid=(NP // _BM,),
        in_specs=[pl.BlockSpec((2, _BM, HALF), lambda i: (0, i, 0)),
                  pl.BlockSpec((2, _BM, HALF), lambda i: (0, i, 0)),
                  pl.BlockSpec((2, _BM, HALF), lambda i: (0, i, 0)),
                  pl.BlockSpec((2, 1, HALF), lambda i: (0, 0, 0))],
        out_specs=pl.BlockSpec((2, _BM, HALF), lambda i: (0, i, 0)),
        out_shape=jax.ShapeDtypeStruct((2, NP, HALF), jnp.float32),
    )(y, agg, deg_parts, b2)


def _tc3(pooled, cnt, w, b2):
    bm = 512
    return pl.pallas_call(
        _tc3_body,
        grid=(NCP // bm,),
        in_specs=[pl.BlockSpec((2, bm, HALF), lambda i: (0, i, 0)),
                  pl.BlockSpec((bm, HALF), lambda i: (i, 0)),
                  pl.BlockSpec((F, F), lambda i: (0, 0)),
                  pl.BlockSpec((1, F), lambda i: (0, 0))],
        out_specs=pl.BlockSpec((bm, F), lambda i: (i, 0)),
        out_shape=jax.ShapeDtypeStruct((NCP, F), jnp.float32),
    )(pooled, cnt, w, b2)


def kernel(x, W_gcn, b_gcn, W_out, b_out, edge_index, cluster_ids):
    src = jnp.concatenate(
        [edge_index[0], jnp.full((EP - E,), N, jnp.int32)])
    dst = jnp.concatenate(
        [edge_index[1], jnp.full((EP - E,), N, jnp.int32)])
    src2 = jnp.concatenate([src, src + NP])
    cl = jnp.concatenate(
        [cluster_ids, jnp.full((NP - N,), NCLUS, jnp.int32)])
    x_pad = jnp.pad(x, ((0, NP - N), (0, 0)))

    degf = _sc_degree(dst)
    deg_parts = degf.reshape(2, NP, HALF)
    y = _tc1(x_pad, W_gcn, deg_parts)
    agg = _sc_edge_agg(y.reshape(2 * NP, HALF), src2, dst)
    h = _tc2(y, agg.reshape(2, NP, HALF), deg_parts, b_gcn.reshape(2, 1, HALF))
    pooled, cnt = _sc_pool(h.reshape(2 * NP, HALF), cl)
    outp = _tc3(pooled.reshape(2, NCP, HALF), cnt, W_out, b_out.reshape(1, F))
    return outp[:NCLUS]

# --- scband reference (transcript-rebuilt; emitter-appended) ---
"""Pipeline reference for scband-differentiable-pooler-87531433492821 (READ-ONLY COPY).

The authoritative reference and input builder live on the scoring server;
editing this copy changes nothing except your own understanding.
"""

import jax, jax.numpy as jnp
import numpy as np

N = 10000
E = 320000
F = 256
NC = 5000

def setup_inputs(seed: int = 0):
    key = jax.random.key(seed)
    ks = jax.random.split(key, 6)
    x = jax.random.normal(ks[0], (N, F), dtype=jnp.float32)
    edge_index = jax.random.randint(ks[1], (2, E), 0, N, dtype=jnp.int32)
    cluster_ids = jnp.sort(jax.random.randint(ks[2], (N,), 0, NC, dtype=jnp.int32))
    W_gcn = jax.random.normal(ks[3], (F, F), dtype=jnp.float32) * (1.0 / np.sqrt(F))
    b_gcn = jnp.zeros((F,), dtype=jnp.float32)
    W_out = jax.random.normal(ks[4], (F, F), dtype=jnp.float32) * (1.0 / np.sqrt(F))
    b_out = jnp.zeros((F,), dtype=jnp.float32)
    return {"x": x, "W_gcn": W_gcn, "b_gcn": b_gcn, "W_out": W_out, "b_out": b_out,
            "edge_index": edge_index, "cluster_ids": cluster_ids}

def reference(x, W_gcn, b_gcn, W_out, b_out, edge_index, cluster_ids):
    n = x.shape[0]
    loop = jnp.arange(n, dtype=edge_index.dtype)
    src = jnp.concatenate([edge_index[0], loop])
    dst = jnp.concatenate([edge_index[1], loop])
    # gnn_in: GraphConvolution with auto_normalize (sym-normalized A+I) and tanh
    ones = jnp.ones(src.shape[0], dtype=x.dtype)
    deg = jax.ops.segment_sum(ones, dst, num_segments=n)
    dinv = jnp.where(deg > 0, jax.lax.rsqrt(deg), 0.0)
    norm = dinv[src] * dinv[dst]
    xw = x @ W_gcn
    msg = xw[src] * norm[:, None]
    agg = jax.ops.segment_sum(msg, dst, num_segments=n)
    h = jnp.tanh(agg + b_gcn)
    # loukas.pooling('mean', C, X): C is the cluster-assignment coarsening matrix;
    # mean-pool node features within each coarse cluster -> (C @ X) / rowsum(C)
    counts = jax.ops.segment_sum(jnp.ones(n, dtype=x.dtype), cluster_ids, num_segments=NC)
    pooled = jax.ops.segment_sum(h, cluster_ids, num_segments=NC)
    pooled = pooled / jnp.maximum(counts, 1.0)[:, None]
    # gnn_out: Dense linear
    out = pooled @ W_out + b_out
    return out

if __name__ == "__main__":
    import jax
    _d = setup_inputs()
    print(jax.jit(kernel)(*tuple(_d.values())))

</pallas_src>

<mosaic_0001>
#map = affine_map<(d0, d1) -> (0)>
#map1 = affine_map<(d0, d1) -> (0, 0)>
module attributes {stable_mosaic.version = 14 : i64} {
  func.func @_sc_degree(%arg0: i32, %arg1: i32, %arg2: memref<327680xi32, #tpu.memory_space<hbm>>, %arg3: memref<20480x128xf32, #tpu.memory_space<hbm>>, %arg4: memref<128xi32, #tpu.memory_space<vmem>>, %arg5: memref<128x128xf32, #tpu.memory_space<vmem>>, %arg6: memref<128x128xf32, #tpu.memory_space<vmem>>, %arg7: memref<10240x128xf32, #tpu.memory_space<vmem_shared>>) attributes {dimension_semantics = [#tpu.dimension_semantics<core_parallel>, #tpu.dimension_semantics<subcore_parallel>], iteration_bounds = array<i64: 2, 16>, scalar_prefetch = 0 : i64, scratch_operands = 4 : i64, tpu.core_type = #tpu.core_type<sc_vector_subcore>, window_params = [{transform_indices = #map}, {transform_indices = #map1}]} {
    %iota3A = tpu.iota {dimensions = array<i32: 0>} : vector<16xi32>
    %eq3A = arith.constant 0 : i32
    %eq3A_0 = vector.broadcast %eq3A : i32 to vector<16xi32>
    %eq3A_1 = arith.cmpi eq, %iota3A, %eq3A_0 : vector<16xi32>
    %jit3A = arith.constant 1.000000e+00 : f32
    %jit3A_2 = arith.constant 0.000000e+00 : f32
    %broadcast_in_dim3A = vector.broadcast %jit3A : f32 to vector<16xf32>
    %broadcast_in_dim3A_3 = vector.broadcast %jit3A_2 : f32 to vector<16xf32>
    %select_n3A = arith.select %eq3A_1, %broadcast_in_dim3A, %broadcast_in_dim3A_3 : vector<16xi1>, vector<16xf32>
    %broadcast_in_dim3A_4 = arith.constant 0.000000e+00 : f32
    %broadcast_in_dim3A_5 = vector.broadcast %broadcast_in_dim3A_4 : f32 to vector<16xf32>
    %scan3A = arith.constant 0 : i32
    %scan3A_6 = arith.constant 0 : i32
    %scan3A_7 = arith.constant 128 : i32
    %scan3A_8 = arith.addi %scan3A_6, %scan3A_7 : i32
    %scan3A_9 = arith.constant 1 : i32
    scf.for %scan3A_51 = %scan3A_6 to %scan3A_8 step %scan3A_9  : i32 {
      %swap3A = arith.index_cast %scan3A_51 : i32 to index
      %swap3A_52 = arith.constant 0 : index
      %swap3A_53 = tpu.vector_load %arg5[%swap3A, %swap3A_52] {strides = array<i32>} : memref<128x128xf32, #tpu.memory_space<vmem>>, vector<1x16xf32>,
      %swap3A_54 = vector.shape_cast %swap3A_53 : vector<1x16xf32> to vector<16xf32>
      %swap3A_55 = vector.shape_cast %select_n3A : vector<16xf32> to vector<1x16xf32>
      tpu.vector_store %arg5[%swap3A, %swap3A_52], %swap3A_55 {strides = array<i32>} : memref<128x128xf32, #tpu.memory_space<vmem>>, vector<1x16xf32>,
      %swap3A_56 = arith.index_cast %scan3A_51 : i32 to index
      %swap3A_57 = arith.constant 16 : index
      %swap3A_58 = tpu.vector_load %arg5[%swap3A_56, %swap3A_57] {strides = array<i32>} : memref<128x128xf32, #tpu.memory_space<vmem>>, vector<1x16xf32>,
      %swap3A_59 = vector.shape_cast %swap3A_58 : vector<1x16xf32> to vector<16xf32>
      %swap3A_60 = vector.shape_cast %broadcast_in_dim3A_5 : vector<16xf32> to vector<1x16xf32>
      tpu.vector_store %arg5[%swap3A_56, %swap3A_57], %swap3A_60 {strides = array<i32>} : memref<128x128xf32, #tpu.memory_space<vmem>>, vector<1x16xf32>,
      %swap3A_61 = arith.index_cast %scan3A_51 : i32 to index
      %swap3A_62 = arith.constant 32 : index
      %swap3A_63 = tpu.vector_load %arg5[%swap3A_61, %swap3A_62] {strides = array<i32>} : memref<128x128xf32, #tpu.memory_space<vmem>>, vector<1x16xf32>,
      %swap3A_64 = vector.shape_cast %swap3A_63 : vector<1x16xf32> to vector<16xf32>
      %swap3A_65 = vector.shape_cast %broadcast_in_dim3A_5 : vector<16xf32> to vector<1x16xf32>
      tpu.vector_store %arg5[%swap3A_61, %swap3A_62], %swap3A_65 {strides = array<i32>} : memref<128x128xf32, #tpu.memory_space<vmem>>, vector<1x16xf32>,
      %swap3A_66 = arith.index_cast %scan3A_51 : i32 to index
      %swap3A_67 = arith.constant 48 : index
      %swap3A_68 = tpu.vector_load %arg5[%swap3A_66, %swap3A_67] {strides = array<i32>} : memref<128x128xf32, #tpu.memory_space<vmem>>, vector<1x16xf32>,
      %swap3A_69 = vector.shape_cast %swap3A_68 : vector<1x16xf32> to vector<16xf32>
      %swap3A_70 = vector.shape_cast %broadcast_in_dim3A_5 : vector<16xf32> to vector<1x16xf32>
      tpu.vector_store %arg5[%swap3A_66, %swap3A_67], %swap3A_70 {strides = array<i32>} : memref<128x128xf32, #tpu.memory_space<vmem>>, vector<1x16xf32>,
      %swap3A_71 = arith.index_cast %scan3A_51 : i32 to index
      %swap3A_72 = arith.constant 64 : index
      %swap3A_73 = tpu.vector_load %arg5[%swap3A_71, %swap3A_72] {strides = array<i32>} : memref<128x128xf32, #tpu.memory_space<vmem>>, vector<1x16xf32>,
      %swap3A_74 = vector.shape_cast %swap3A_73 : vector<1x16xf32> to vector<16xf32>
      %swap3A_75 = vector.shape_cast %broadcast_in_dim3A_5 : vector<16xf32> to vector<1x16xf32>
      tpu.vector_store %arg5[%swap3A_71, %swap3A_72], %swap3A_75 {strides = array<i32>} : memref<128x128xf32, #tpu.memory_space<vmem>>, vector<1x16xf32>,
      %swap3A_76 = arith.index_cast %scan3A_51 : i32 to index
      %swap3A_77 = arith.constant 80 : index
      %swap3A_78 = tpu.vector_load %arg5[%swap3A_76, %swap3A_77] {strides = array<i32>} : memref<128x128xf32, #tpu.memory_space<vmem>>, vector<1x16xf32>,
      %swap3A_79 = vector.shape_cast %swap3A_78 : vector<1x16xf32> to vector<16xf32>
      %swap3A_80 = vector.shape_cast %broadcast_in_dim3A_5 : vector<16xf32> to vector<1x16xf32>
      tpu.vector_store %arg5[%swap3A_76, %swap3A_77], %swap3A_80 {strides = array<i32>} : memref<128x128xf32, #tpu.memory_space<vmem>>, vector<1x16xf32>,
      %swap3A_81 = arith.index_cast %scan3A_51 : i32 to index
      %swap3A_82 = arith.constant 96 : index
      %swap3A_83 = tpu.vector_load %arg5[%swap3A_81, %swap3A_82] {strides = array<i32>} : memref<128x128xf32, #tpu.memory_space<vmem>>, vector<1x16xf32>,
      %swap3A_84 = vector.shape_cast %swap3A_83 : vector<1x16xf32> to vector<16xf32>
      %swap3A_85 = vector.shape_cast %broadcast_in_dim3A_5 : vector<16xf32> to vector<1x16xf32>
      tpu.vector_store %arg5[%swap3A_81, %swap3A_82], %swap3A_85 {strides = array<i32>} : memref<128x128xf32, #tpu.memory_space<vmem>>, vector<1x16xf32>,
      %swap3A_86 = arith.index_cast %scan3A_51 : i32 to index
      %swap3A_87 = arith.constant 112 : index
      %swap3A_88 = tpu.vector_load %arg5[%swap3A_86, %swap3A_87] {strides = array<i32>} : memref<128x128xf32, #tpu.memory_space<vmem>>, vector<1x16xf32>,
      %swap3A_89 = vector.shape_cast %swap3A_88 : vector<1x16xf32> to vector<16xf32>
      %swap3A_90 = vector.shape_cast %broadcast_in_dim3A_5 : vector<16xf32> to vector<1x16xf32>
      tpu.vector_store %arg5[%swap3A_86, %swap3A_87], %swap3A_90 {strides = array<i32>} : memref<128x128xf32, #tpu.memory_space<vmem>>, vector<1x16xf32>,
    }
    %scan3A_10 = arith.constant 128 : i32
    %broadcast_in_dim3A_11 = arith.constant 0.000000e+00 : f32
    %broadcast_in_dim3A_12 = vector.broadcast %broadcast_in_dim3A_11 : f32 to vector<16xf32>
    %scan3A_13 = arith.constant 0 : i32
    %scan3A_14 = arith.constant 0 : i32
    %scan3A_15 = arith.constant 128 : i32
    %scan3A_16 = arith.addi %scan3A_14, %scan3A_15 : i32
    %scan3A_17 = arith.constant 1 : i32
    scf.for %scan3A_51 = %scan3A_14 to %scan3A_16 step %scan3A_17  : i32 {
      %swap3A = arith.index_cast %scan3A_51 : i32 to index
      %swap3A_52 = arith.constant 0 : index
      %swap3A_53 = tpu.vector_load %arg6[%swap3A, %swap3A_52] {strides = array<i32>} : memref<128x128xf32, #tpu.memory_space<vmem>>, vector<1x16xf32>,
      %swap3A_54 = vector.shape_cast %swap3A_53 : vector<1x16xf32> to vector<16xf32>
      %swap3A_55 = vector.shape_cast %broadcast_in_dim3A_12 : vector<16xf32> to vector<1x16xf32>
      tpu.vector_store %arg6[%swap3A, %swap3A_52], %swap3A_55 {strides = array<i32>} : memref<128x128xf32, #tpu.memory_space<vmem>>, vector<1x16xf32>,
      %swap3A_56 = arith.index_cast %scan3A_51 : i32 to index
      %swap3A_57 = arith.constant 16 : index
      %swap3A_58 = tpu.vector_load %arg6[%swap3A_56, %swap3A_57] {strides = array<i32>} : memref<128x128xf32, #tpu.memory_space<vmem>>, vector<1x16xf32>,
      %swap3A_59 = vector.shape_cast %swap3A_58 : vector<1x16xf32> to vector<16xf32>
      %swap3A_60 = vector.shape_cast %broadcast_in_dim3A_12 : vector<16xf32> to vector<1x16xf32>
      tpu.vector_store %arg6[%swap3A_56, %swap3A_57], %swap3A_60 {strides = array<i32>} : memref<128x128xf32, #tpu.memory_space<vmem>>, vector<1x16xf32>,
      %swap3A_61 = arith.index_cast %scan3A_51 : i32 to index
      %swap3A_62 = arith.constant 32 : index
      %swap3A_63 = tpu.vector_load %arg6[%swap3A_61, %swap3A_62] {strides = array<i32>} : memref<128x128xf32, #tpu.memory_space<vmem>>, vector<1x16xf32>,
      %swap3A_64 = vector.shape_cast %swap3A_63 : vector<1x16xf32> to vector<16xf32>
      %swap3A_65 = vector.shape_cast %broadcast_in_dim3A_12 : vector<16xf32> to vector<1x16xf32>
      tpu.vector_store %arg6[%swap3A_61, %swap3A_62], %swap3A_65 {strides = array<i32>} : memref<128x128xf32, #tpu.memory_space<vmem>>, vector<1x16xf32>,
      %swap3A_66 = arith.index_cast %scan3A_51 : i32 to index
      %swap3A_67 = arith.constant 48 : index
      %swap3A_68 = tpu.vector_load %arg6[%swap3A_66, %swap3A_67] {strides = array<i32>} : memref<128x128xf32, #tpu.memory_space<vmem>>, vector<1x16xf32>,
      %swap3A_69 = vector.shape_cast %swap3A_68 : vector<1x16xf32> to vector<16xf32>
      %swap3A_70 = vector.shape_cast %broadcast_in_dim3A_12 : vector<16xf32> to vector<1x16xf32>
      tpu.vector_store %arg6[%swap3A_66, %swap3A_67], %swap3A_70 {strides = array<i32>} : memref<128x128xf32, #tpu.memory_space<vmem>>, vector<1x16xf32>,
      %swap3A_71 = arith.index_cast %scan3A_51 : i32 to index
      %swap3A_72 = arith.constant 64 : index
      %swap3A_73 = tpu.vector_load %arg6[%swap3A_71, %swap3A_72] {strides = array<i32>} : memref<128x128xf32, #tpu.memory_space<vmem>>, vector<1x16xf32>,
      %swap3A_74 = vector.shape_cast %swap3A_73 : vector<1x16xf32> to vector<16xf32>
      %swap3A_75 = vector.shape_cast %broadcast_in_dim3A_12 : vector<16xf32> to vector<1x16xf32>
      tpu.vector_store %arg6[%swap3A_71, %swap3A_72], %swap3A_75 {strides = array<i32>} : memref<128x128xf32, #tpu.memory_space<vmem>>, vector<1x16xf32>,
      %swap3A_76 = arith.index_cast %scan3A_51 : i32 to index
      %swap3A_77 = arith.constant 80 : index
      %swap3A_78 = tpu.vector_load %arg6[%swap3A_76, %swap3A_77] {strides = array<i32>} : memref<128x128xf32, #tpu.memory_space<vmem>>, vector<1x16xf32>,
      %swap3A_79 = vector.shape_cast %swap3A_78 : vector<1x16xf32> to vector<16xf32>
      %swap3A_80 = vector.shape_cast %broadcast_in_dim3A_12 : vector<16xf32> to vector<1x16xf32>
      tpu.vector_store %arg6[%swap3A_76, %swap3A_77], %swap3A_80 {strides = array<i32>} : memref<128x128xf32, #tpu.memory_space<vmem>>, vector<1x16xf32>,
      %swap3A_81 = arith.index_cast %scan3A_51 : i32 to index
      %swap3A_82 = arith.constant 96 : index
      %swap3A_83 = tpu.vector_load %arg6[%swap3A_81, %swap3A_82] {strides = array<i32>} : memref<128x128xf32, #tpu.memory_space<vmem>>, vector<1x16xf32>,
      %swap3A_84 = vector.shape_cast %swap3A_83 : vector<1x16xf32> to vector<16xf32>
      %swap3A_85 = vector.shape_cast %broadcast_in_dim3A_12 : vector<16xf32> to vector<1x16xf32>
      tpu.vector_store %arg6[%swap3A_81, %swap3A_82], %swap3A_85 {strides = array<i32>} : memref<128x128xf32, #tpu.memory_space<vmem>>, vector<1x16xf32>,
      %swap3A_86 = arith.index_cast %scan3A_51 : i32 to index
      %swap3A_87 = arith.constant 112 : index
      %swap3A_88 = tpu.vector_load %arg6[%swap3A_86, %swap3A_87] {strides = array<i32>} : memref<128x128xf32, #tpu.memory_space<vmem>>, vector<1x16xf32>,
      %swap3A_89 = vector.shape_cast %swap3A_88 : vector<1x16xf32> to vector<16xf32>
      %swap3A_90 = vector.shape_cast %broadcast_in_dim3A_12 : vector<16xf32> to vector<1x16xf32>
      tpu.vector_store %arg6[%swap3A_86, %swap3A_87], %swap3A_90 {strides = array<i32>} : memref<128x128xf32, #tpu.memory_space<vmem>>, vector<1x16xf32>,
    }
    %scan3A_18 = arith.constant 128 : i32
    %mul3A = arith.constant 640 : i32
    %mul3A_19 = arith.muli %arg1, %mul3A : i32
    %add3A = arith.constant 0 : i32
    %add3A_20 = arith.addi %mul3A_19, %add3A : i32
    "tpu.region"() ({
      %run_scoped3A = tpu.sem_alloc : memref<!tpu.dma_semaphore, #tpu.memory_space<semaphore_mem>>
      %dma_start3A = arith.constant 0 : i32
      %dma_start3A_51 = tpu.memref_slice %arg7[%add3A_20, %dma_start3A] : memref<10240x128xf32, #tpu.memory_space<vmem_shared>> -> memref<128x128xf32, #tpu.memory_space<vmem_shared>>
      %dma_start3A_52 = arith.constant 0 : i32
      %dma_start3A_53 = tpu.memref_slice %arg7[%add3A_20, %dma_start3A_52] : memref<10240x128xf32, #tpu.memory_space<vmem_shared>> -> memref<128x128xf32, #tpu.memory_space<vmem_shared>>
      tpu.enqueue_dma source(%arg6 : memref<128x128xf32, #tpu.memory_space<vmem>>) target(%dma_start3A_53 : memref<128x128xf32, #tpu.memory_space<vmem_shared>>) target_semaphore(%run_scoped3A : memref<!tpu.dma_semaphore, #tpu.memory_space<semaphore_mem>>)
      %dma_wait3A = arith.constant 0 : i32
      %dma_wait3A_54 = tpu.memref_slice %arg7[%add3A_20, %dma_wait3A] : memref<10240x128xf32, #tpu.memory_space<vmem_shared>> -> memref<128x128xf32, #tpu.memory_space<vmem_shared>>
      %dma_wait3A_55 = arith.constant 0 : i32
      %dma_wait3A_56 = tpu.memref_slice %arg7[%add3A_20, %dma_wait3A_55] : memref<10240x128xf32, #tpu.memory_space<vmem_shared>> -> memref<128x128xf32, #tpu.memory_space<vmem_shared>>
      tpu.wait_dma2 semaphore(%run_scoped3A : memref<!tpu.dma_semaphore, #tpu.memory_space<semaphore_mem>>) src(%arg6 : memref<128x128xf32, #tpu.memory_space<vmem>>) dst(%dma_wait3A_56 : memref<128x128xf32, #tpu.memory_space<vmem_shared>>)
      tpu.yield
    }) : () -> ()
    %mul3A_21 = arith.constant 640 : i32
    %mul3A_22 = arith.muli %arg1, %mul3A_21 : i32
    %add3A_23 = arith.constant 128 : i32
    %add3A_24 = arith.addi %mul3A_22, %add3A_23 : i32
    "tpu.region"() ({
      %run_scoped3A = tpu.sem_alloc : memref<!tpu.dma_semaphore, #tpu.memory_space<semaphore_mem>>
      %dma_start3A = arith.constant 0 : i32
      %dma_start3A_51 = tpu.memref_slice %arg7[%add3A_24, %dma_start3A] : memref<10240x128xf32, #tpu.memory_space<vmem_shared>> -> memref<128x128xf32, #tpu.memory_space<vmem_shared>>
      %dma_start3A_52 = arith.constant 0 : i32
      %dma_start3A_53 = tpu.memref_slice %arg7[%add3A_24, %dma_start3A_52] : memref<10240x128xf32, #tpu.memory_space<vmem_shared>> -> memref<128x128xf32, #tpu.memory_space<vmem_shared>>
      tpu.enqueue_dma source(%arg6 : memref<128x128xf32, #tpu.memory_space<vmem>>) target(%dma_start3A_53 : memref<128x128xf32, #tpu.memory_space<vmem_shared>>) target_semaphore(%run_scoped3A : memref<!tpu.dma_semaphore, #tpu.memory_space<semaphore_mem>>)
      %dma_wait3A = arith.constant 0 : i32
      %dma_wait3A_54 = tpu.memref_slice %arg7[%add3A_24, %dma_wait3A] : memref<10240x128xf32, #tpu.memory_space<vmem_shared>> -> memref<128x128xf32, #tpu.memory_space<vmem_shared>>
      %dma_wait3A_55 = arith.constant 0 : i32
      %dma_wait3A_56 = tpu.memref_slice %arg7[%add3A_24, %dma_wait3A_55] : memref<10240x128xf32, #tpu.memory_space<vmem_shared>> -> memref<128x128xf32, #tpu.memory_space<vmem_shared>>
      tpu.wait_dma2 semaphore(%run_scoped3A : memref<!tpu.dma_semaphore, #tpu.memory_space<semaphore_mem>>) src(%arg6 : memref<128x128xf32, #tpu.memory_space<vmem>>) dst(%dma_wait3A_56 : memref<128x128xf32, #tpu.memory_space<vmem_shared>>)
      tpu.yield
    }) : () -> ()
    %mul3A_25 = arith.constant 640 : i32
    %mul3A_26 = arith.muli %arg1, %mul3A_25 : i32
    %add3A_27 = arith.constant 256 : i32
    %add3A_28 = arith.addi %mul3A_26, %add3A_27 : i32
    "tpu.region"() ({
      %run_scoped3A = tpu.sem_alloc : memref<!tpu.dma_semaphore, #tpu.memory_space<semaphore_mem>>
      %dma_start3A = arith.constant 0 : i32
      %dma_start3A_51 = tpu.memref_slice %arg7[%add3A_28, %dma_start3A] : memref<10240x128xf32, #tpu.memory_space<vmem_shared>> -> memref<128x128xf32, #tpu.memory_space<vmem_shared>>
      %dma_start3A_52 = arith.constant 0 : i32
      %dma_start3A_53 = tpu.memref_slice %arg7[%add3A_28, %dma_start3A_52] : memref<10240x128xf32, #tpu.memory_space<vmem_shared>> -> memref<128x128xf32, #tpu.memory_space<vmem_shared>>
      tpu.enqueue_dma source(%arg6 : memref<128x128xf32, #tpu.memory_space<vmem>>) target(%dma_start3A_53 : memref<128x128xf32, #tpu.memory_space<vmem_shared>>) target_semaphore(%run_scoped3A : memref<!tpu.dma_semaphore, #tpu.memory_space<semaphore_mem>>)
      %dma_wait3A = arith.constant 0 : i32
      %dma_wait3A_54 = tpu.memref_slice %arg7[%add3A_28, %dma_wait3A] : memref<10240x128xf32, #tpu.memory_space<vmem_shared>> -> memref<128x128xf32, #tpu.memory_space<vmem_shared>>
      %dma_wait3A_55 = arith.constant 0 : i32
      %dma_wait3A_56 = tpu.memref_slice %arg7[%add3A_28, %dma_wait3A_55] : memref<10240x128xf32, #tpu.memory_space<vmem_shared>> -> memref<128x128xf32, #tpu.memory_space<vmem_shared>>
      tpu.wait_dma2 semaphore(%run_scoped3A : memref<!tpu.dma_semaphore, #tpu.memory_space<semaphore_mem>>) src(%arg6 : memref<128x128xf32, #tpu.memory_space<vmem>>) dst(%dma_wait3A_56 : memref<128x128xf32, #tpu.memory_space<vmem_shared>>)
      tpu.yield
    }) : () -> ()
    %mul3A_29 = arith.constant 640 : i32
    %mul3A_30 = arith.muli %arg1, %mul3A_29 : i32
    %add3A_31 = arith.constant 384 : i32
    %add3A_32 = arith.addi %mul3A_30, %add3A_31 : i32
    "tpu.region"() ({
      %run_scoped3A = tpu.sem_alloc : memref<!tpu.dma_semaphore, #tpu.memory_space<semaphore_mem>>
      %dma_start3A = arith.constant 0 : i32
      %dma_start3A_51 = tpu.memref_slice %arg7[%add3A_32, %dma_start3A] : memref<10240x128xf32, #tpu.memory_space<vmem_shared>> -> memref<128x128xf32, #tpu.memory_space<vmem_shared>>
      %dma_start3A_52 = arith.constant 0 : i32
      %dma_start3A_53 = tpu.memref_slice %arg7[%add3A_32, %dma_start3A_52] : memref<10240x128xf32, #tpu.memory_space<vmem_shared>> -> memref<128x128xf32, #tpu.memory_space<vmem_shared>>
      tpu.enqueue_dma source(%arg6 : memref<128x128xf32, #tpu.memory_space<vmem>>) target(%dma_start3A_53 : memref<128x128xf32, #tpu.memory_space<vmem_shared>>) target_semaphore(%run_scoped3A : memref<!tpu.dma_semaphore, #tpu.memory_space<semaphore_mem>>)
      %dma_wait3A = arith.constant 0 : i32
      %dma_wait3A_54 = tpu.memref_slice %arg7[%add3A_32, %dma_wait3A] : memref<10240x128xf32, #tpu.memory_space<vmem_shared>> -> memref<128x128xf32, #tpu.memory_space<vmem_shared>>
      %dma_wait3A_55 = arith.constant 0 : i32
      %dma_wait3A_56 = tpu.memref_slice %arg7[%add3A_32, %dma_wait3A_55] : memref<10240x128xf32, #tpu.memory_space<vmem_shared>> -> memref<128x128xf32, #tpu.memory_space<vmem_shared>>
      tpu.wait_dma2 semaphore(%run_scoped3A : memref<!tpu.dma_semaphore, #tpu.memory_space<semaphore_mem>>) src(%arg6 : memref<128x128xf32, #tpu.memory_space<vmem>>) dst(%dma_wait3A_56 : memref<128x128xf32, #tpu.memory_space<vmem_shared>>)
      tpu.yield
    }) : () -> ()
    %mul3A_33 = arith.constant 640 : i32
    %mul3A_34 = arith.muli %arg1, %mul3A_33 : i32
    %add3A_35 = arith.constant 512 : i32
    %add3A_36 = arith.addi %mul3A_34, %add3A_35 : i32
    "tpu.region"() ({
      %run_scoped3A = tpu.sem_alloc : memref<!tpu.dma_semaphore, #tpu.memory_space<semaphore_mem>>
      %dma_start3A = arith.constant 0 : i32
      %dma_start3A_51 = tpu.memref_slice %arg7[%add3A_36, %dma_start3A] : memref<10240x128xf32, #tpu.memory_space<vmem_shared>> -> memref<128x128xf32, #tpu.memory_space<vmem_shared>>
      %dma_start3A_52 = arith.constant 0 : i32
      %dma_start3A_53 = tpu.memref_slice %arg7[%add3A_36, %dma_start3A_52] : memref<10240x128xf32, #tpu.memory_space<vmem_shared>> -> memref<128x128xf32, #tpu.memory_space<vmem_shared>>
      tpu.enqueue_dma source(%arg6 : memref<128x128xf32, #tpu.memory_space<vmem>>) target(%dma_start3A_53 : memref<128x128xf32, #tpu.memory_space<vmem_shared>>) target_semaphore(%run_scoped3A : memref<!tpu.dma_semaphore, #tpu.memory_space<semaphore_mem>>)
      %dma_wait3A = arith.constant 0 : i32
      %dma_wait3A_54 = tpu.memref_slice %arg7[%add3A_36, %dma_wait3A] : memref<10240x128xf32, #tpu.memory_space<vmem_shared>> -> memref<128x128xf32, #tpu.memory_space<vmem_shared>>
      %dma_wait3A_55 = arith.constant 0 : i32
      %dma_wait3A_56 = tpu.memref_slice %arg7[%add3A_36, %dma_wait3A_55] : memref<10240x128xf32, #tpu.memory_space<vmem_shared>> -> memref<128x128xf32, #tpu.memory_space<vmem_shared>>
      tpu.wait_dma2 semaphore(%run_scoped3A : memref<!tpu.dma_semaphore, #tpu.memory_space<semaphore_mem>>) src(%arg6 : memref<128x128xf32, #tpu.memory_space<vmem>>) dst(%dma_wait3A_56 : memref<128x128xf32, #tpu.memory_space<vmem_shared>>)
      tpu.yield
    }) : () -> ()
    %barrier3A = arith.constant 0 : index
    tpu.barrier barrier_id(%barrier3A)
    %scan3A_37 = arith.constant 0 : i32
    %scan3A_38 = arith.constant 0 : i32
    %scan3A_39 = arith.constant 80 : i32
    %scan3A_40 = arith.addi %scan3A_38, %scan3A_39 : i32
    %scan3A_41 = arith.constant 1 : i32
    scf.for %scan3A_51 = %scan3A_38 to %scan3A_40 step %scan3A_41  : i32 {
      %mul3A_52 = arith.constant 16 : i32
      %mul3A_53 = arith.muli %arg0, %mul3A_52 : i32
      %add3A_54 = arith.addi %mul3A_53, %arg1 : i32
      %mul3A_55 = arith.constant 80 : i32
      %mul3A_56 = arith.muli %add3A_54, %mul3A_55 : i32
      %add3A_57 = arith.addi %mul3A_56, %scan3A_51 : i32
      %mul3A_58 = arith.constant 128 : i32
      %mul3A_59 = arith.muli %add3A_57, %mul3A_58 : i32
      "tpu.region"() ({
        %run_scoped3A = tpu.sem_alloc : memref<!tpu.dma_semaphore, #tpu.memory_space<semaphore_mem>>
        %dma_start3A = tpu.memref_slice %arg2[%mul3A_59] : memref<327680xi32, #tpu.memory_space<hbm>> -> memref<128xi32, #tpu.memory_space<hbm>>
        %dma_start3A_60 = tpu.memref_slice %arg2[%mul3A_59] : memref<327680xi32, #tpu.memory_space<hbm>> -> memref<128xi32, #tpu.memory_space<hbm>>
        tpu.enqueue_dma source(%dma_start3A_60 : memref<128xi32, #tpu.memory_space<hbm>>) target(%arg4 : memref<128xi32, #tpu.memory_space<vmem>>) target_semaphore(%run_scoped3A : memref<!tpu.dma_semaphore, #tpu.memory_space<semaphore_mem>>)
        %dma_wait3A = tpu.memref_slice %arg2[%mul3A_59] : memref<327680xi32, #tpu.memory_space<hbm>> -> memref<128xi32, #tpu.memory_space<hbm>>
        %dma_wait3A_61 = tpu.memref_slice %arg2[%mul3A_59] : memref<327680xi32, #tpu.memory_space<hbm>> -> memref<128xi32, #tpu.memory_space<hbm>>
        tpu.wait_dma2 semaphore(%run_scoped3A : memref<!tpu.dma_semaphore, #tpu.memory_space<semaphore_mem>>) src(%dma_wait3A_61 : memref<128xi32, #tpu.memory_space<hbm>>) dst(%arg4 : memref<128xi32, #tpu.memory_space<vmem>>)
        tpu.yield
      }) : () -> ()
      "tpu.region"() ({
        %run_scoped3A = tpu.sem_alloc : memref<!tpu.dma_semaphore, #tpu.memory_space<semaphore_mem>>
        %dma_start3A = arith.constant 0 : i32
        %dma_start3A_60 = arith.constant 0 : i32
        %dma_start3A_61 = tpu.memref_slice %arg7[%dma_start3A, %dma_start3A_60] : memref<10240x128xf32, #tpu.memory_space<vmem_shared>> -> memref<10240x128xf32, #tpu.memory_space<vmem_shared>>
        tpu.enqueue_indirect_dma source(%arg5 : memref<128x128xf32, #tpu.memory_space<vmem>>) target(%dma_start3A_61 : memref<10240x128xf32, #tpu.memory_space<vmem_shared>>) offsets(%arg4 : memref<128xi32, #tpu.memory_space<vmem>>) semaphore(%run_scoped3A : memref<!tpu.dma_semaphore, #tpu.memory_space<semaphore_mem>>) {add = true}
        %dma_wait3A = arith.constant 0 : i32
        %dma_wait3A_62 = arith.constant 0 : i32
        %dma_wait3A_63 = tpu.memref_slice %arg7[%dma_wait3A, %dma_wait3A_62] : memref<10240x128xf32, #tpu.memory_space<vmem_shared>> -> memref<10240x128xf32, #tpu.memory_space<vmem_shared>>
        tpu.wait_indirect_dma semaphore(%run_scoped3A : memref<!tpu.dma_semaphore, #tpu.memory_space<semaphore_mem>>) src(%arg5 : memref<128x128xf32, #tpu.memory_space<vmem>>) dst(%dma_wait3A_63 : memref<10240x128xf32, #tpu.memory_space<vmem_shared>>)
        tpu.yield
      }) : () -> ()
    }
    %scan3A_42 = arith.constant 80 : i32
    %barrier3A_43 = arith.constant 0 : index
    tpu.barrier barrier_id(%barrier3A_43)
    %mul3A_44 = arith.constant 640 : i32
    %mul3A_45 = arith.muli %arg1, %mul3A_44 : i32
    %mul3A_46 = arith.constant 10240 : i32
    %mul3A_47 = arith.muli %arg0, %mul3A_46 : i32
    %mul3A_48 = arith.constant 640 : i32
    %mul3A_49 = arith.muli %arg1, %mul3A_48 : i32
    %add3A_50 = arith.addi %mul3A_47, %mul3A_49 : i32
    "tpu.region"() ({
      %run_scoped3A = tpu.sem_alloc : memref<!tpu.dma_semaphore, #tpu.memory_space<semaphore_mem>>
      %dma_start3A = arith.constant 0 : i32
      %dma_start3A_51 = tpu.memref_slice %arg3[%add3A_50, %dma_start3A] : memref<20480x128xf32, #tpu.memory_space<hbm>> -> memref<640x128xf32, #tpu.memory_space<hbm>>
      %dma_start3A_52 = arith.constant 0 : i32
      %dma_start3A_53 = tpu.memref_slice %arg7[%mul3A_45, %dma_start3A_52] : memref<10240x128xf32, #tpu.memory_space<vmem_shared>> -> memref<640x128xf32, #tpu.memory_space<vmem_shared>>
      tpu.enqueue_dma source(%dma_start3A_53 : memref<640x128xf32, #tpu.memory_space<vmem_shared>>) target(%dma_start3A_51 : memref<640x128xf32, #tpu.memory_space<hbm>>) target_semaphore(%run_scoped3A : memref<!tpu.dma_semaphore, #tpu.memory_space<semaphore_mem>>)
      %dma_wait3A = arith.constant 0 : i32
      %dma_wait3A_54 = tpu.memref_slice %arg3[%add3A_50, %dma_wait3A] : memref<20480x128xf32, #tpu.memory_space<hbm>> -> memref<640x128xf32, #tpu.memory_space<hbm>>
      %dma_wait3A_55 = arith.constant 0 : i32
      %dma_wait3A_56 = tpu.memref_slice %arg7[%mul3A_45, %dma_wait3A_55] : memref<10240x128xf32, #tpu.memory_space<vmem_shared>> -> memref<640x128xf32, #tpu.memory_space<vmem_shared>>
      tpu.wait_dma2 semaphore(%run_scoped3A : memref<!tpu.dma_semaphore, #tpu.memory_space<semaphore_mem>>) src(%dma_wait3A_56 : memref<640x128xf32, #tpu.memory_space<vmem_shared>>) dst(%dma_wait3A_54 : memref<640x128xf32, #tpu.memory_space<hbm>>)
      tpu.yield
    }) : () -> ()
    return
  }
}

#map = affine_map<(d0, d1) -> (0, 0)>
#map1 = affine_map<(d0, d1) -> (0)>
module attributes {stable_mosaic.version = 14 : i64} {
  func.func @_sc_edge_agg(%arg0: i32, %arg1: i32, %arg2: memref<20480x128xf32, #tpu.memory_space<hbm>>, %arg3: memref<655360xi32, #tpu.memory_space<hbm>>, %arg4: memref<327680xi32, #tpu.memory_space<hbm>>, %arg5: memref<20480x128xf32, #tpu.memory_space<hbm>>, %arg6: memref<64xi32, #tpu.memory_space<vmem>>, %arg7: memref<64xi32, #tpu.memory_space<vmem>>, %arg8: memref<64xi32, #tpu.memory_space<vmem>>, %arg9: memref<64xi32, #tpu.memory_space<vmem>>, %arg10: memref<64xi32, #tpu.memory_space<vmem>>, %arg11: memref<64xi32, #tpu.memory_space<vmem>>, %arg12: memref<64xi32, #tpu.memory_space<vmem>>, %arg13: memref<64xi32, #tpu.memory_space<vmem>>, %arg14: memref<64xi32, #tpu.memory_space<vmem>>, %arg15: memref<64xi32, #tpu.memory_space<vmem>>, %arg16: memref<64x128xf32, #tpu.memory_space<vmem>>, %arg17: memref<64x128xf32, #tpu.memory_space<vmem>>, %arg18: memref<64x128xf32, #tpu.memory_space<vmem>>, %arg19: memref<64x128xf32, #tpu.memory_space<vmem>>, %arg20: memref<64x128xf32, #tpu.memory_space<vmem>>, %arg21: memref<10240x128xf32, #tpu.memory_space<vmem_shared>>, %arg22: memref<!tpu.dma_semaphore, #tpu.memory_space<semaphore_mem>>, %arg23: memref<!tpu.dma_semaphore, #tpu.memory_space<semaphore_mem>>, %arg24: memref<!tpu.dma_semaphore, #tpu.memory_space<semaphore_mem>>, %arg25: memref<!tpu.dma_semaphore, #tpu.memory_space<semaphore_mem>>, %arg26: memref<!tpu.dma_semaphore, #tpu.memory_space<semaphore_mem>>, %arg27: memref<!tpu.dma_semaphore, #tpu.memory_space<semaphore_mem>>, %arg28: memref<!tpu.dma_semaphore, #tpu.memory_space<semaphore_mem>>, %arg29: memref<!tpu.dma_semaphore, #tpu.memory_space<semaphore_mem>>, %arg30: memref<!tpu.dma_semaphore, #tpu.memory_space<semaphore_mem>>, %arg31: memref<!tpu.dma_semaphore, #tpu.memory_space<semaphore_mem>>) attributes {dimension_semantics = [#tpu.dimension_semantics<core_parallel>, #tpu.dimension_semantics<subcore_parallel>], iteration_bounds = array<i64: 2, 16>, scalar_prefetch = 0 : i64, scratch_operands = 26 : i64, tpu.core_type = #tpu.core_type<sc_vector_subcore>, window_params = [{transform_indices = #map}, {transform_indices = #map1}, {transform_indices = #map1}, {transform_indices = #map}]} {
    %broadcast_in_dim3A = arith.constant 0.000000e+00 : f32
    %broadcast_in_dim3A_0 = vector.broadcast %broadcast_in_dim3A : f32 to vector<16xf32>
    %scan3A = arith.constant 0 : i32
    %scan3A_1 = arith.constant 0 : i32
    %scan3A_2 = arith.constant 64 : i32
    %scan3A_3 = arith.addi %scan3A_1, %scan3A_2 : i32
    %scan3A_4 = arith.constant 1 : i32
    scf.for %scan3A_95 = %scan3A_1 to %scan3A_3 step %scan3A_4  : i32 {
      %swap3A = arith.index_cast %scan3A_95 : i32 to index
      %swap3A_96 = arith.constant 0 : index
      %swap3A_97 = tpu.vector_load %arg16[%swap3A, %swap3A_96] {strides = array<i32>} : memref<64x128xf32, #tpu.memory_space<vmem>>, vector<1x16xf32>,
      %swap3A_98 = vector.shape_cast %swap3A_97 : vector<1x16xf32> to vector<16xf32>
      %swap3A_99 = vector.shape_cast %broadcast_in_dim3A_0 : vector<16xf32> to vector<1x16xf32>
      tpu.vector_store %arg16[%swap3A, %swap3A_96], %swap3A_99 {strides = array<i32>} : memref<64x128xf32, #tpu.memory_space<vmem>>, vector<1x16xf32>,
      %swap3A_100 = arith.index_cast %scan3A_95 : i32 to index
      %swap3A_101 = arith.constant 16 : index
      %swap3A_102 = tpu.vector_load %arg16[%swap3A_100, %swap3A_101] {strides = array<i32>} : memref<64x128xf32, #tpu.memory_space<vmem>>, vector<1x16xf32>,
      %swap3A_103 = vector.shape_cast %swap3A_102 : vector<1x16xf32> to vector<16xf32>
      %swap3A_104 = vector.shape_cast %broadcast_in_dim3A_0 : vector<16xf32> to vector<1x16xf32>
      tpu.vector_store %arg16[%swap3A_100, %swap3A_101], %swap3A_104 {strides = array<i32>} : memref<64x128xf32, #tpu.memory_space<vmem>>, vector<1x16xf32>,
      %swap3A_105 = arith.index_cast %scan3A_95 : i32 to index
      %swap3A_106 = arith.constant 32 : index
      %swap3A_107 = tpu.vector_load %arg16[%swap3A_105, %swap3A_106] {strides = array<i32>} : memref<64x128xf32, #tpu.memory_space<vmem>>, vector<1x16xf32>,
      %swap3A_108 = vector.shape_cast %swap3A_107 : vector<1x16xf32> to vector<16xf32>
      %swap3A_109 = vector.shape_cast %broadcast_in_dim3A_0 : vector<16xf32> to vector<1x16xf32>
      tpu.vector_store %arg16[%swap3A_105, %swap3A_106], %swap3A_109 {strides = array<i32>} : memref<64x128xf32, #tpu.memory_space<vmem>>, vector<1x16xf32>,
      %swap3A_110 = arith.index_cast %scan3A_95 : i32 to index
      %swap3A_111 = arith.constant 48 : index
      %swap3A_112 = tpu.vector_load %arg16[%swap3A_110, %swap3A_111] {strides = array<i32>} : memref<64x128xf32, #tpu.memory_space<vmem>>, vector<1x16xf32>,
      %swap3A_113 = vector.shape_cast %swap3A_112 : vector<1x16xf32> to vector<16xf32>
      %swap3A_114 = vector.shape_cast %broadcast_in_dim3A_0 : vector<16xf32> to vector<1x16xf32>
      tpu.vector_store %arg16[%swap3A_110, %swap3A_111], %swap3A_114 {strides = array<i32>} : memref<64x128xf32, #tpu.memory_space<vmem>>, vector<1x16xf32>,
      %swap3A_115 = arith.index_cast %scan3A_95 : i32 to index
      %swap3A_116 = arith.constant 64 : index
      %swap3A_117 = tpu.vector_load %arg16[%swap3A_115, %swap3A_116] {strides = array<i32>} : memref<64x128xf32, #tpu.memory_space<vmem>>, vector<1x16xf32>,
      %swap3A_118 = vector.shape_cast %swap3A_117 : vector<1x16xf32> to vector<16xf32>
      %swap3A_119 = vector.shape_cast %broadcast_in_dim3A_0 : vector<16xf32> to vector<1x16xf32>
      tpu.vector_store %arg16[%swap3A_115, %swap3A_116], %swap3A_119 {strides = array<i32>} : memref<64x128xf32, #tpu.memory_space<vmem>>, vector<1x16xf32>,
      %swap3A_120 = arith.index_cast %scan3A_95 : i32 to index
      %swap3A_121 = arith.constant 80 : index
      %swap3A_122 = tpu.vector_load %arg16[%swap3A_120, %swap3A_121] {strides = array<i32>} : memref<64x128xf32, #tpu.memory_space<vmem>>, vector<1x16xf32>,
      %swap3A_123 = vector.shape_cast %swap3A_122 : vector<1x16xf32> to vector<16xf32>
      %swap3A_124 = vector.shape_cast %broadcast_in_dim3A_0 : vector<16xf32> to vector<1x16xf32>
      tpu.vector_store %arg16[%swap3A_120, %swap3A_121], %swap3A_124 {strides = array<i32>} : memref<64x128xf32, #tpu.memory_space<vmem>>, vector<1x16xf32>,
      %swap3A_125 = arith.index_cast %scan3A_95 : i32 to index
      %swap3A_126 = arith.constant 96 : index
      %swap3A_127 = tpu.vector_load %arg16[%swap3A_125, %swap3A_126] {strides = array<i32>} : memref<64x128xf32, #tpu.memory_space<vmem>>, vector<1x16xf32>,
      %swap3A_128 = vector.shape_cast %swap3A_127 : vector<1x16xf32> to vector<16xf32>
      %swap3A_129 = vector.shape_cast %broadcast_in_dim3A_0 : vector<16xf32> to vector<1x16xf32>
      tpu.vector_store %arg16[%swap3A_125, %swap3A_126], %swap3A_129 {strides = array<i32>} : memref<64x128xf32, #tpu.memory_space<vmem>>, vector<1x16xf32>,
      %swap3A_130 = arith.index_cast %scan3A_95 : i32 to index
      %swap3A_131 = arith.constant 112 : index
      %swap3A_132 = tpu.vector_load %arg16[%swap3A_130, %swap3A_131] {strides = array<i32>} : memref<64x128xf32, #tpu.memory_space<vmem>>, vector<1x16xf32>,
      %swap3A_133 = vector.shape_cast %swap3A_132 : vector<1x16xf32> to vector<16xf32>
      %swap3A_134 = vector.shape_cast %broadcast_in_dim3A_0 : vector<16xf32> to vector<1x16xf32>
      tpu.vector_store %arg16[%swap3A_130, %swap3A_131], %swap3A_134 {strides = array<i32>} : memref<64x128xf32, #tpu.memory_space<vmem>>, vector<1x16xf32>,
    }
    %scan3A_5 = arith.constant 64 : i32
    %mul3A = arith.constant 640 : i32
    %mul3A_6 = arith.muli %arg1, %mul3A : i32
    %add3A = arith.constant 0 : i32
    %add3A_7 = arith.addi %mul3A_6, %add3A : i32
    "tpu.region"() ({
      %run_scoped3A = tpu.sem_alloc : memref<!tpu.dma_semaphore, #tpu.memory_space<semaphore_mem>>
      %dma_start3A_95 = arith.constant 0 : i32
      %dma_start3A_96 = tpu.memref_slice %arg21[%add3A_7, %dma_start3A_95] : memref<10240x128xf32, #tpu.memory_space<vmem_shared>> -> memref<64x128xf32, #tpu.memory_space<vmem_shared>>
      %dma_start3A_97 = arith.constant 0 : i32
      %dma_start3A_98 = tpu.memref_slice %arg21[%add3A_7, %dma_start3A_97] : memref<10240x128xf32, #tpu.memory_space<vmem_shared>> -> memref<64x128xf32, #tpu.memory_space<vmem_shared>>
      tpu.enqueue_dma source(%arg16 : memref<64x128xf32, #tpu.memory_space<vmem>>) target(%dma_start3A_98 : memref<64x128xf32, #tpu.memory_space<vmem_shared>>) target_semaphore(%run_scoped3A : memref<!tpu.dma_semaphore, #tpu.memory_space<semaphore_mem>>)
      %dma_wait3A_99 = arith.constant 0 : i32
      %dma_wait3A_100 = tpu.memref_slice %arg21[%add3A_7, %dma_wait3A_99] : memref<10240x128xf32, #tpu.memory_space<vmem_shared>> -> memref<64x128xf32, #tpu.memory_space<vmem_shared>>
      %dma_wait3A_101 = arith.constant 0 : i32
      %dma_wait3A_102 = tpu.memref_slice %arg21[%add3A_7, %dma_wait3A_101] : memref<10240x128xf32, #tpu.memory_space<vmem_shared>> -> memref<64x128xf32, #tpu.memory_space<vmem_shared>>
      tpu.wait_dma2 semaphore(%run_scoped3A : memref<!tpu.dma_semaphore, #tpu.memory_space<semaphore_mem>>) src(%arg16 : memref<64x128xf32, #tpu.memory_space<vmem>>) dst(%dma_wait3A_102 : memref<64x128xf32, #tpu.memory_space<vmem_shared>>)
      tpu.yield
    }) : () -> ()
    %mul3A_8 = arith.constant 640 : i32
    %mul3A_9 = arith.muli %arg1, %mul3A_8 : i32
    %add3A_10 = arith.constant 64 : i32
    %add3A_11 = arith.addi %mul3A_9, %add3A_10 : i32
    "tpu.region"() ({
      %run_scoped3A = tpu.sem_alloc : memref<!tpu.dma_semaphore, #tpu.memory_space<semaphore_mem>>
      %dma_start3A_95 = arith.constant 0 : i32
      %dma_start3A_96 = tpu.memref_slice %arg21[%add3A_11, %dma_start3A_95] : memref<10240x128xf32, #tpu.memory_space<vmem_shared>> -> memref<64x128xf32, #tpu.memory_space<vmem_shared>>
      %dma_start3A_97 = arith.constant 0 : i32
      %dma_start3A_98 = tpu.memref_slice %arg21[%add3A_11, %dma_start3A_97] : memref<10240x128xf32, #tpu.memory_space<vmem_shared>> -> memref<64x128xf32, #tpu.memory_space<vmem_shared>>
      tpu.enqueue_dma source(%arg16 : memref<64x128xf32, #tpu.memory_space<vmem>>) target(%dma_start3A_98 : memref<64x128xf32, #tpu.memory_space<vmem_shared>>) target_semaphore(%run_scoped3A : memref<!tpu.dma_semaphore, #tpu.memory_space<semaphore_mem>>)
      %dma_wait3A_99 = arith.constant 0 : i32
      %dma_wait3A_100 = tpu.memref_slice %arg21[%add3A_11, %dma_wait3A_99] : memref<10240x128xf32, #tpu.memory_space<vmem_shared>> -> memref<64x128xf32, #tpu.memory_space<vmem_shared>>
      %dma_wait3A_101 = arith.constant 0 : i32
      %dma_wait3A_102 = tpu.memref_slice %arg21[%add3A_11, %dma_wait3A_101] : memref<10240x128xf32, #tpu.memory_space<vmem_shared>> -> memref<64x128xf32, #tpu.memory_space<vmem_shared>>
      tpu.wait_dma2 semaphore(%run_scoped3A : memref<!tpu.dma_semaphore, #tpu.memory_space<semaphore_mem>>) src(%arg16 : memref<64x128xf32, #tpu.memory_space<vmem>>) dst(%dma_wait3A_102 : memref<64x128xf32, #tpu.memory_space<vmem_shared>>)
      tpu.yield
    }) : () -> ()
    %mul3A_12 = arith.constant 640 : i32
    %mul3A_13 = arith.muli %arg1, %mul3A_12 : i32
    %add3A_14 = arith.constant 128 : i32
    %add3A_15 = arith.addi %mul3A_13, %add3A_14 : i32
    "tpu.region"() ({
      %run_scoped3A = tpu.sem_alloc : memref<!tpu.dma_semaphore, #tpu.memory_space<semaphore_mem>>
      %dma_start3A_95 = arith.constant 0 : i32
      %dma_start3A_96 = tpu.memref_slice %arg21[%add3A_15, %dma_start3A_95] : memref<10240x128xf32, #tpu.memory_space<vmem_shared>> -> memref<64x128xf32, #tpu.memory_space<vmem_shared>>
      %dma_start3A_97 = arith.constant 0 : i32
      %dma_start3A_98 = tpu.memref_slice %arg21[%add3A_15, %dma_start3A_97] : memref<10240x128xf32, #tpu.memory_space<vmem_shared>> -> memref<64x128xf32, #tpu.memory_space<vmem_shared>>
      tpu.enqueue_dma source(%arg16 : memref<64x128xf32, #tpu.memory_space<vmem>>) target(%dma_start3A_98 : memref<64x128xf32, #tpu.memory_space<vmem_shared>>) target_semaphore(%run_scoped3A : memref<!tpu.dma_semaphore, #tpu.memory_space<semaphore_mem>>)
      %dma_wait3A_99 = arith.constant 0 : i32
      %dma_wait3A_100 = tpu.memref_slice %arg21[%add3A_15, %dma_wait3A_99] : memref<10240x128xf32, #tpu.memory_space<vmem_shared>> -> memref<64x128xf32, #tpu.memory_space<vmem_shared>>
      %dma_wait3A_101 = arith.constant 0 : i32
      %dma_wait3A_102 = tpu.memref_slice %arg21[%add3A_15, %dma_wait3A_101] : memref<10240x128xf32, #tpu.memory_space<vmem_shared>> -> memref<64x128xf32, #tpu.memory_space<vmem_shared>>
      tpu.wait_dma2 semaphore(%run_scoped3A : memref<!tpu.dma_semaphore, #tpu.memory_space<semaphore_mem>>) src(%arg16 : memref<64x128xf32, #tpu.memory_space<vmem>>) dst(%dma_wait3A_102 : memref<64x128xf32, #tpu.memory_space<vmem_shared>>)
      tpu.yield
    }) : () -> ()
    %mul3A_16 = arith.constant 640 : i32
    %mul3A_17 = arith.muli %arg1, %mul3A_16 : i32
    %add3A_18 = arith.constant 192 : i32
    %add3A_19 = arith.addi %mul3A_17, %add3A_18 : i32
    "tpu.region"() ({
      %run_scoped3A = tpu.sem_alloc : memref<!tpu.dma_semaphore, #tpu.memory_space<semaphore_mem>>
      %dma_start3A_95 = arith.constant 0 : i32
      %dma_start3A_96 = tpu.memref_slice %arg21[%add3A_19, %dma_start3A_95] : memref<10240x128xf32, #tpu.memory_space<vmem_shared>> -> memref<64x128xf32, #tpu.memory_space<vmem_shared>>
      %dma_start3A_97 = arith.constant 0 : i32
      %dma_start3A_98 = tpu.memref_slice %arg21[%add3A_19, %dma_start3A_97] : memref<10240x128xf32, #tpu.memory_space<vmem_shared>> -> memref<64x128xf32, #tpu.memory_space<vmem_shared>>
      tpu.enqueue_dma source(%arg16 : memref<64x128xf32, #tpu.memory_space<vmem>>) target(%dma_start3A_98 : memref<64x128xf32, #tpu.memory_space<vmem_shared>>) target_semaphore(%run_scoped3A : memref<!tpu.dma_semaphore, #tpu.memory_space<semaphore_mem>>)
      %dma_wait3A_99 = arith.constant 0 : i32
      %dma_wait3A_100 = tpu.memref_slice %arg21[%add3A_19, %dma_wait3A_99] : memref<10240x128xf32, #tpu.memory_space<vmem_shared>> -> memref<64x128xf32, #tpu.memory_space<vmem_shared>>
      %dma_wait3A_101 = arith.constant 0 : i32
      %dma_wait3A_102 = tpu.memref_slice %arg21[%add3A_19, %dma_wait3A_101] : memref<10240x128xf32, #tpu.memory_space<vmem_shared>> -> memref<64x128xf32, #tpu.memory_space<vmem_shared>>
      tpu.wait_dma2 semaphore(%run_scoped3A : memref<!tpu.dma_semaphore, #tpu.memory_space<semaphore_mem>>) src(%arg16 : memref<64x128xf32, #tpu.memory_space<vmem>>) dst(%dma_wait3A_102 : memref<64x128xf32, #tpu.memory_space<vmem_shared>>)
      tpu.yield
    }) : () -> ()
    %mul3A_20 = arith.constant 640 : i32
    %mul3A_21 = arith.muli %arg1, %mul3A_20 : i32
    %add3A_22 = arith.constant 256 : i32
    %add3A_23 = arith.addi %mul3A_21, %add3A_22 : i32
    "tpu.region"() ({
      %run_scoped3A = tpu.sem_alloc : memref<!tpu.dma_semaphore, #tpu.memory_space<semaphore_mem>>
      %dma_start3A_95 = arith.constant 0 : i32
      %dma_start3A_96 = tpu.memref_slice %arg21[%add3A_23, %dma_start3A_95] : memref<10240x128xf32, #tpu.memory_space<vmem_shared>> -> memref<64x128xf32, #tpu.memory_space<vmem_shared>>
      %dma_start3A_97 = arith.constant 0 : i32
      %dma_start3A_98 = tpu.memref_slice %arg21[%add3A_23, %dma_start3A_97] : memref<10240x128xf32, #tpu.memory_space<vmem_shared>> -> memref<64x128xf32, #tpu.memory_space<vmem_shared>>
      tpu.enqueue_dma source(%arg16 : memref<64x128xf32, #tpu.memory_space<vmem>>) target(%dma_start3A_98 : memref<64x128xf32, #tpu.memory_space<vmem_shared>>) target_semaphore(%run_scoped3A : memref<!tpu.dma_semaphore, #tpu.memory_space<semaphore_mem>>)
      %dma_wait3A_99 = arith.constant 0 : i32
      %dma_wait3A_100 = tpu.memref_slice %arg21[%add3A_23, %dma_wait3A_99] : memref<10240x128xf32, #tpu.memory_space<vmem_shared>> -> memref<64x128xf32, #tpu.memory_space<vmem_shared>>
      %dma_wait3A_101 = arith.constant 0 : i32
      %dma_wait3A_102 = tpu.memref_slice %arg21[%add3A_23, %dma_wait3A_101] : memref<10240x128xf32, #tpu.memory_space<vmem_shared>> -> memref<64x128xf32, #tpu.memory_space<vmem_shared>>
      tpu.wait_dma2 semaphore(%run_scoped3A : memref<!tpu.dma_semaphore, #tpu.memory_space<semaphore_mem>>) src(%arg16 : memref<64x128xf32, #tpu.memory_space<vmem>>) dst(%dma_wait3A_102 : memref<64x128xf32, #tpu.memory_space<vmem_shared>>)
      tpu.yield
    }) : () -> ()
    %mul3A_24 = arith.constant 640 : i32
    %mul3A_25 = arith.muli %arg1, %mul3A_24 : i32
    %add3A_26 = arith.constant 320 : i32
    %add3A_27 = arith.addi %mul3A_25, %add3A_26 : i32
    "tpu.region"() ({
      %run_scoped3A = tpu.sem_alloc : memref<!tpu.dma_semaphore, #tpu.memory_space<semaphore_mem>>
      %dma_start3A_95 = arith.constant 0 : i32
      %dma_start3A_96 = tpu.memref_slice %arg21[%add3A_27, %dma_start3A_95] : memref<10240x128xf32, #tpu.memory_space<vmem_shared>> -> memref<64x128xf32, #tpu.memory_space<vmem_shared>>
      %dma_start3A_97 = arith.constant 0 : i32
      %dma_start3A_98 = tpu.memref_slice %arg21[%add3A_27, %dma_start3A_97] : memref<10240x128xf32, #tpu.memory_space<vmem_shared>> -> memref<64x128xf32, #tpu.memory_space<vmem_shared>>
      tpu.enqueue_dma source(%arg16 : memref<64x128xf32, #tpu.memory_space<vmem>>) target(%dma_start3A_98 : memref<64x128xf32, #tpu.memory_space<vmem_shared>>) target_semaphore(%run_scoped3A : memref<!tpu.dma_semaphore, #tpu.memory_space<semaphore_mem>>)
      %dma_wait3A_99 = arith.constant 0 : i32
      %dma_wait3A_100 = tpu.memref_slice %arg21[%add3A_27, %dma_wait3A_99] : memref<10240x128xf32, #tpu.memory_space<vmem_shared>> -> memref<64x128xf32, #tpu.memory_space<vmem_shared>>
      %dma_wait3A_101 = arith.constant 0 : i32
      %dma_wait3A_102 = tpu.memref_slice %arg21[%add3A_27, %dma_wait3A_101] : memref<10240x128xf32, #tpu.memory_space<vmem_shared>> -> memref<64x128xf32, #tpu.memory_space<vmem_shared>>
      tpu.wait_dma2 semaphore(%run_scoped3A : memref<!tpu.dma_semaphore, #tpu.memory_space<semaphore_mem>>) src(%arg16 : memref<64x128xf32, #tpu.memory_space<vmem>>) dst(%dma_wait3A_102 : memref<64x128xf32, #tpu.memory_space<vmem_shared>>)
      tpu.yield
    }) : () -> ()
    %mul3A_28 = arith.constant 640 : i32
    %mul3A_29 = arith.muli %arg1, %mul3A_28 : i32
    %add3A_30 = arith.constant 384 : i32
    %add3A_31 = arith.addi %mul3A_29, %add3A_30 : i32
    "tpu.region"() ({
      %run_scoped3A = tpu.sem_alloc : memref<!tpu.dma_semaphore, #tpu.memory_space<semaphore_mem>>
      %dma_start3A_95 = arith.constant 0 : i32
      %dma_start3A_96 = tpu.memref_slice %arg21[%add3A_31, %dma_start3A_95] : memref<10240x128xf32, #tpu.memory_space<vmem_shared>> -> memref<64x128xf32, #tpu.memory_space<vmem_shared>>
      %dma_start3A_97 = arith.constant 0 : i32
      %dma_start3A_98 = tpu.memref_slice %arg21[%add3A_31, %dma_start3A_97] : memref<10240x128xf32, #tpu.memory_space<vmem_shared>> -> memref<64x128xf32, #tpu.memory_space<vmem_shared>>
      tpu.enqueue_dma source(%arg16 : memref<64x128xf32, #tpu.memory_space<vmem>>) target(%dma_start3A_98 : memref<64x128xf32, #tpu.memory_space<vmem_shared>>) target_semaphore(%run_scoped3A : memref<!tpu.dma_semaphore, #tpu.memory_space<semaphore_mem>>)
      %dma_wait3A_99 = arith.constant 0 : i32
      %dma_wait3A_100 = tpu.memref_slice %arg21[%add3A_31, %dma_wait3A_99] : memref<10240x128xf32, #tpu.memory_space<vmem_shared>> -> memref<64x128xf32, #tpu.memory_space<vmem_shared>>
      %dma_wait3A_101 = arith.constant 0 : i32
      %dma_wait3A_102 = tpu.memref_slice %arg21[%add3A_31, %dma_wait3A_101] : memref<10240x128xf32, #tpu.memory_space<vmem_shared>> -> memref<64x128xf32, #tpu.memory_space<vmem_shared>>
      tpu.wait_dma2 semaphore(%run_scoped3A : memref<!tpu.dma_semaphore, #tpu.memory_space<semaphore_mem>>) src(%arg16 : memref<64x128xf32, #tpu.memory_space<vmem>>) dst(%dma_wait3A_102 : memref<64x128xf32, #tpu.memory_space<vmem_shared>>)
      tpu.yield
    }) : () -> ()
    %mul3A_32 = arith.constant 640 : i32
    %mul3A_33 = arith.muli %arg1, %mul3A_32 : i32
    %add3A_34 = arith.constant 448 : i32
    %add3A_35 = arith.addi %mul3A_33, %add3A_34 : i32
    "tpu.region"() ({
      %run_scoped3A = tpu.sem_alloc : memref<!tpu.dma_semaphore, #tpu.memory_space<semaphore_mem>>
      %dma_start3A_95 = arith.constant 0 : i32
      %dma_start3A_96 = tpu.memref_slice %arg21[%add3A_35, %dma_start3A_95] : memref<10240x128xf32, #tpu.memory_space<vmem_shared>> -> memref<64x128xf32, #tpu.memory_space<vmem_shared>>
      %dma_start3A_97 = arith.constant 0 : i32
      %dma_start3A_98 = tpu.memref_slice %arg21[%add3A_35, %dma_start3A_97] : memref<10240x128xf32, #tpu.memory_space<vmem_shared>> -> memref<64x128xf32, #tpu.memory_space<vmem_shared>>
      tpu.enqueue_dma source(%arg16 : memref<64x128xf32, #tpu.memory_space<vmem>>) target(%dma_start3A_98 : memref<64x128xf32, #tpu.memory_space<vmem_shared>>) target_semaphore(%run_scoped3A : memref<!tpu.dma_semaphore, #tpu.memory_space<semaphore_mem>>)
      %dma_wait3A_99 = arith.constant 0 : i32
      %dma_wait3A_100 = tpu.memref_slice %arg21[%add3A_35, %dma_wait3A_99] : memref<10240x128xf32, #tpu.memory_space<vmem_shared>> -> memref<64x128xf32, #tpu.memory_space<vmem_shared>>
      %dma_wait3A_101 = arith.constant 0 : i32
      %dma_wait3A_102 = tpu.memref_slice %arg21[%add3A_35, %dma_wait3A_101] : memref<10240x128xf32, #tpu.memory_space<vmem_shared>> -> memref<64x128xf32, #tpu.memory_space<vmem_shared>>
      tpu.wait_dma2 semaphore(%run_scoped3A : memref<!tpu.dma_semaphore, #tpu.memory_space<semaphore_mem>>) src(%arg16 : memref<64x128xf32, #tpu.memory_space<vmem>>) dst(%dma_wait3A_102 : memref<64x128xf32, #tpu.memory_space<vmem_shared>>)
      tpu.yield
    }) : () -> ()
    %mul3A_36 = arith.constant 640 : i32
    %mul3A_37 = arith.muli %arg1, %mul3A_36 : i32
    %add3A_38 = arith.constant 512 : i32
    %add3A_39 = arith.addi %mul3A_37, %add3A_38 : i32
    "tpu.region"() ({
      %run_scoped3A = tpu.sem_alloc : memref<!tpu.dma_semaphore, #tpu.memory_space<semaphore_mem>>
      %dma_start3A_95 = arith.constant 0 : i32
      %dma_start3A_96 = tpu.memref_slice %arg21[%add3A_39, %dma_start3A_95] : memref<10240x128xf32, #tpu.memory_space<vmem_shared>> -> memref<64x128xf32, #tpu.memory_space<vmem_shared>>
      %dma_start3A_97 = arith.constant 0 : i32
      %dma_start3A_98 = tpu.memref_slice %arg21[%add3A_39, %dma_start3A_97] : memref<10240x128xf32, #tpu.memory_space<vmem_shared>> -> memref<64x128xf32, #tpu.memory_space<vmem_shared>>
      tpu.enqueue_dma source(%arg16 : memref<64x128xf32, #tpu.memory_space<vmem>>) target(%dma_start3A_98 : memref<64x128xf32, #tpu.memory_space<vmem_shared>>) target_semaphore(%run_scoped3A : memref<!tpu.dma_semaphore, #tpu.memory_space<semaphore_mem>>)
      %dma_wait3A_99 = arith.constant 0 : i32
      %dma_wait3A_100 = tpu.memref_slice %arg21[%add3A_39, %dma_wait3A_99] : memref<10240x128xf32, #tpu.memory_space<vmem_shared>> -> memref<64x128xf32, #tpu.memory_space<vmem_shared>>
      %dma_wait3A_101 = arith.constant 0 : i32
      %dma_wait3A_102 = tpu.memref_slice %arg21[%add3A_39, %dma_wait3A_101] : memref<10240x128xf32, #tpu.memory_space<vmem_shared>> -> memref<64x128xf32, #tpu.memory_space<vmem_shared>>
      tpu.wait_dma2 semaphore(%run_scoped3A : memref<!tpu.dma_semaphore, #tpu.memory_space<semaphore_mem>>) src(%arg16 : memref<64x128xf32, #tpu.memory_space<vmem>>) dst(%dma_wait3A_102 : memref<64x128xf32, #tpu.memory_space<vmem_shared>>)
      tpu.yield
    }) : () -> ()
    %mul3A_40 = arith.constant 640 : i32
    %mul3A_41 = arith.muli %arg1, %mul3A_40 : i32
    %add3A_42 = arith.constant 576 : i32
    %add3A_43 = arith.addi %mul3A_41, %add3A_42 : i32
    "tpu.region"() ({
      %run_scoped3A = tpu.sem_alloc : memref<!tpu.dma_semaphore, #tpu.memory_space<semaphore_mem>>
      %dma_start3A_95 = arith.constant 0 : i32
      %dma_start3A_96 = tpu.memref_slice %arg21[%add3A_43, %dma_start3A_95] : memref<10240x128xf32, #tpu.memory_space<vmem_shared>> -> memref<64x128xf32, #tpu.memory_space<vmem_shared>>
      %dma_start3A_97 = arith.constant 0 : i32
      %dma_start3A_98 = tpu.memref_slice %arg21[%add3A_43, %dma_start3A_97] : memref<10240x128xf32, #tpu.memory_space<vmem_shared>> -> memref<64x128xf32, #tpu.memory_space<vmem_shared>>
      tpu.enqueue_dma source(%arg16 : memref<64x128xf32, #tpu.memory_space<vmem>>) target(%dma_start3A_98 : memref<64x128xf32, #tpu.memory_space<vmem_shared>>) target_semaphore(%run_scoped3A : memref<!tpu.dma_semaphore, #tpu.memory_space<semaphore_mem>>)
      %dma_wait3A_99 = arith.constant 0 : i32
      %dma_wait3A_100 = tpu.memref_slice %arg21[%add3A_43, %dma_wait3A_99] : memref<10240x128xf32, #tpu.memory_space<vmem_shared>> -> memref<64x128xf32, #tpu.memory_space<vmem_shared>>
      %dma_wait3A_101 = arith.constant 0 : i32
      %dma_wait3A_102 = tpu.memref_slice %arg21[%add3A_43, %dma_wait3A_101] : memref<10240x128xf32, #tpu.memory_space<vmem_shared>> -> memref<64x128xf32, #tpu.memory_space<vmem_shared>>
      tpu.wait_dma2 semaphore(%run_scoped3A : memref<!tpu.dma_semaphore, #tpu.memory_space<semaphore_mem>>) src(%arg16 : memref<64x128xf32, #tpu.memory_space<vmem>>) dst(%dma_wait3A_102 : memref<64x128xf32, #tpu.memory_space<vmem_shared>>)
      tpu.yield
    }) : () -> ()
    %barrier3A = arith.constant 0 : index
    tpu.barrier barrier_id(%barrier3A)
    %mul3A_44 = arith.constant 320 : i32
    %mul3A_45 = arith.muli %arg1, %mul3A_44 : i32
    %add3A_46 = arith.constant 0 : i32
    %add3A_47 = arith.addi %mul3A_45, %add3A_46 : i32
    %mul3A_48 = arith.constant 64 : i32
    %mul3A_49 = arith.muli %add3A_47, %mul3A_48 : i32
    %mul3A_50 = arith.constant 327680 : i32
    %mul3A_51 = arith.muli %arg0, %mul3A_50 : i32
    %add3A_52 = arith.addi %mul3A_51, %mul3A_49 : i32
    "tpu.region"() ({
      %run_scoped3A = tpu.sem_alloc : memref<!tpu.dma_semaphore, #tpu.memory_space<semaphore_mem>>
      %dma_start3A_95 = tpu.memref_slice %arg3[%add3A_52] : memref<655360xi32, #tpu.memory_space<hbm>> -> memref<64xi32, #tpu.memory_space<hbm>>
      %dma_start3A_96 = tpu.memref_slice %arg3[%add3A_52] : memref<655360xi32, #tpu.memory_space<hbm>> -> memref<64xi32, #tpu.memory_space<hbm>>
      tpu.enqueue_dma source(%dma_start3A_96 : memref<64xi32, #tpu.memory_space<hbm>>) target(%arg6 : memref<64xi32, #tpu.memory_space<vmem>>) target_semaphore(%run_scoped3A : memref<!tpu.dma_semaphore, #tpu.memory_space<semaphore_mem>>)
      %dma_wait3A_97 = tpu.memref_slice %arg3[%add3A_52] : memref<655360xi32, #tpu.memory_space<hbm>> -> memref<64xi32, #tpu.memory_space<hbm>>
      %dma_wait3A_98 = tpu.memref_slice %arg3[%add3A_52] : memref<655360xi32, #tpu.memory_space<hbm>> -> memref<64xi32, #tpu.memory_space<hbm>>
      tpu.wait_dma2 semaphore(%run_scoped3A : memref<!tpu.dma_semaphore, #tpu.memory_space<semaphore_mem>>) src(%dma_wait3A_98 : memref<64xi32, #tpu.memory_space<hbm>>) dst(%arg6 : memref<64xi32, #tpu.memory_space<vmem>>)
      tpu.yield
    }) : () -> ()
    "tpu.region"() ({
      %run_scoped3A = tpu.sem_alloc : memref<!tpu.dma_semaphore, #tpu.memory_space<semaphore_mem>>
      %dma_start3A_95 = tpu.memref_slice %arg4[%mul3A_49] : memref<327680xi32, #tpu.memory_space<hbm>> -> memref<64xi32, #tpu.memory_space<hbm>>
      %dma_start3A_96 = tpu.memref_slice %arg4[%mul3A_49] : memref<327680xi32, #tpu.memory_space<hbm>> -> memref<64xi32, #tpu.memory_space<hbm>>
      tpu.enqueue_dma source(%dma_start3A_96 : memref<64xi32, #tpu.memory_space<hbm>>) target(%arg11 : memref<64xi32, #tpu.memory_space<vmem>>) target_semaphore(%run_scoped3A : memref<!tpu.dma_semaphore, #tpu.memory_space<semaphore_mem>>)
      %dma_wait3A_97 = tpu.memref_slice %arg4[%mul3A_49] : memref<327680xi32, #tpu.memory_space<hbm>> -> memref<64xi32, #tpu.memory_space<hbm>>
      %dma_wait3A_98 = tpu.memref_slice %arg4[%mul3A_49] : memref<327680xi32, #tpu.memory_space<hbm>> -> memref<64xi32, #tpu.memory_space<hbm>>
      tpu.wait_dma2 semaphore(%run_scoped3A : memref<!tpu.dma_semaphore, #tpu.memory_space<semaphore_mem>>) src(%dma_wait3A_98 : memref<64xi32, #tpu.memory_space<hbm>>) dst(%arg11 : memref<64xi32, #tpu.memory_space<vmem>>)
      tpu.yield
    }) : () -> ()
    %dma_start3A = arith.constant 0 : i32
    %dma_start3A_53 = arith.constant 0 : i32
    %dma_start3A_54 = tpu.memref_slice %arg2[%dma_start3A, %dma_start3A_53] : memref<20480x128xf32, #tpu.memory_space<hbm>> -> memref<20480x128xf32, #tpu.memory_space<hbm>>
    tpu.enqueue_indirect_dma source(%dma_start3A_54 : memref<20480x128xf32, #tpu.memory_space<hbm>>) target(%arg16 : memref<64x128xf32, #tpu.memory_space<vmem>>) offsets(%arg6 : memref<64xi32, #tpu.memory_space<vmem>>) semaphore(%arg22 : memref<!tpu.dma_semaphore, #tpu.memory_space<semaphore_mem>>)
    %mul3A_55 = arith.constant 320 : i32
    %mul3A_56 = arith.muli %arg1, %mul3A_55 : i32
    %add3A_57 = arith.constant 1 : i32
    %add3A_58 = arith.addi %mul3A_56, %add3A_57 : i32
    %mul3A_59 = arith.constant 64 : i32
    %mul3A_60 = arith.muli %add3A_58, %mul3A_59 : i32
    %mul3A_61 = arith.constant 327680 : i32
    %mul3A_62 = arith.muli %arg0, %mul3A_61 : i32
    %add3A_63 = arith.addi %mul3A_62, %mul3A_60 : i32
    "tpu.region"() ({
      %run_scoped3A = tpu.sem_alloc : memref<!tpu.dma_semaphore, #tpu.memory_space<semaphore_mem>>
      %dma_start3A_95 = tpu.memref_slice %arg3[%add3A_63] : memref<655360xi32, #tpu.memory_space<hbm>> -> memref<64xi32, #tpu.memory_space<hbm>>
      %dma_start3A_96 = tpu.memref_slice %arg3[%add3A_63] : memref<655360xi32, #tpu.memory_space<hbm>> -> memref<64xi32, #tpu.memory_space<hbm>>
      tpu.enqueue_dma source(%dma_start3A_96 : memref<64xi32, #tpu.memory_space<hbm>>) target(%arg7 : memref<64xi32, #tpu.memory_space<vmem>>) target_semaphore(%run_scoped3A : memref<!tpu.dma_semaphore, #tpu.memory_space<semaphore_mem>>)
      %dma_wait3A_97 = tpu.memref_slice %arg3[%add3A_63] : memref<655360xi32, #tpu.memory_space<hbm>> -> memref<64xi32, #tpu.memory_space<hbm>>
      %dma_wait3A_98 = tpu.memref_slice %arg3[%add3A_63] : memref<655360xi32, #tpu.memory_space<hbm>> -> memref<64xi32, #tpu.memory_space<hbm>>
      tpu.wait_dma2 semaphore(%run_scoped3A : memref<!tpu.dma_semaphore, #tpu.memory_space<semaphore_mem>>) src(%dma_wait3A_98 : memref<64xi32, #tpu.memory_space<hbm>>) dst(%arg7 : memref<64xi32, #tpu.memory_space<vmem>>)
      tpu.yield
    }) : () -> ()
    "tpu.region"() ({
      %run_scoped3A = tpu.sem_alloc : memref<!tpu.dma_semaphore, #tpu.memory_space<semaphore_mem>>
      %dma_start3A_95 = tpu.memref_slice %arg4[%mul3A_60] : memref<327680xi32, #tpu.memory_space<hbm>> -> memref<64xi32, #tpu.memory_space<hbm>>
      %dma_start3A_96 = tpu.memref_slice %arg4[%mul3A_60] : memref<327680xi32, #tpu.memory_space<hbm>> -> memref<64xi32, #tpu.memory_space<hbm>>
      tpu.enqueue_dma source(%dma_start3A_96 : memref<64xi32, #tpu.memory_space<hbm>>) target(%arg12 : memref<64xi32, #tpu.memory_space<vmem>>) target_semaphore(%run_scoped3A : memref<!tpu.dma_semaphore, #tpu.memory_space<semaphore_mem>>)
      %dma_wait3A_97 = tpu.memref_slice %arg4[%mul3A_60] : memref<327680xi32, #tpu.memory_space<hbm>> -> memref<64xi32, #tpu.memory_space<hbm>>
      %dma_wait3A_98 = tpu.memref_slice %arg4[%mul3A_60] : memref<327680xi32, #tpu.memory_space<hbm>> -> memref<64xi32, #tpu.memory_space<hbm>>
      tpu.wait_dma2 semaphore(%run_scoped3A : memref<!tpu.dma_semaphore, #tpu.memory_space<semaphore_mem>>) src(%dma_wait3A_98 : memref<64xi32, #tpu.memory_space<hbm>>) dst(%arg12 : memref<64xi32, #tpu.memory_space<vmem>>)
      tpu.yield
    }) : () -> ()
    %dma_start3A_64 = arith.constant 0 : i32
    %dma_start3A_65 = arith.constant 0 : i32
    %dma_start3A_66 = tpu.memref_slice %arg2[%dma_start3A_64, %dma_start3A_65] : memref<20480x128xf32, #tpu.memory_space<hbm>> -> memref<20480x128xf32, #tpu.memory_space<hbm>>
    tpu.enqueue_indirect_dma source(%dma_start3A_66 : memref<20480x128xf32, #tpu.memory_space<hbm>>) target(%arg17 : memref<64x128xf32, #tpu.memory_space<vmem>>) offsets(%arg7 : memref<64xi32, #tpu.memory_space<vmem>>) semaphore(%arg23 : memref<!tpu.dma_semaphore, #tpu.memory_space<semaphore_mem>>)
    %scan3A_67 = arith.constant 0 : i32
    %scan3A_68 = arith.constant 0 : i32
    %scan3A_69 = arith.constant 64 : i32
    %scan3A_70 = arith.addi %scan3A_68, %scan3A_69 : i32
    %scan3A_71 = arith.constant 1 : i32
    scf.for %scan3A_95 = %scan3A_68 to %scan3A_70 step %scan3A_71  : i32 {
      %mul3A_96 = arith.constant 5 : i32
      %mul3A_97 = arith.muli %mul3A_96, %scan3A_95 : i32
      %add3A_98 = arith.constant 0 : i32
      %add3A_99 = arith.addi %mul3A_97, %add3A_98 : i32
      %dma_wait3A_100 = arith.constant 0 : i32
      %dma_wait3A_101 = arith.constant 0 : i32
      %dma_wait3A_102 = tpu.memref_slice %arg2[%dma_wait3A_100, %dma_wait3A_101] : memref<20480x128xf32, #tpu.memory_space<hbm>> -> memref<20480x128xf32, #tpu.memory_space<hbm>>
      tpu.wait_indirect_dma semaphore(%arg22 : memref<!tpu.dma_semaphore, #tpu.memory_space<semaphore_mem>>) src(%dma_wait3A_102 : memref<20480x128xf32, #tpu.memory_space<hbm>>) dst(%arg16 : memref<64x128xf32, #tpu.memory_space<vmem>>)
      %lt3A = arith.constant 318 : i32
      %lt3A_103 = arith.cmpi slt, %add3A_99, %lt3A : i32
      %convert_element_type3A = arith.extui %lt3A_103 : i1 to i32
      %cond3A = arith.constant 0 : i32
      %cond3A_104 = arith.cmpi ne, %convert_element_type3A, %cond3A : i32
      scf.if %cond3A_104 {
        %ge3A = arith.constant 3 : i32
        %ge3A_168 = arith.cmpi sge, %add3A_99, %ge3A : i32
        %convert_element_type3A_169 = arith.extui %ge3A_168 : i1 to i32
        %cond3A_170 = arith.constant 0 : i32
        %cond3A_171 = arith.cmpi ne, %convert_element_type3A_169, %cond3A_170 : i32
        scf.if %cond3A_171 {
          %dma_wait3A_185 = arith.constant 0 : i32
          %dma_wait3A_186 = arith.constant 0 : i32
          %dma_wait3A_187 = tpu.memref_slice %arg21[%dma_wait3A_185, %dma_wait3A_186] : memref<10240x128xf32, #tpu.memory_space<vmem_shared>> -> memref<10240x128xf32, #tpu.memory_space<vmem_shared>>
          tpu.wait_indirect_dma semaphore(%arg29 : memref<!tpu.dma_semaphore, #tpu.memory_space<semaphore_mem>>) src(%arg18 : memref<64x128xf32, #tpu.memory_space<vmem>>) dst(%dma_wait3A_187 : memref<10240x128xf32, #tpu.memory_space<vmem_shared>>)
        } else {
        }
        %add3A_172 = arith.constant 2 : i32
        %add3A_173 = arith.addi %add3A_99, %add3A_172 : i32
        %mul3A_174 = arith.constant 320 : i32
        %mul3A_175 = arith.muli %arg1, %mul3A_174 : i32
        %add3A_176 = arith.addi %mul3A_175, %add3A_173 : i32
        %mul3A_177 = arith.constant 64 : i32
        %mul3A_178 = arith.muli %add3A_176, %mul3A_177 : i32
        %mul3A_179 = arith.constant 327680 : i32
        %mul3A_180 = arith.muli %arg0, %mul3A_179 : i32
        %add3A_181 = arith.addi %mul3A_180, %mul3A_178 : i32
        "tpu.region"() ({
          %run_scoped3A = tpu.sem_alloc : memref<!tpu.dma_semaphore, #tpu.memory_space<semaphore_mem>>
          %dma_start3A_185 = tpu.memref_slice %arg3[%add3A_181] : memref<655360xi32, #tpu.memory_space<hbm>> -> memref<64xi32, #tpu.memory_space<hbm>>
          %dma_start3A_186 = tpu.memref_slice %arg3[%add3A_181] : memref<655360xi32, #tpu.memory_space<hbm>> -> memref<64xi32, #tpu.memory_space<hbm>>
          tpu.enqueue_dma source(%dma_start3A_186 : memref<64xi32, #tpu.memory_space<hbm>>) target(%arg8 : memref<64xi32, #tpu.memory_space<vmem>>) target_semaphore(%run_scoped3A : memref<!tpu.dma_semaphore, #tpu.memory_space<semaphore_mem>>)
          %dma_wait3A_187 = tpu.memref_slice %arg3[%add3A_181] : memref<655360xi32, #tpu.memory_space<hbm>> -> memref<64xi32, #tpu.memory_space<hbm>>
          %dma_wait3A_188 = tpu.memref_slice %arg3[%add3A_181] : memref<655360xi32, #tpu.memory_space<hbm>> -> memref<64xi32, #tpu.memory_space<hbm>>
          tpu.wait_dma2 semaphore(%run_scoped3A : memref<!tpu.dma_semaphore, #tpu.memory_space<semaphore_mem>>) src(%dma_wait3A_188 : memref<64xi32, #tpu.memory_space<hbm>>) dst(%arg8 : memref<64xi32, #tpu.memory_space<vmem>>)
          tpu.yield
        }) : () -> ()
        "tpu.region"() ({
          %run_scoped3A = tpu.sem_alloc : memref<!tpu.dma_semaphore, #tpu.memory_space<semaphore_mem>>
          %dma_start3A_185 = tpu.memref_slice %arg4[%mul3A_178] : memref<327680xi32, #tpu.memory_space<hbm>> -> memref<64xi32, #tpu.memory_space<hbm>>
          %dma_start3A_186 = tpu.memref_slice %arg4[%mul3A_178] : memref<327680xi32, #tpu.memory_space<hbm>> -> memref<64xi32, #tpu.memory_space<hbm>>
          tpu.enqueue_dma source(%dma_start3A_186 : memref<64xi32, #tpu.memory_space<hbm>>) target(%arg13 : memref<64xi32, #tpu.memory_space<vmem>>) target_semaphore(%run_scoped3A : memref<!tpu.dma_semaphore, #tpu.memory_space<semaphore_mem>>)
          %dma_wait3A_187 = tpu.memref_slice %arg4[%mul3A_178] : memref<327680xi32, #tpu.memory_space<hbm>> -> memref<64xi32, #tpu.memory_space<hbm>>
          %dma_wait3A_188 = tpu.memref_slice %arg4[%mul3A_178] : memref<327680xi32, #tpu.memory_space<hbm>> -> memref<64xi32, #tpu.memory_space<hbm>>
          tpu.wait_dma2 semaphore(%run_scoped3A : memref<!tpu.dma_semaphore, #tpu.memory_space<semaphore_mem>>) src(%dma_wait3A_188 : memref<64xi32, #tpu.memory_space<hbm>>) dst(%arg13 : memref<64xi32, #tpu.memory_space<vmem>>)
          tpu.yield
        }) : () -> ()
        %dma_start3A_182 = arith.constant 0 : i32
        %dma_start3A_183 = arith.constant 0 : i32
        %dma_start3A_184 = tpu.memref_slice %arg2[%dma_start3A_182, %dma_start3A_183] : memref<20480x128xf32, #tpu.memory_space<hbm>> -> memref<20480x128xf32, #tpu.memory_space<hbm>>
        tpu.enqueue_indirect_dma source(%dma_start3A_184 : memref<20480x128xf32, #tpu.memory_space<hbm>>) target(%arg18 : memref<64x128xf32, #tpu.memory_space<vmem>>) offsets(%arg8 : memref<64xi32, #tpu.memory_space<vmem>>) semaphore(%arg24 : memref<!tpu.dma_semaphore, #tpu.memory_space<semaphore_mem>>)
      } else {
      }
      %dma_start3A_105 = arith.constant 0 : i32
      %dma_start3A_106 = arith.constant 0 : i32
      %dma_start3A_107 = tpu.memref_slice %arg21[%dma_start3A_105, %dma_start3A_106] : memref<10240x128xf32, #tpu.memory_space<vmem_shared>> -> memref<10240x128xf32, #tpu.memory_space<vmem_shared>>
      tpu.enqueue_indirect_dma source(%arg16 : memref<64x128xf32, #tpu.memory_space<vmem>>) target(%dma_start3A_107 : memref<10240x128xf32, #tpu.memory_space<vmem_shared>>) offsets(%arg11 : memref<64xi32, #tpu.memory_space<vmem>>) semaphore(%arg27 : memref<!tpu.dma_semaphore, #tpu.memory_space<semaphore_mem>>) {add = true}
      %mul3A_108 = arith.constant 5 : i32
      %mul3A_109 = arith.muli %mul3A_108, %scan3A_95 : i32
      %add3A_110 = arith.constant 1 : i32
      %add3A_111 = arith.addi %mul3A_109, %add3A_110 : i32
      %dma_wait3A_112 = arith.constant 0 : i32
      %dma_wait3A_113 = arith.constant 0 : i32
      %dma_wait3A_114 = tpu.memref_slice %arg2[%dma_wait3A_112, %dma_wait3A_113] : memref<20480x128xf32, #tpu.memory_space<hbm>> -> memref<20480x128xf32, #tpu.memory_space<hbm>>
      tpu.wait_indirect_dma semaphore(%arg23 : memref<!tpu.dma_semaphore, #tpu.memory_space<semaphore_mem>>) src(%dma_wait3A_114 : memref<20480x128xf32, #tpu.memory_space<hbm>>) dst(%arg17 : memref<64x128xf32, #tpu.memory_space<vmem>>)
      %lt3A_115 = arith.constant 318 : i32
      %lt3A_116 = arith.cmpi slt, %add3A_111, %lt3A_115 : i32
      %convert_element_type3A_117 = arith.extui %lt3A_116 : i1 to i32
      %cond3A_118 = arith.constant 0 : i32
      %cond3A_119 = arith.cmpi ne, %convert_element_type3A_117, %cond3A_118 : i32
      scf.if %cond3A_119 {
        %ge3A = arith.constant 3 : i32
        %ge3A_168 = arith.cmpi sge, %add3A_111, %ge3A : i32
        %convert_element_type3A_169 = arith.extui %ge3A_168 : i1 to i32
        %cond3A_170 = arith.constant 0 : i32
        %cond3A_171 = arith.cmpi ne, %convert_element_type3A_169, %cond3A_170 : i32
        scf.if %cond3A_171 {
          %dma_wait3A_185 = arith.constant 0 : i32
          %dma_wait3A_186 = arith.constant 0 : i32
          %dma_wait3A_187 = tpu.memref_slice %arg21[%dma_wait3A_185, %dma_wait3A_186] : memref<10240x128xf32, #tpu.memory_space<vmem_shared>> -> memref<10240x128xf32, #tpu.memory_space<vmem_shared>>
          tpu.wait_indirect_dma semaphore(%arg30 : memref<!tpu.dma_semaphore, #tpu.memory_space<semaphore_mem>>) src(%arg19 : memref<64x128xf32, #tpu.memory_space<vmem>>) dst(%dma_wait3A_187 : memref<10240x128xf32, #tpu.memory_space<vmem_shared>>)
        } else {
        }
        %add3A_172 = arith.constant 2 : i32
        %add3A_173 = arith.addi %add3A_111, %add3A_172 : i32
        %mul3A_174 = arith.constant 320 : i32
        %mul3A_175 = arith.muli %arg1, %mul3A_174 : i32
        %add3A_176 = arith.addi %mul3A_175, %add3A_173 : i32
        %mul3A_177 = arith.constant 64 : i32
        %mul3A_178 = arith.muli %add3A_176, %mul3A_177 : i32
        %mul3A_179 = arith.constant 327680 : i32
        %mul3A_180 = arith.muli %arg0, %mul3A_179 : i32
        %add3A_181 = arith.addi %mul3A_180, %mul3A_178 : i32
        "tpu.region"() ({
          %run_scoped3A = tpu.sem_alloc : memref<!tpu.dma_semaphore, #tpu.memory_space<semaphore_mem>>
          %dma_start3A_185 = tpu.memref_slice %arg3[%add3A_181] : memref<655360xi32, #tpu.memory_space<hbm>> -> memref<64xi32, #tpu.memory_space<hbm>>
          %dma_start3A_186 = tpu.memref_slice %arg3[%add3A_181] : memref<655360xi32, #tpu.memory_space<hbm>> -> memref<64xi32, #tpu.memory_space<hbm>>
          tpu.enqueue_dma source(%dma_start3A_186 : memref<64xi32, #tpu.memory_space<hbm>>) target(%arg9 : memref<64xi32, #tpu.memory_space<vmem>>) target_semaphore(%run_scoped3A : memref<!tpu.dma_semaphore, #tpu.memory_space<semaphore_mem>>)
          %dma_wait3A_187 = tpu.memref_slice %arg3[%add3A_181] : memref<655360xi32, #tpu.memory_space<hbm>> -> memref<64xi32, #tpu.memory_space<hbm>>
          %dma_wait3A_188 = tpu.memref_slice %arg3[%add3A_181] : memref<655360xi32, #tpu.memory_space<hbm>> -> memref<64xi32, #tpu.memory_space<hbm>>
          tpu.wait_dma2 semaphore(%run_scoped3A : memref<!tpu.dma_semaphore, #tpu.memory_space<semaphore_mem>>) src(%dma_wait3A_188 : memref<64xi32, #tpu.memory_space<hbm>>) dst(%arg9 : memref<64xi32, #tpu.memory_space<vmem>>)
          tpu.yield
        }) : () -> ()
        "tpu.region"() ({
          %run_scoped3A = tpu.sem_alloc : memref<!tpu.dma_semaphore, #tpu.memory_space<semaphore_mem>>
          %dma_start3A_185 = tpu.memref_slice %arg4[%mul3A_178] : memref<327680xi32, #tpu.memory_space<hbm>> -> memref<64xi32, #tpu.memory_space<hbm>>
          %dma_start3A_186 = tpu.memref_slice %arg4[%mul3A_178] : memref<327680xi32, #tpu.memory_space<hbm>> -> memref<64xi32, #tpu.memory_space<hbm>>
          tpu.enqueue_dma source(%dma_start3A_186 : memref<64xi32, #tpu.memory_space<hbm>>) target(%arg14 : memref<64xi32, #tpu.memory_space<vmem>>) target_semaphore(%run_scoped3A : memref<!tpu.dma_semaphore, #tpu.memory_space<semaphore_mem>>)
          %dma_wait3A_187 = tpu.memref_slice %arg4[%mul3A_178] : memref<327680xi32, #tpu.memory_space<hbm>> -> memref<64xi32, #tpu.memory_space<hbm>>
          %dma_wait3A_188 = tpu.memref_slice %arg4[%mul3A_178] : memref<327680xi32, #tpu.memory_space<hbm>> -> memref<64xi32, #tpu.memory_space<hbm>>
          tpu.wait_dma2 semaphore(%run_scoped3A : memref<!tpu.dma_semaphore, #tpu.memory_space<semaphore_mem>>) src(%dma_wait3A_188 : memref<64xi32, #tpu.memory_space<hbm>>) dst(%arg14 : memref<64xi32, #tpu.memory_space<vmem>>)
          tpu.yield
        }) : () -> ()
        %dma_start3A_182 = arith.constant 0 : i32
        %dma_start3A_183 = arith.constant 0 : i32
        %dma_start3A_184 = tpu.memref_slice %arg2[%dma_start3A_182, %dma_start3A_183] : memref<20480x128xf32, #tpu.memory_space<hbm>> -> memref<20480x128xf32, #tpu.memory_space<hbm>>
        tpu.enqueue_indirect_dma source(%dma_start3A_184 : memref<20480x128xf32, #tpu.memory_space<hbm>>) target(%arg19 : memref<64x128xf32, #tpu.memory_space<vmem>>) offsets(%arg9 : memref<64xi32, #tpu.memory_space<vmem>>) semaphore(%arg25 : memref<!tpu.dma_semaphore, #tpu.memory_space<semaphore_mem>>)
      } else {
      }
      %dma_start3A_120 = arith.constant 0 : i32
      %dma_start3A_121 = arith.constant 0 : i32
      %dma_start3A_122 = tpu.memref_slice %arg21[%dma_start3A_120, %dma_start3A_121] : memref<10240x128xf32, #tpu.memory_space<vmem_shared>> -> memref<10240x128xf32, #tpu.memory_space<vmem_shared>>
      tpu.enqueue_indirect_dma source(%arg17 : memref<64x128xf32, #tpu.memory_space<vmem>>) target(%dma_start3A_122 : memref<10240x128xf32, #tpu.memory_space<vmem_shared>>) offsets(%arg12 : memref<64xi32, #tpu.memory_space<vmem>>) semaphore(%arg28 : memref<!tpu.dma_semaphore, #tpu.memory_space<semaphore_mem>>) {add = true}
      %mul3A_123 = arith.constant 5 : i32
      %mul3A_124 = arith.muli %mul3A_123, %scan3A_95 : i32
      %add3A_125 = arith.constant 2 : i32
      %add3A_126 = arith.addi %mul3A_124, %add3A_125 : i32
      %dma_wait3A_127 = arith.constant 0 : i32
      %dma_wait3A_128 = arith.constant 0 : i32
      %dma_wait3A_129 = tpu.memref_slice %arg2[%dma_wait3A_127, %dma_wait3A_128] : memref<20480x128xf32, #tpu.memory_space<hbm>> -> memref<20480x128xf32, #tpu.memory_space<hbm>>
      tpu.wait_indirect_dma semaphore(%arg24 : memref<!tpu.dma_semaphore, #tpu.memory_space<semaphore_mem>>) src(%dma_wait3A_129 : memref<20480x128xf32, #tpu.memory_space<hbm>>) dst(%arg18 : memref<64x128xf32, #tpu.memory_space<vmem>>)
      %lt3A_130 = arith.constant 318 : i32
      %lt3A_131 = arith.cmpi slt, %add3A_126, %lt3A_130 : i32
      %convert_element_type3A_132 = arith.extui %lt3A_131 : i1 to i32
      %cond3A_133 = arith.constant 0 : i32
      %cond3A_134 = arith.cmpi ne, %convert_element_type3A_132, %cond3A_133 : i32
      scf.if %cond3A_134 {
        %ge3A = arith.constant 3 : i32
        %ge3A_168 = arith.cmpi sge, %add3A_126, %ge3A : i32
        %convert_element_type3A_169 = arith.extui %ge3A_168 : i1 to i32
        %cond3A_170 = arith.constant 0 : i32
        %cond3A_171 = arith.cmpi ne, %convert_element_type3A_169, %cond3A_170 : i32
        scf.if %cond3A_171 {
          %dma_wait3A_185 = arith.constant 0 : i32
          %dma_wait3A_186 = arith.constant 0 : i32
          %dma_wait3A_187 = tpu.memref_slice %arg21[%dma_wait3A_185, %dma_wait3A_186] : memref<10240x128xf32, #tpu.memory_space<vmem_shared>> -> memref<10240x128xf32, #tpu.memory_space<vmem_shared>>
          tpu.wait_indirect_dma semaphore(%arg31 : memref<!tpu.dma_semaphore, #tpu.memory_space<semaphore_mem>>) src(%arg20 : memref<64x128xf32, #tpu.memory_space<vmem>>) dst(%dma_wait3A_187 : memref<10240x128xf32, #tpu.memory_space<vmem_shared>>)
        } else {
        }
        %add3A_172 = arith.constant 2 : i32
        %add3A_173 = arith.addi %add3A_126, %add3A_172 : i32
        %mul3A_174 = arith.constant 320 : i32
        %mul3A_175 = arith.muli %arg1, %mul3A_174 : i32
        %add3A_176 = arith.addi %mul3A_175, %add3A_173 : i32
        %mul3A_177 = arith.constant 64 : i32
        %mul3A_178 = arith.muli %add3A_176, %mul3A_177 : i32
        %mul3A_179 = arith.constant 327680 : i32
        %mul3A_180 = arith.muli %arg0, %mul3A_179 : i32
        %add3A_181 = arith.addi %mul3A_180, %mul3A_178 : i32
        "tpu.region"() ({
          %run_scoped3A = tpu.sem_alloc : memref<!tpu.dma_semaphore, #tpu.memory_space<semaphore_mem>>
          %dma_start3A_185 = tpu.memref_slice %arg3[%add3A_181] : memref<655360xi32, #tpu.memory_space<hbm>> -> memref<64xi32, #tpu.memory_space<hbm>>
          %dma_start3A_186 = tpu.memref_slice %arg3[%add3A_181] : memref<655360xi32, #tpu.memory_space<hbm>> -> memref<64xi32, #tpu.memory_space<hbm>>
          tpu.enqueue_dma source(%dma_start3A_186 : memref<64xi32, #tpu.memory_space<hbm>>) target(%arg10 : memref<64xi32, #tpu.memory_space<vmem>>) target_semaphore(%run_scoped3A : memref<!tpu.dma_semaphore, #tpu.memory_space<semaphore_mem>>)
          %dma_wait3A_187 = tpu.memref_slice %arg3[%add3A_181] : memref<655360xi32, #tpu.memory_space<hbm>> -> memref<64xi32, #tpu.memory_space<hbm>>
          %dma_wait3A_188 = tpu.memref_slice %arg3[%add3A_181] : memref<655360xi32, #tpu.memory_space<hbm>> -> memref<64xi32, #tpu.memory_space<hbm>>
          tpu.wait_dma2 semaphore(%run_scoped3A : memref<!tpu.dma_semaphore, #tpu.memory_space<semaphore_mem>>) src(%dma_wait3A_188 : memref<64xi32, #tpu.memory_space<hbm>>) dst(%arg10 : memref<64xi32, #tpu.memory_space<vmem>>)
          tpu.yield
        }) : () -> ()
        "tpu.region"() ({
          %run_scoped3A = tpu.sem_alloc : memref<!tpu.dma_semaphore, #tpu.memory_space<semaphore_mem>>
          %dma_start3A_185 = tpu.memref_slice %arg4[%mul3A_178] : memref<327680xi32, #tpu.memory_space<hbm>> -> memref<64xi32, #tpu.memory_space<hbm>>
          %dma_start3A_186 = tpu.memref_slice %arg4[%mul3A_178] : memref<327680xi32, #tpu.memory_space<hbm>> -> memref<64xi32, #tpu.memory_space<hbm>>
          tpu.enqueue_dma source(%dma_start3A_186 : memref<64xi32, #tpu.memory_space<hbm>>) target(%arg15 : memref<64xi32, #tpu.memory_space<vmem>>) target_semaphore(%run_scoped3A : memref<!tpu.dma_semaphore, #tpu.memory_space<semaphore_mem>>)
          %dma_wait3A_187 = tpu.memref_slice %arg4[%mul3A_178] : memref<327680xi32, #tpu.memory_space<hbm>> -> memref<64xi32, #tpu.memory_space<hbm>>
          %dma_wait3A_188 = tpu.memref_slice %arg4[%mul3A_178] : memref<327680xi32, #tpu.memory_space<hbm>> -> memref<64xi32, #tpu.memory_space<hbm>>
          tpu.wait_dma2 semaphore(%run_scoped3A : memref<!tpu.dma_semaphore, #tpu.memory_space<semaphore_mem>>) src(%dma_wait3A_188 : memref<64xi32, #tpu.memory_space<hbm>>) dst(%arg15 : memref<64xi32, #tpu.memory_space<vmem>>)
          tpu.yield
        }) : () -> ()
        %dma_start3A_182 = arith.constant 0 : i32
        %dma_start3A_183 = arith.constant 0 : i32
        %dma_start3A_184 = tpu.memref_slice %arg2[%dma_start3A_182, %dma_start3A_183] : memref<20480x128xf32, #tpu.memory_space<hbm>> -> memref<20480x128xf32, #tpu.memory_space<hbm>>
        tpu.enqueue_indirect_dma source(%dma_start3A_184 : memref<20480x128xf32, #tpu.memory_space<hbm>>) target(%arg20 : memref<64x128xf32, #tpu.memory_space<vmem>>) offsets(%arg10 : memref<64xi32, #tpu.memory_space<vmem>>) semaphore(%arg26 : memref<!tpu.dma_semaphore, #tpu.memory_space<semaphore_mem>>)
      } else {
      }
      %dma_start3A_135 = arith.constant 0 : i32
      %dma_start3A_136 = arith.constant 0 : i32
      %dma_start3A_137 = tpu.memref_slice %arg21[%dma_start3A_135, %dma_start3A_136] : memref<10240x128xf32, #tpu.memory_space<vmem_shared>> -> memref<10240x128xf32, #tpu.memory_space<vmem_shared>>
      tpu.enqueue_indirect_dma source(%arg18 : memref<64x128xf32, #tpu.memory_space<vmem>>) target(%dma_start3A_137 : memref<10240x128xf32, #tpu.memory_space<vmem_shared>>) offsets(%arg13 : memref<64xi32, #tpu.memory_space<vmem>>) semaphore(%arg29 : memref<!tpu.dma_semaphore, #tpu.memory_space<semaphore_mem>>) {add = true}
      %mul3A_138 = arith.constant 5 : i32
      %mul3A_139 = arith.muli %mul3A_138, %scan3A_95 : i32
      %add3A_140 = arith.constant 3 : i32
      %add3A_141 = arith.addi %mul3A_139, %add3A_140 : i32
      %dma_wait3A_142 = arith.constant 0 : i32
      %dma_wait3A_143 = arith.constant 0 : i32
      %dma_wait3A_144 = tpu.memref_slice %arg2[%dma_wait3A_142, %dma_wait3A_143] : memref<20480x128xf32, #tpu.memory_space<hbm>> -> memref<20480x128xf32, #tpu.memory_space<hbm>>
      tpu.wait_indirect_dma semaphore(%arg25 : memref<!tpu.dma_semaphore, #tpu.memory_space<semaphore_mem>>) src(%dma_wait3A_144 : memref<20480x128xf32, #tpu.memory_space<hbm>>) dst(%arg19 : memref<64x128xf32, #tpu.memory_space<vmem>>)
      %lt3A_145 = arith.constant 318 : i32
      %lt3A_146 = arith.cmpi slt, %add3A_141, %lt3A_145 : i32
      %convert_element_type3A_147 = arith.extui %lt3A_146 : i1 to i32
      %cond3A_148 = arith.constant 0 : i32
      %cond3A_149 = arith.cmpi ne, %convert_element_type3A_147, %cond3A_148 : i32
      scf.if %cond3A_149 {
        %ge3A = arith.constant 3 : i32
        %ge3A_168 = arith.cmpi sge, %add3A_141, %ge3A : i32
        %convert_element_type3A_169 = arith.extui %ge3A_168 : i1 to i32
        %cond3A_170 = arith.constant 0 : i32
        %cond3A_171 = arith.cmpi ne, %convert_element_type3A_169, %cond3A_170 : i32
        scf.if %cond3A_171 {
          %dma_wait3A_185 = arith.constant 0 : i32
          %dma_wait3A_186 = arith.constant 0 : i32
          %dma_wait3A_187 = tpu.memref_slice %arg21[%dma_wait3A_185, %dma_wait3A_186] : memref<10240x128xf32, #tpu.memory_space<vmem_shared>> -> memref<10240x128xf32, #tpu.memory_space<vmem_shared>>
          tpu.wait_indirect_dma semaphore(%arg27 : memref<!tpu.dma_semaphore, #tpu.memory_space<semaphore_mem>>) src(%arg16 : memref<64x128xf32, #tpu.memory_space<vmem>>) dst(%dma_wait3A_187 : memref<10240x128xf32, #tpu.memory_space<vmem_shared>>)
        } else {
        }
        %add3A_172 = arith.constant 2 : i32
        %add3A_173 = arith.addi %add3A_141, %add3A_172 : i32
        %mul3A_174 = arith.constant 320 : i32
        %mul3A_175 = arith.muli %arg1, %mul3A_174 : i32
        %add3A_176 = arith.addi %mul3A_175, %add3A_173 : i32
        %mul3A_177 = arith.constant 64 : i32
        %mul3A_178 = arith.muli %add3A_176, %mul3A_177 : i32
        %mul3A_179 = arith.constant 327680 : i32
        %mul3A_180 = arith.muli %arg0, %mul3A_179 : i32
        %add3A_181 = arith.addi %mul3A_180, %mul3A_178 : i32
        "tpu.region"() ({
          %run_scoped3A = tpu.sem_alloc : memref<!tpu.dma_semaphore, #tpu.memory_space<semaphore_mem>>
          %dma_start3A_185 = tpu.memref_slice %arg3[%add3A_181] : memref<655360xi32, #tpu.memory_space<hbm>> -> memref<64xi32, #tpu.memory_space<hbm>>
          %dma_start3A_186 = tpu.memref_slice %arg3[%add3A_181] : memref<655360xi32, #tpu.memory_space<hbm>> -> memref<64xi32, #tpu.memory_space<hbm>>
          tpu.enqueue_dma source(%dma_start3A_186 : memref<64xi32, #tpu.memory_space<hbm>>) target(%arg6 : memref<64xi32, #tpu.memory_space<vmem>>) target_semaphore(%run_scoped3A : memref<!tpu.dma_semaphore, #tpu.memory_space<semaphore_mem>>)
          %dma_wait3A_187 = tpu.memref_slice %arg3[%add3A_181] : memref<655360xi32, #tpu.memory_space<hbm>> -> memref<64xi32, #tpu.memory_space<hbm>>
          %dma_wait3A_188 = tpu.memref_slice %arg3[%add3A_181] : memref<655360xi32, #tpu.memory_space<hbm>> -> memref<64xi32, #tpu.memory_space<hbm>>
          tpu.wait_dma2 semaphore(%run_scoped3A : memref<!tpu.dma_semaphore, #tpu.memory_space<semaphore_mem>>) src(%dma_wait3A_188 : memref<64xi32, #tpu.memory_space<hbm>>) dst(%arg6 : memref<64xi32, #tpu.memory_space<vmem>>)
          tpu.yield
        }) : () -> ()
        "tpu.region"() ({
          %run_scoped3A = tpu.sem_alloc : memref<!tpu.dma_semaphore, #tpu.memory_space<semaphore_mem>>
          %dma_start3A_185 = tpu.memref_slice %arg4[%mul3A_178] : memref<327680xi32, #tpu.memory_space<hbm>> -> memref<64xi32, #tpu.memory_space<hbm>>
          %dma_start3A_186 = tpu.memref_slice %arg4[%mul3A_178] : memref<327680xi32, #tpu.memory_space<hbm>> -> memref<64xi32, #tpu.memory_space<hbm>>
          tpu.enqueue_dma source(%dma_start3A_186 : memref<64xi32, #tpu.memory_space<hbm>>) target(%arg11 : memref<64xi32, #tpu.memory_space<vmem>>) target_semaphore(%run_scoped3A : memref<!tpu.dma_semaphore, #tpu.memory_space<semaphore_mem>>)
          %dma_wait3A_187 = tpu.memref_slice %arg4[%mul3A_178] : memref<327680xi32, #tpu.memory_space<hbm>> -> memref<64xi32, #tpu.memory_space<hbm>>
          %dma_wait3A_188 = tpu.memref_slice %arg4[%mul3A_178] : memref<327680xi32, #tpu.memory_space<hbm>> -> memref<64xi32, #tpu.memory_space<hbm>>
          tpu.wait_dma2 semaphore(%run_scoped3A : memref<!tpu.dma_semaphore, #tpu.memory_space<semaphore_mem>>) src(%dma_wait3A_188 : memref<64xi32, #tpu.memory_space<hbm>>) dst(%arg11 : memref<64xi32, #tpu.memory_space<vmem>>)
          tpu.yield
        }) : () -> ()
        %dma_start3A_182 = arith.constant 0 : i32
        %dma_start3A_183 = arith.constant 0 : i32
        %dma_start3A_184 = tpu.memref_slice %arg2[%dma_start3A_182, %dma_start3A_183] : memref<20480x128xf32, #tpu.memory_space<hbm>> -> memref<20480x128xf32, #tpu.memory_space<hbm>>
        tpu.enqueue_indirect_dma source(%dma_start3A_184 : memref<20480x128xf32, #tpu.memory_space<hbm>>) target(%arg16 : memref<64x128xf32, #tpu.memory_space<vmem>>) offsets(%arg6 : memref<64xi32, #tpu.memory_space<vmem>>) semaphore(%arg22 : memref<!tpu.dma_semaphore, #tpu.memory_space<semaphore_mem>>)
      } else {
      }
      %dma_start3A_150 = arith.constant 0 : i32
      %dma_start3A_151 = arith.constant 0 : i32
      %dma_start3A_152 = tpu.memref_slice %arg21[%dma_start3A_150, %dma_start3A_151] : memref<10240x128xf32, #tpu.memory_space<vmem_shared>> -> memref<10240x128xf32, #tpu.memory_space<vmem_shared>>
      tpu.enqueue_indirect_dma source(%arg19 : memref<64x128xf32, #tpu.memory_space<vmem>>) target(%dma_start3A_152 : memref<10240x128xf32, #tpu.memory_space<vmem_shared>>) offsets(%arg14 : memref<64xi32, #tpu.memory_space<vmem>>) semaphore(%arg30 : memref<!tpu.dma_semaphore, #tpu.memory_space<semaphore_mem>>) {add = true}
      %mul3A_153 = arith.constant 5 : i32
      %mul3A_154 = arith.muli %mul3A_153, %scan3A_95 : i32
      %add3A_155 = arith.constant 4 : i32
      %add3A_156 = arith.addi %mul3A_154, %add3A_155 : i32
      %dma_wait3A_157 = arith.constant 0 : i32
      %dma_wait3A_158 = arith.constant 0 : i32
      %dma_wait3A_159 = tpu.memref_slice %arg2[%dma_wait3A_157, %dma_wait3A_158] : memref<20480x128xf32, #tpu.memory_space<hbm>> -> memref<20480x128xf32, #tpu.memory_space<hbm>>
      tpu.wait_indirect_dma semaphore(%arg26 : memref<!tpu.dma_semaphore, #tpu.memory_space<semaphore_mem>>) src(%dma_wait3A_159 : memref<20480x128xf32, #tpu.memory_space<hbm>>) dst(%arg20 : memref<64x128xf32, #tpu.memory_space<vmem>>)
      %lt3A_160 = arith.constant 318 : i32
      %lt3A_161 = arith.cmpi slt, %add3A_156, %lt3A_160 : i32
      %convert_element_type3A_162 = arith.extui %lt3A_161 : i1 to i32
      %cond3A_163 = arith.constant 0 : i32
      %cond3A_164 = arith.cmpi ne, %convert_element_type3A_162, %cond3A_163 : i32
      scf.if %cond3A_164 {
        %ge3A = arith.constant 3 : i32
        %ge3A_168 = arith.cmpi sge, %add3A_156, %ge3A : i32
        %convert_element_type3A_169 = arith.extui %ge3A_168 : i1 to i32
        %cond3A_170 = arith.constant 0 : i32
        %cond3A_171 = arith.cmpi ne, %convert_element_type3A_169, %cond3A_170 : i32
        scf.if %cond3A_171 {
          %dma_wait3A_185 = arith.constant 0 : i32
          %dma_wait3A_186 = arith.constant 0 : i32
          %dma_wait3A_187 = tpu.memref_slice %arg21[%dma_wait3A_185, %dma_wait3A_186] : memref<10240x128xf32, #tpu.memory_space<vmem_shared>> -> memref<10240x128xf32, #tpu.memory_space<vmem_shared>>
          tpu.wait_indirect_dma semaphore(%arg28 : memref<!tpu.dma_semaphore, #tpu.memory_space<semaphore_mem>>) src(%arg17 : memref<64x128xf32, #tpu.memory_space<vmem>>) dst(%dma_wait3A_187 : memref<10240x128xf32, #tpu.memory_space<vmem_shared>>)
        } else {
        }
        %add3A_172 = arith.constant 2 : i32
        %add3A_173 = arith.addi %add3A_156, %add3A_172 : i32
        %mul3A_174 = arith.constant 320 : i32
        %mul3A_175 = arith.muli %arg1, %mul3A_174 : i32
        %add3A_176 = arith.addi %mul3A_175, %add3A_173 : i32
        %mul3A_177 = arith.constant 64 : i32
        %mul3A_178 = arith.muli %add3A_176, %mul3A_177 : i32
        %mul3A_179 = arith.constant 327680 : i32
        %mul3A_180 = arith.muli %arg0, %mul3A_179 : i32
        %add3A_181 = arith.addi %mul3A_180, %mul3A_178 : i32
        "tpu.region"() ({
          %run_scoped3A = tpu.sem_alloc : memref<!tpu.dma_semaphore, #tpu.memory_space<semaphore_mem>>
          %dma_start3A_185 = tpu.memref_slice %arg3[%add3A_181] : memref<655360xi32, #tpu.memory_space<hbm>> -> memref<64xi32, #tpu.memory_space<hbm>>
          %dma_start3A_186 = tpu.memref_slice %arg3[%add3A_181] : memref<655360xi32, #tpu.memory_space<hbm>> -> memref<64xi32, #tpu.memory_space<hbm>>
          tpu.enqueue_dma source(%dma_start3A_186 : memref<64xi32, #tpu.memory_space<hbm>>) target(%arg7 : memref<64xi32, #tpu.memory_space<vmem>>) target_semaphore(%run_scoped3A : memref<!tpu.dma_semaphore, #tpu.memory_space<semaphore_mem>>)
          %dma_wait3A_187 = tpu.memref_slice %arg3[%add3A_181] : memref<655360xi32, #tpu.memory_space<hbm>> -> memref<64xi32, #tpu.memory_space<hbm>>
          %dma_wait3A_188 = tpu.memref_slice %arg3[%add3A_181] : memref<655360xi32, #tpu.memory_space<hbm>> -> memref<64xi32, #tpu.memory_space<hbm>>
          tpu.wait_dma2 semaphore(%run_scoped3A : memref<!tpu.dma_semaphore, #tpu.memory_space<semaphore_mem>>) src(%dma_wait3A_188 : memref<64xi32, #tpu.memory_space<hbm>>) dst(%arg7 : memref<64xi32, #tpu.memory_space<vmem>>)
          tpu.yield
        }) : () -> ()
        "tpu.region"() ({
          %run_scoped3A = tpu.sem_alloc : memref<!tpu.dma_semaphore, #tpu.memory_space<semaphore_mem>>
          %dma_start3A_185 = tpu.memref_slice %arg4[%mul3A_178] : memref<327680xi32, #tpu.memory_space<hbm>> -> memref<64xi32, #tpu.memory_space<hbm>>
          %dma_start3A_186 = tpu.memref_slice %arg4[%mul3A_178] : memref<327680xi32, #tpu.memory_space<hbm>> -> memref<64xi32, #tpu.memory_space<hbm>>
          tpu.enqueue_dma source(%dma_start3A_186 : memref<64xi32, #tpu.memory_space<hbm>>) target(%arg12 : memref<64xi32, #tpu.memory_space<vmem>>) target_semaphore(%run_scoped3A : memref<!tpu.dma_semaphore, #tpu.memory_space<semaphore_mem>>)
          %dma_wait3A_187 = tpu.memref_slice %arg4[%mul3A_178] : memref<327680xi32, #tpu.memory_space<hbm>> -> memref<64xi32, #tpu.memory_space<hbm>>
          %dma_wait3A_188 = tpu.memref_slice %arg4[%mul3A_178] : memref<327680xi32, #tpu.memory_space<hbm>> -> memref<64xi32, #tpu.memory_space<hbm>>
          tpu.wait_dma2 semaphore(%run_scoped3A : memref<!tpu.dma_semaphore, #tpu.memory_space<semaphore_mem>>) src(%dma_wait3A_188 : memref<64xi32, #tpu.memory_space<hbm>>) dst(%arg12 : memref<64xi32, #tpu.memory_space<vmem>>)
          tpu.yield
        }) : () -> ()
        %dma_start3A_182 = arith.constant 0 : i32
        %dma_start3A_183 = arith.constant 0 : i32
        %dma_start3A_184 = tpu.memref_slice %arg2[%dma_start3A_182, %dma_start3A_183] : memref<20480x128xf32, #tpu.memory_space<hbm>> -> memref<20480x128xf32, #tpu.memory_space<hbm>>
        tpu.enqueue_indirect_dma source(%dma_start3A_184 : memref<20480x128xf32, #tpu.memory_space<hbm>>) target(%arg17 : memref<64x128xf32, #tpu.memory_space<vmem>>) offsets(%arg7 : memref<64xi32, #tpu.memory_space<vmem>>) semaphore(%arg23 : memref<!tpu.dma_semaphore, #tpu.memory_space<semaphore_mem>>)
      } else {
      }
      %dma_start3A_165 = arith.constant 0 : i32
      %dma_start3A_166 = arith.constant 0 : i32
      %dma_start3A_167 = tpu.memref_slice %arg21[%dma_start3A_165, %dma_start3A_166] : memref<10240x128xf32, #tpu.memory_space<vmem_shared>> -> memref<10240x128xf32, #tpu.memory_space<vmem_shared>>
      tpu.enqueue_indirect_dma source(%arg20 : memref<64x128xf32, #tpu.memory_space<vmem>>) target(%dma_start3A_167 : memref<10240x128xf32, #tpu.memory_space<vmem_shared>>) offsets(%arg15 : memref<64xi32, #tpu.memory_space<vmem>>) semaphore(%arg31 : memref<!tpu.dma_semaphore, #tpu.memory_space<semaphore_mem>>) {add = true}
    }
    %scan3A_72 = arith.constant 64 : i32
    %dma_wait3A = arith.constant 0 : i32
    %dma_wait3A_73 = arith.constant 0 : i32
    %dma_wait3A_74 = tpu.memref_slice %arg21[%dma_wait3A, %dma_wait3A_73] : memref<10240x128xf32, #tpu.memory_space<vmem_shared>> -> memref<10240x128xf32, #tpu.memory_space<vmem_shared>>
    tpu.wait_indirect_dma semaphore(%arg27 : memref<!tpu.dma_semaphore, #tpu.memory_space<semaphore_mem>>) src(%arg16 : memref<64x128xf32, #tpu.memory_space<vmem>>) dst(%dma_wait3A_74 : memref<10240x128xf32, #tpu.memory_space<vmem_shared>>)
    %dma_wait3A_75 = arith.constant 0 : i32
    %dma_wait3A_76 = arith.constant 0 : i32
    %dma_wait3A_77 = tpu.memref_slice %arg21[%dma_wait3A_75, %dma_wait3A_76] : memref<10240x128xf32, #tpu.memory_space<vmem_shared>> -> memref<10240x128xf32, #tpu.memory_space<vmem_shared>>
    tpu.wait_indirect_dma semaphore(%arg28 : memref<!tpu.dma_semaphore, #tpu.memory_space<semaphore_mem>>) src(%arg17 : memref<64x128xf32, #tpu.memory_space<vmem>>) dst(%dma_wait3A_77 : memref<10240x128xf32, #tpu.memory_space<vmem_shared>>)
    %dma_wait3A_78 = arith.constant 0 : i32
    %dma_wait3A_79 = arith.constant 0 : i32
    %dma_wait3A_80 = tpu.memref_slice %arg21[%dma_wait3A_78, %dma_wait3A_79] : memref<10240x128xf32, #tpu.memory_space<vmem_shared>> -> memref<10240x128xf32, #tpu.memory_space<vmem_shared>>
    tpu.wait_indirect_dma semaphore(%arg29 : memref<!tpu.dma_semaphore, #tpu.memory_space<semaphore_mem>>) src(%arg18 : memref<64x128xf32, #tpu.memory_space<vmem>>) dst(%dma_wait3A_80 : memref<10240x128xf32, #tpu.memory_space<vmem_shared>>)
    %dma_wait3A_81 = arith.constant 0 : i32
    %dma_wait3A_82 = arith.constant 0 : i32
    %dma_wait3A_83 = tpu.memref_slice %arg21[%dma_wait3A_81, %dma_wait3A_82] : memref<10240x128xf32, #tpu.memory_space<vmem_shared>> -> memref<10240x128xf32, #tpu.memory_space<vmem_shared>>
    tpu.wait_indirect_dma semaphore(%arg30 : memref<!tpu.dma_semaphore, #tpu.memory_space<semaphore_mem>>) src(%arg19 : memref<64x128xf32, #tpu.memory_space<vmem>>) dst(%dma_wait3A_83 : memref<10240x128xf32, #tpu.memory_space<vmem_shared>>)
    %dma_wait3A_84 = arith.constant 0 : i32
    %dma_wait3A_85 = arith.constant 0 : i32
    %dma_wait3A_86 = tpu.memref_slice %arg21[%dma_wait3A_84, %dma_wait3A_85] : memref<10240x128xf32, #tpu.memory_space<vmem_shared>> -> memref<10240x128xf32, #tpu.memory_space<vmem_shared>>
    tpu.wait_indirect_dma semaphore(%arg31 : memref<!tpu.dma_semaphore, #tpu.memory_space<semaphore_mem>>) src(%arg20 : memref<64x128xf32, #tpu.memory_space<vmem>>) dst(%dma_wait3A_86 : memref<10240x128xf32, #tpu.memory_space<vmem_shared>>)
    %barrier3A_87 = arith.constant 0 : index
    tpu.barrier barrier_id(%barrier3A_87)
    %mul3A_88 = arith.constant 640 : i32
    %mul3A_89 = arith.muli %arg1, %mul3A_88 : i32
    %mul3A_90 = arith.constant 10240 : i32
    %mul3A_91 = arith.muli %arg0, %mul3A_90 : i32
    %mul3A_92 = arith.constant 640 : i32
    %mul3A_93 = arith.muli %arg1, %mul3A_92 : i32
    %add3A_94 = arith.addi %mul3A_91, %mul3A_93 : i32
    "tpu.region"() ({
      %run_scoped3A = tpu.sem_alloc : memref<!tpu.dma_semaphore, #tpu.memory_space<semaphore_mem>>
      %dma_start3A_95 = arith.constant 0 : i32
      %dma_start3A_96 = tpu.memref_slice %arg5[%add3A_94, %dma_start3A_95] : memref<20480x128xf32, #tpu.memory_space<hbm>> -> memref<640x128xf32, #tpu.memory_space<hbm>>
      %dma_start3A_97 = arith.constant 0 : i32
      %dma_start3A_98 = tpu.memref_slice %arg21[%mul3A_89, %dma_start3A_97] : memref<10240x128xf32, #tpu.memory_space<vmem_shared>> -> memref<640x128xf32, #tpu.memory_space<vmem_shared>>
      tpu.enqueue_dma source(%dma_start3A_98 : memref<640x128xf32, #tpu.memory_space<vmem_shared>>) target(%dma_start3A_96 : memref<640x128xf32, #tpu.memory_space<hbm>>) target_semaphore(%run_scoped3A : memref<!tpu.dma_semaphore, #tpu.memory_space<semaphore_mem>>)
      %dma_wait3A_99 = arith.constant 0 : i32
      %dma_wait3A_100 = tpu.memref_slice %arg5[%add3A_94, %dma_wait3A_99] : memref<20480x128xf32, #tpu.memory_space<hbm>> -> memref<640x128xf32, #tpu.memory_space<hbm>>
      %dma_wait3A_101 = arith.constant 0 : i32
      %dma_wait3A_102 = tpu.memref_slice %arg21[%mul3A_89, %dma_wait3A_101] : memref<10240x128xf32, #tpu.memory_space<vmem_shared>> -> memref<640x128xf32, #tpu.memory_space<vmem_shared>>
      tpu.wait_dma2 semaphore(%run_scoped3A : memref<!tpu.dma_semaphore, #tpu.memory_space<semaphore_mem>>) src(%dma_wait3A_102 : memref<640x128xf32, #tpu.memory_space<vmem_shared>>) dst(%dma_wait3A_100 : memref<640x128xf32, #tpu.memory_space<hbm>>)
      tpu.yield
    }) : () -> ()
    return
  }
}

#map = affine_map<(d0, d1) -> (0, 0)>
#map1 = affine_map<(d0, d1) -> (0)>
module attributes {stable_mosaic.version = 14 : i64} {
  func.func @_sc_pool(%arg0: i32, %arg1: i32, %arg2: memref<20480x128xf32, #tpu.memory_space<hbm>>, %arg3: memref<10240xi32, #tpu.memory_space<hbm>>, %arg4: memref<10240x128xf32, #tpu.memory_space<hbm>>, %arg5: memref<5120x128xf32, #tpu.memory_space<hbm>>, %arg6: memref<128xi32, #tpu.memory_space<vmem>>, %arg7: memref<128x128xf32, #tpu.memory_space<vmem>>, %arg8: memref<128x128xf32, #tpu.memory_space<vmem>>, %arg9: memref<5120x128xf32, #tpu.memory_space<vmem_shared>>, %arg10: memref<5120x128xf32, #tpu.memory_space<vmem_shared>>) attributes {dimension_semantics = [#tpu.dimension_semantics<core_parallel>, #tpu.dimension_semantics<subcore_parallel>], iteration_bounds = array<i64: 2, 16>, scalar_prefetch = 0 : i64, scratch_operands = 5 : i64, tpu.core_type = #tpu.core_type<sc_vector_subcore>, window_params = [{transform_indices = #map}, {transform_indices = #map1}, {transform_indices = #map}, {transform_indices = #map}]} {
    %broadcast_in_dim3A = arith.constant 0.000000e+00 : f32
    %broadcast_in_dim3A_0 = vector.broadcast %broadcast_in_dim3A : f32 to vector<16xf32>
    %scan3A = arith.constant 0 : i32
    %scan3A_1 = arith.constant 0 : i32
    %scan3A_2 = arith.constant 128 : i32
    %scan3A_3 = arith.addi %scan3A_1, %scan3A_2 : i32
    %scan3A_4 = arith.constant 1 : i32
    scf.for %scan3A_58 = %scan3A_1 to %scan3A_3 step %scan3A_4  : i32 {
      %swap3A = arith.index_cast %scan3A_58 : i32 to index
      %swap3A_59 = arith.constant 0 : index
      %swap3A_60 = tpu.vector_load %arg7[%swap3A, %swap3A_59] {strides = array<i32>} : memref<128x128xf32, #tpu.memory_space<vmem>>, vector<1x16xf32>,
      %swap3A_61 = vector.shape_cast %swap3A_60 : vector<1x16xf32> to vector<16xf32>
      %swap3A_62 = vector.shape_cast %broadcast_in_dim3A_0 : vector<16xf32> to vector<1x16xf32>
      tpu.vector_store %arg7[%swap3A, %swap3A_59], %swap3A_62 {strides = array<i32>} : memref<128x128xf32, #tpu.memory_space<vmem>>, vector<1x16xf32>,
      %swap3A_63 = arith.index_cast %scan3A_58 : i32 to index
      %swap3A_64 = arith.constant 16 : index
      %swap3A_65 = tpu.vector_load %arg7[%swap3A_63, %swap3A_64] {strides = array<i32>} : memref<128x128xf32, #tpu.memory_space<vmem>>, vector<1x16xf32>,
      %swap3A_66 = vector.shape_cast %swap3A_65 : vector<1x16xf32> to vector<16xf32>
      %swap3A_67 = vector.shape_cast %broadcast_in_dim3A_0 : vector<16xf32> to vector<1x16xf32>
      tpu.vector_store %arg7[%swap3A_63, %swap3A_64], %swap3A_67 {strides = array<i32>} : memref<128x128xf32, #tpu.memory_space<vmem>>, vector<1x16xf32>,
      %swap3A_68 = arith.index_cast %scan3A_58 : i32 to index
      %swap3A_69 = arith.constant 32 : index
      %swap3A_70 = tpu.vector_load %arg7[%swap3A_68, %swap3A_69] {strides = array<i32>} : memref<128x128xf32, #tpu.memory_space<vmem>>, vector<1x16xf32>,
      %swap3A_71 = vector.shape_cast %swap3A_70 : vector<1x16xf32> to vector<16xf32>
      %swap3A_72 = vector.shape_cast %broadcast_in_dim3A_0 : vector<16xf32> to vector<1x16xf32>
      tpu.vector_store %arg7[%swap3A_68, %swap3A_69], %swap3A_72 {strides = array<i32>} : memref<128x128xf32, #tpu.memory_space<vmem>>, vector<1x16xf32>,
      %swap3A_73 = arith.index_cast %scan3A_58 : i32 to index
      %swap3A_74 = arith.constant 48 : index
      %swap3A_75 = tpu.vector_load %arg7[%swap3A_73, %swap3A_74] {strides = array<i32>} : memref<128x128xf32, #tpu.memory_space<vmem>>, vector<1x16xf32>,
      %swap3A_76 = vector.shape_cast %swap3A_75 : vector<1x16xf32> to vector<16xf32>
      %swap3A_77 = vector.shape_cast %broadcast_in_dim3A_0 : vector<16xf32> to vector<1x16xf32>
      tpu.vector_store %arg7[%swap3A_73, %swap3A_74], %swap3A_77 {strides = array<i32>} : memref<128x128xf32, #tpu.memory_space<vmem>>, vector<1x16xf32>,
      %swap3A_78 = arith.index_cast %scan3A_58 : i32 to index
      %swap3A_79 = arith.constant 64 : index
      %swap3A_80 = tpu.vector_load %arg7[%swap3A_78, %swap3A_79] {strides = array<i32>} : memref<128x128xf32, #tpu.memory_space<vmem>>, vector<1x16xf32>,
      %swap3A_81 = vector.shape_cast %swap3A_80 : vector<1x16xf32> to vector<16xf32>
      %swap3A_82 = vector.shape_cast %broadcast_in_dim3A_0 : vector<16xf32> to vector<1x16xf32>
      tpu.vector_store %arg7[%swap3A_78, %swap3A_79], %swap3A_82 {strides = array<i32>} : memref<128x128xf32, #tpu.memory_space<vmem>>, vector<1x16xf32>,
      %swap3A_83 = arith.index_cast %scan3A_58 : i32 to index
      %swap3A_84 = arith.constant 80 : index
      %swap3A_85 = tpu.vector_load %arg7[%swap3A_83, %swap3A_84] {strides = array<i32>} : memref<128x128xf32, #tpu.memory_space<vmem>>, vector<1x16xf32>,
      %swap3A_86 = vector.shape_cast %swap3A_85 : vector<1x16xf32> to vector<16xf32>
      %swap3A_87 = vector.shape_cast %broadcast_in_dim3A_0 : vector<16xf32> to vector<1x16xf32>
      tpu.vector_store %arg7[%swap3A_83, %swap3A_84], %swap3A_87 {strides = array<i32>} : memref<128x128xf32, #tpu.memory_space<vmem>>, vector<1x16xf32>,
      %swap3A_88 = arith.index_cast %scan3A_58 : i32 to index
      %swap3A_89 = arith.constant 96 : index
      %swap3A_90 = tpu.vector_load %arg7[%swap3A_88, %swap3A_89] {strides = array<i32>} : memref<128x128xf32, #tpu.memory_space<vmem>>, vector<1x16xf32>,
      %swap3A_91 = vector.shape_cast %swap3A_90 : vector<1x16xf32> to vector<16xf32>
      %swap3A_92 = vector.shape_cast %broadcast_in_dim3A_0 : vector<16xf32> to vector<1x16xf32>
      tpu.vector_store %arg7[%swap3A_88, %swap3A_89], %swap3A_92 {strides = array<i32>} : memref<128x128xf32, #tpu.memory_space<vmem>>, vector<1x16xf32>,
      %swap3A_93 = arith.index_cast %scan3A_58 : i32 to index
      %swap3A_94 = arith.constant 112 : index
      %swap3A_95 = tpu.vector_load %arg7[%swap3A_93, %swap3A_94] {strides = array<i32>} : memref<128x128xf32, #tpu.memory_space<vmem>>, vector<1x16xf32>,
      %swap3A_96 = vector.shape_cast %swap3A_95 : vector<1x16xf32> to vector<16xf32>
      %swap3A_97 = vector.shape_cast %broadcast_in_dim3A_0 : vector<16xf32> to vector<1x16xf32>
      tpu.vector_store %arg7[%swap3A_93, %swap3A_94], %swap3A_97 {strides = array<i32>} : memref<128x128xf32, #tpu.memory_space<vmem>>, vector<1x16xf32>,
    }
    %scan3A_5 = arith.constant 128 : i32
    %iota3A = tpu.iota {dimensions = array<i32: 0>} : vector<16xi32>
    %eq3A = arith.constant 0 : i32
    %eq3A_6 = vector.broadcast %eq3A : i32 to vector<16xi32>
    %eq3A_7 = arith.cmpi eq, %iota3A, %eq3A_6 : vector<16xi32>
    %jit3A = arith.constant 1.000000e+00 : f32
    %jit3A_8 = arith.constant 0.000000e+00 : f32
    %broadcast_in_dim3A_9 = vector.broadcast %jit3A : f32 to vector<16xf32>
    %broadcast_in_dim3A_10 = vector.broadcast %jit3A_8 : f32 to vector<16xf32>
    %select_n3A = arith.select %eq3A_7, %broadcast_in_dim3A_9, %broadcast_in_dim3A_10 : vector<16xi1>, vector<16xf32>
    %broadcast_in_dim3A_11 = arith.constant 0.000000e+00 : f32
    %broadcast_in_dim3A_12 = vector.broadcast %broadcast_in_dim3A_11 : f32 to vector<16xf32>
    %scan3A_13 = arith.constant 0 : i32
    %scan3A_14 = arith.constant 0 : i32
    %scan3A_15 = arith.constant 128 : i32
    %scan3A_16 = arith.addi %scan3A_14, %scan3A_15 : i32
    %scan3A_17 = arith.constant 1 : i32
    scf.for %scan3A_58 = %scan3A_14 to %scan3A_16 step %scan3A_17  : i32 {
      %swap3A = arith.index_cast %scan3A_58 : i32 to index
      %swap3A_59 = arith.constant 0 : index
      %swap3A_60 = tpu.vector_load %arg8[%swap3A, %swap3A_59] {strides = array<i32>} : memref<128x128xf32, #tpu.memory_space<vmem>>, vector<1x16xf32>,
      %swap3A_61 = vector.shape_cast %swap3A_60 : vector<1x16xf32> to vector<16xf32>
      %swap3A_62 = vector.shape_cast %select_n3A : vector<16xf32> to vector<1x16xf32>
      tpu.vector_store %arg8[%swap3A, %swap3A_59], %swap3A_62 {strides = array<i32>} : memref<128x128xf32, #tpu.memory_space<vmem>>, vector<1x16xf32>,
      %swap3A_63 = arith.index_cast %scan3A_58 : i32 to index
      %swap3A_64 = arith.constant 16 : index
      %swap3A_65 = tpu.vector_load %arg8[%swap3A_63, %swap3A_64] {strides = array<i32>} : memref<128x128xf32, #tpu.memory_space<vmem>>, vector<1x16xf32>,
      %swap3A_66 = vector.shape_cast %swap3A_65 : vector<1x16xf32> to vector<16xf32>
      %swap3A_67 = vector.shape_cast %broadcast_in_dim3A_12 : vector<16xf32> to vector<1x16xf32>
      tpu.vector_store %arg8[%swap3A_63, %swap3A_64], %swap3A_67 {strides = array<i32>} : memref<128x128xf32, #tpu.memory_space<vmem>>, vector<1x16xf32>,
      %swap3A_68 = arith.index_cast %scan3A_58 : i32 to index
      %swap3A_69 = arith.constant 32 : index
      %swap3A_70 = tpu.vector_load %arg8[%swap3A_68, %swap3A_69] {strides = array<i32>} : memref<128x128xf32, #tpu.memory_space<vmem>>, vector<1x16xf32>,
      %swap3A_71 = vector.shape_cast %swap3A_70 : vector<1x16xf32> to vector<16xf32>
      %swap3A_72 = vector.shape_cast %broadcast_in_dim3A_12 : vector<16xf32> to vector<1x16xf32>
      tpu.vector_store %arg8[%swap3A_68, %swap3A_69], %swap3A_72 {strides = array<i32>} : memref<128x128xf32, #tpu.memory_space<vmem>>, vector<1x16xf32>,
      %swap3A_73 = arith.index_cast %scan3A_58 : i32 to index
      %swap3A_74 = arith.constant 48 : index
      %swap3A_75 = tpu.vector_load %arg8[%swap3A_73, %swap3A_74] {strides = array<i32>} : memref<128x128xf32, #tpu.memory_space<vmem>>, vector<1x16xf32>,
      %swap3A_76 = vector.shape_cast %swap3A_75 : vector<1x16xf32> to vector<16xf32>
      %swap3A_77 = vector.shape_cast %broadcast_in_dim3A_12 : vector<16xf32> to vector<1x16xf32>
      tpu.vector_store %arg8[%swap3A_73, %swap3A_74], %swap3A_77 {strides = array<i32>} : memref<128x128xf32, #tpu.memory_space<vmem>>, vector<1x16xf32>,
      %swap3A_78 = arith.index_cast %scan3A_58 : i32 to index
      %swap3A_79 = arith.constant 64 : index
      %swap3A_80 = tpu.vector_load %arg8[%swap3A_78, %swap3A_79] {strides = array<i32>} : memref<128x128xf32, #tpu.memory_space<vmem>>, vector<1x16xf32>,
      %swap3A_81 = vector.shape_cast %swap3A_80 : vector<1x16xf32> to vector<16xf32>
      %swap3A_82 = vector.shape_cast %broadcast_in_dim3A_12 : vector<16xf32> to vector<1x16xf32>
      tpu.vector_store %arg8[%swap3A_78, %swap3A_79], %swap3A_82 {strides = array<i32>} : memref<128x128xf32, #tpu.memory_space<vmem>>, vector<1x16xf32>,
      %swap3A_83 = arith.index_cast %scan3A_58 : i32 to index
      %swap3A_84 = arith.constant 80 : index
      %swap3A_85 = tpu.vector_load %arg8[%swap3A_83, %swap3A_84] {strides = array<i32>} : memref<128x128xf32, #tpu.memory_space<vmem>>, vector<1x16xf32>,
      %swap3A_86 = vector.shape_cast %swap3A_85 : vector<1x16xf32> to vector<16xf32>
      %swap3A_87 = vector.shape_cast %broadcast_in_dim3A_12 : vector<16xf32> to vector<1x16xf32>
      tpu.vector_store %arg8[%swap3A_83, %swap3A_84], %swap3A_87 {strides = array<i32>} : memref<128x128xf32, #tpu.memory_space<vmem>>, vector<1x16xf32>,
      %swap3A_88 = arith.index_cast %scan3A_58 : i32 to index
      %swap3A_89 = arith.constant 96 : index
      %swap3A_90 = tpu.vector_load %arg8[%swap3A_88, %swap3A_89] {strides = array<i32>} : memref<128x128xf32, #tpu.memory_space<vmem>>, vector<1x16xf32>,
      %swap3A_91 = vector.shape_cast %swap3A_90 : vector<1x16xf32> to vector<16xf32>
      %swap3A_92 = vector.shape_cast %broadcast_in_dim3A_12 : vector<16xf32> to vector<1x16xf32>
      tpu.vector_store %arg8[%swap3A_88, %swap3A_89], %swap3A_92 {strides = array<i32>} : memref<128x128xf32, #tpu.memory_space<vmem>>, vector<1x16xf32>,
      %swap3A_93 = arith.index_cast %scan3A_58 : i32 to index
      %swap3A_94 = arith.constant 112 : index
      %swap3A_95 = tpu.vector_load %arg8[%swap3A_93, %swap3A_94] {strides = array<i32>} : memref<128x128xf32, #tpu.memory_space<vmem>>, vector<1x16xf32>,
      %swap3A_96 = vector.shape_cast %swap3A_95 : vector<1x16xf32> to vector<16xf32>
      %swap3A_97 = vector.shape_cast %broadcast_in_dim3A_12 : vector<16xf32> to vector<1x16xf32>
      tpu.vector_store %arg8[%swap3A_93, %swap3A_94], %swap3A_97 {strides = array<i32>} : memref<128x128xf32, #tpu.memory_space<vmem>>, vector<1x16xf32>,
    }
    %scan3A_18 = arith.constant 128 : i32
    %mul3A = arith.constant 320 : i32
    %mul3A_19 = arith.muli %arg1, %mul3A : i32
    %add3A = arith.constant 0 : i32
    %add3A_20 = arith.addi %mul3A_19, %add3A : i32
    "tpu.region"() ({
      %run_scoped3A = tpu.sem_alloc : memref<!tpu.dma_semaphore, #tpu.memory_space<semaphore_mem>>
      %dma_start3A = arith.constant 0 : i32
      %dma_start3A_58 = tpu.memref_slice %arg9[%add3A_20, %dma_start3A] : memref<5120x128xf32, #tpu.memory_space<vmem_shared>> -> memref<128x128xf32, #tpu.memory_space<vmem_shared>>
      %dma_start3A_59 = arith.constant 0 : i32
      %dma_start3A_60 = tpu.memref_slice %arg9[%add3A_20, %dma_start3A_59] : memref<5120x128xf32, #tpu.memory_space<vmem_shared>> -> memref<128x128xf32, #tpu.memory_space<vmem_shared>>
      tpu.enqueue_dma source(%arg7 : memref<128x128xf32, #tpu.memory_space<vmem>>) target(%dma_start3A_60 : memref<128x128xf32, #tpu.memory_space<vmem_shared>>) target_semaphore(%run_scoped3A : memref<!tpu.dma_semaphore, #tpu.memory_space<semaphore_mem>>)
      %dma_wait3A = arith.constant 0 : i32
      %dma_wait3A_61 = tpu.memref_slice %arg9[%add3A_20, %dma_wait3A] : memref<5120x128xf32, #tpu.memory_space<vmem_shared>> -> memref<128x128xf32, #tpu.memory_space<vmem_shared>>
      %dma_wait3A_62 = arith.constant 0 : i32
      %dma_wait3A_63 = tpu.memref_slice %arg9[%add3A_20, %dma_wait3A_62] : memref<5120x128xf32, #tpu.memory_space<vmem_shared>> -> memref<128x128xf32, #tpu.memory_space<vmem_shared>>
      tpu.wait_dma2 semaphore(%run_scoped3A : memref<!tpu.dma_semaphore, #tpu.memory_space<semaphore_mem>>) src(%arg7 : memref<128x128xf32, #tpu.memory_space<vmem>>) dst(%dma_wait3A_63 : memref<128x128xf32, #tpu.memory_space<vmem_shared>>)
      tpu.yield
    }) : () -> ()
    %mul3A_21 = arith.constant 320 : i32
    %mul3A_22 = arith.muli %arg1, %mul3A_21 : i32
    %add3A_23 = arith.constant 0 : i32
    %add3A_24 = arith.addi %mul3A_22, %add3A_23 : i32
    "tpu.region"() ({
      %run_scoped3A = tpu.sem_alloc : memref<!tpu.dma_semaphore, #tpu.memory_space<semaphore_mem>>
      %dma_start3A = arith.constant 0 : i32
      %dma_start3A_58 = tpu.memref_slice %arg10[%add3A_24, %dma_start3A] : memref<5120x128xf32, #tpu.memory_space<vmem_shared>> -> memref<128x128xf32, #tpu.memory_space<vmem_shared>>
      %dma_start3A_59 = arith.constant 0 : i32
      %dma_start3A_60 = tpu.memref_slice %arg10[%add3A_24, %dma_start3A_59] : memref<5120x128xf32, #tpu.memory_space<vmem_shared>> -> memref<128x128xf32, #tpu.memory_space<vmem_shared>>
      tpu.enqueue_dma source(%arg7 : memref<128x128xf32, #tpu.memory_space<vmem>>) target(%dma_start3A_60 : memref<128x128xf32, #tpu.memory_space<vmem_shared>>) target_semaphore(%run_scoped3A : memref<!tpu.dma_semaphore, #tpu.memory_space<semaphore_mem>>)
      %dma_wait3A = arith.constant 0 : i32
      %dma_wait3A_61 = tpu.memref_slice %arg10[%add3A_24, %dma_wait3A] : memref<5120x128xf32, #tpu.memory_space<vmem_shared>> -> memref<128x128xf32, #tpu.memory_space<vmem_shared>>
      %dma_wait3A_62 = arith.constant 0 : i32
      %dma_wait3A_63 = tpu.memref_slice %arg10[%add3A_24, %dma_wait3A_62] : memref<5120x128xf32, #tpu.memory_space<vmem_shared>> -> memref<128x128xf32, #tpu.memory_space<vmem_shared>>
      tpu.wait_dma2 semaphore(%run_scoped3A : memref<!tpu.dma_semaphore, #tpu.memory_space<semaphore_mem>>) src(%arg7 : memref<128x128xf32, #tpu.memory_space<vmem>>) dst(%dma_wait3A_63 : memref<128x128xf32, #tpu.memory_space<vmem_shared>>)
      tpu.yield
    }) : () -> ()
    %mul3A_25 = arith.constant 320 : i32
    %mul3A_26 = arith.muli %arg1, %mul3A_25 : i32
    %add3A_27 = arith.constant 128 : i32
    %add3A_28 = arith.addi %mul3A_26, %add3A_27 : i32
    "tpu.region"() ({
      %run_scoped3A = tpu.sem_alloc : memref<!tpu.dma_semaphore, #tpu.memory_space<semaphore_mem>>
      %dma_start3A = arith.constant 0 : i32
      %dma_start3A_58 = tpu.memref_slice %arg9[%add3A_28, %dma_start3A] : memref<5120x128xf32, #tpu.memory_space<vmem_shared>> -> memref<128x128xf32, #tpu.memory_space<vmem_shared>>
      %dma_start3A_59 = arith.constant 0 : i32
      %dma_start3A_60 = tpu.memref_slice %arg9[%add3A_28, %dma_start3A_59] : memref<5120x128xf32, #tpu.memory_space<vmem_shared>> -> memref<128x128xf32, #tpu.memory_space<vmem_shared>>
      tpu.enqueue_dma source(%arg7 : memref<128x128xf32, #tpu.memory_space<vmem>>) target(%dma_start3A_60 : memref<128x128xf32, #tpu.memory_space<vmem_shared>>) target_semaphore(%run_scoped3A : memref<!tpu.dma_semaphore, #tpu.memory_space<semaphore_mem>>)
      %dma_wait3A = arith.constant 0 : i32
      %dma_wait3A_61 = tpu.memref_slice %arg9[%add3A_28, %dma_wait3A] : memref<5120x128xf32, #tpu.memory_space<vmem_shared>> -> memref<128x128xf32, #tpu.memory_space<vmem_shared>>
      %dma_wait3A_62 = arith.constant 0 : i32
      %dma_wait3A_63 = tpu.memref_slice %arg9[%add3A_28, %dma_wait3A_62] : memref<5120x128xf32, #tpu.memory_space<vmem_shared>> -> memref<128x128xf32, #tpu.memory_space<vmem_shared>>
      tpu.wait_dma2 semaphore(%run_scoped3A : memref<!tpu.dma_semaphore, #tpu.memory_space<semaphore_mem>>) src(%arg7 : memref<128x128xf32, #tpu.memory_space<vmem>>) dst(%dma_wait3A_63 : memref<128x128xf32, #tpu.memory_space<vmem_shared>>)
      tpu.yield
    }) : () -> ()
    %mul3A_29 = arith.constant 320 : i32
    %mul3A_30 = arith.muli %arg1, %mul3A_29 : i32
    %add3A_31 = arith.constant 128 : i32
    %add3A_32 = arith.addi %mul3A_30, %add3A_31 : i32
    "tpu.region"() ({
      %run_scoped3A = tpu.sem_alloc : memref<!tpu.dma_semaphore, #tpu.memory_space<semaphore_mem>>
      %dma_start3A = arith.constant 0 : i32
      %dma_start3A_58 = tpu.memref_slice %arg10[%add3A_32, %dma_start3A] : memref<5120x128xf32, #tpu.memory_space<vmem_shared>> -> memref<128x128xf32, #tpu.memory_space<vmem_shared>>
      %dma_start3A_59 = arith.constant 0 : i32
      %dma_start3A_60 = tpu.memref_slice %arg10[%add3A_32, %dma_start3A_59] : memref<5120x128xf32, #tpu.memory_space<vmem_shared>> -> memref<128x128xf32, #tpu.memory_space<vmem_shared>>
      tpu.enqueue_dma source(%arg7 : memref<128x128xf32, #tpu.memory_space<vmem>>) target(%dma_start3A_60 : memref<128x128xf32, #tpu.memory_space<vmem_shared>>) target_semaphore(%run_scoped3A : memref<!tpu.dma_semaphore, #tpu.memory_space<semaphore_mem>>)
      %dma_wait3A = arith.constant 0 : i32
      %dma_wait3A_61 = tpu.memref_slice %arg10[%add3A_32, %dma_wait3A] : memref<5120x128xf32, #tpu.memory_space<vmem_shared>> -> memref<128x128xf32, #tpu.memory_space<vmem_shared>>
      %dma_wait3A_62 = arith.constant 0 : i32
      %dma_wait3A_63 = tpu.memref_slice %arg10[%add3A_32, %dma_wait3A_62] : memref<5120x128xf32, #tpu.memory_space<vmem_shared>> -> memref<128x128xf32, #tpu.memory_space<vmem_shared>>
      tpu.wait_dma2 semaphore(%run_scoped3A : memref<!tpu.dma_semaphore, #tpu.memory_space<semaphore_mem>>) src(%arg7 : memref<128x128xf32, #tpu.memory_space<vmem>>) dst(%dma_wait3A_63 : memref<128x128xf32, #tpu.memory_space<vmem_shared>>)
      tpu.yield
    }) : () -> ()
    %mul3A_33 = arith.constant 320 : i32
    %mul3A_34 = arith.muli %arg1, %mul3A_33 : i32
    %add3A_35 = arith.constant 256 : i32
    %add3A_36 = arith.addi %mul3A_34, %add3A_35 : i32
    "tpu.region"() ({
      %run_scoped3A = tpu.sem_alloc : memref<!tpu.dma_semaphore, #tpu.memory_space<semaphore_mem>>
      %dma_start3A = arith.constant 0 : i32
      %dma_start3A_58 = arith.constant 0 : i32
      %dma_start3A_59 = tpu.memref_slice %arg7[%dma_start3A, %dma_start3A_58] : memref<128x128xf32, #tpu.memory_space<vmem>> -> memref<64x128xf32, #tpu.memory_space<vmem>>
      %dma_start3A_60 = arith.constant 0 : i32
      %dma_start3A_61 = tpu.memref_slice %arg9[%add3A_36, %dma_start3A_60] : memref<5120x128xf32, #tpu.memory_space<vmem_shared>> -> memref<64x128xf32, #tpu.memory_space<vmem_shared>>
      %dma_start3A_62 = arith.constant 0 : i32
      %dma_start3A_63 = tpu.memref_slice %arg9[%add3A_36, %dma_start3A_62] : memref<5120x128xf32, #tpu.memory_space<vmem_shared>> -> memref<64x128xf32, #tpu.memory_space<vmem_shared>>
      %dma_start3A_64 = arith.constant 0 : i32
      %dma_start3A_65 = arith.constant 0 : i32
      %dma_start3A_66 = tpu.memref_slice %arg7[%dma_start3A_64, %dma_start3A_65] : memref<128x128xf32, #tpu.memory_space<vmem>> -> memref<64x128xf32, #tpu.memory_space<vmem>>
      tpu.enqueue_dma source(%dma_start3A_66 : memref<64x128xf32, #tpu.memory_space<vmem>>) target(%dma_start3A_63 : memref<64x128xf32, #tpu.memory_space<vmem_shared>>) target_semaphore(%run_scoped3A : memref<!tpu.dma_semaphore, #tpu.memory_space<semaphore_mem>>)
      %dma_wait3A = arith.constant 0 : i32
      %dma_wait3A_67 = arith.constant 0 : i32
      %dma_wait3A_68 = tpu.memref_slice %arg7[%dma_wait3A, %dma_wait3A_67] : memref<128x128xf32, #tpu.memory_space<vmem>> -> memref<64x128xf32, #tpu.memory_space<vmem>>
      %dma_wait3A_69 = arith.constant 0 : i32
      %dma_wait3A_70 = tpu.memref_slice %arg9[%add3A_36, %dma_wait3A_69] : memref<5120x128xf32, #tpu.memory_space<vmem_shared>> -> memref<64x128xf32, #tpu.memory_space<vmem_shared>>
      %dma_wait3A_71 = arith.constant 0 : i32
      %dma_wait3A_72 = tpu.memref_slice %arg9[%add3A_36, %dma_wait3A_71] : memref<5120x128xf32, #tpu.memory_space<vmem_shared>> -> memref<64x128xf32, #tpu.memory_space<vmem_shared>>
      %dma_wait3A_73 = arith.constant 0 : i32
      %dma_wait3A_74 = arith.constant 0 : i32
      %dma_wait3A_75 = tpu.memref_slice %arg7[%dma_wait3A_73, %dma_wait3A_74] : memref<128x128xf32, #tpu.memory_space<vmem>> -> memref<64x128xf32, #tpu.memory_space<vmem>>
      tpu.wait_dma2 semaphore(%run_scoped3A : memref<!tpu.dma_semaphore, #tpu.memory_space<semaphore_mem>>) src(%dma_wait3A_75 : memref<64x128xf32, #tpu.memory_space<vmem>>) dst(%dma_wait3A_72 : memref<64x128xf32, #tpu.memory_space<vmem_shared>>)
      tpu.yield
    }) : () -> ()
    %mul3A_37 = arith.constant 320 : i32
    %mul3A_38 = arith.muli %arg1, %mul3A_37 : i32
    %add3A_39 = arith.constant 256 : i32
    %add3A_40 = arith.addi %mul3A_38, %add3A_39 : i32
    "tpu.region"() ({
      %run_scoped3A = tpu.sem_alloc : memref<!tpu.dma_semaphore, #tpu.memory_space<semaphore_mem>>
      %dma_start3A = arith.constant 0 : i32
      %dma_start3A_58 = arith.constant 0 : i32
      %dma_start3A_59 = tpu.memref_slice %arg7[%dma_start3A, %dma_start3A_58] : memref<128x128xf32, #tpu.memory_space<vmem>> -> memref<64x128xf32, #tpu.memory_space<vmem>>
      %dma_start3A_60 = arith.constant 0 : i32
      %dma_start3A_61 = tpu.memref_slice %arg10[%add3A_40, %dma_start3A_60] : memref<5120x128xf32, #tpu.memory_space<vmem_shared>> -> memref<64x128xf32, #tpu.memory_space<vmem_shared>>
      %dma_start3A_62 = arith.constant 0 : i32
      %dma_start3A_63 = tpu.memref_slice %arg10[%add3A_40, %dma_start3A_62] : memref<5120x128xf32, #tpu.memory_space<vmem_shared>> -> memref<64x128xf32, #tpu.memory_space<vmem_shared>>
      %dma_start3A_64 = arith.constant 0 : i32
      %dma_start3A_65 = arith.constant 0 : i32
      %dma_start3A_66 = tpu.memref_slice %arg7[%dma_start3A_64, %dma_start3A_65] : memref<128x128xf32, #tpu.memory_space<vmem>> -> memref<64x128xf32, #tpu.memory_space<vmem>>
      tpu.enqueue_dma source(%dma_start3A_66 : memref<64x128xf32, #tpu.memory_space<vmem>>) target(%dma_start3A_63 : memref<64x128xf32, #tpu.memory_space<vmem_shared>>) target_semaphore(%run_scoped3A : memref<!tpu.dma_semaphore, #tpu.memory_space<semaphore_mem>>)
      %dma_wait3A = arith.constant 0 : i32
      %dma_wait3A_67 = arith.constant 0 : i32
      %dma_wait3A_68 = tpu.memref_slice %arg7[%dma_wait3A, %dma_wait3A_67] : memref<128x128xf32, #tpu.memory_space<vmem>> -> memref<64x128xf32, #tpu.memory_space<vmem>>
      %dma_wait3A_69 = arith.constant 0 : i32
      %dma_wait3A_70 = tpu.memref_slice %arg10[%add3A_40, %dma_wait3A_69] : memref<5120x128xf32, #tpu.memory_space<vmem_shared>> -> memref<64x128xf32, #tpu.memory_space<vmem_shared>>
      %dma_wait3A_71 = arith.constant 0 : i32
      %dma_wait3A_72 = tpu.memref_slice %arg10[%add3A_40, %dma_wait3A_71] : memref<5120x128xf32, #tpu.memory_space<vmem_shared>> -> memref<64x128xf32, #tpu.memory_space<vmem_shared>>
      %dma_wait3A_73 = arith.constant 0 : i32
      %dma_wait3A_74 = arith.constant 0 : i32
      %dma_wait3A_75 = tpu.memref_slice %arg7[%dma_wait3A_73, %dma_wait3A_74] : memref<128x128xf32, #tpu.memory_space<vmem>> -> memref<64x128xf32, #tpu.memory_space<vmem>>
      tpu.wait_dma2 semaphore(%run_scoped3A : memref<!tpu.dma_semaphore, #tpu.memory_space<semaphore_mem>>) src(%dma_wait3A_75 : memref<64x128xf32, #tpu.memory_space<vmem>>) dst(%dma_wait3A_72 : memref<64x128xf32, #tpu.memory_space<vmem_shared>>)
      tpu.yield
    }) : () -> ()
    %barrier3A = arith.constant 0 : index
    tpu.barrier barrier_id(%barrier3A)
    %scan3A_41 = arith.constant 0 : i32
    %scan3A_42 = arith.constant 0 : i32
    %scan3A_43 = arith.constant 5 : i32
    %scan3A_44 = arith.addi %scan3A_42, %scan3A_43 : i32
    %scan3A_45 = arith.constant 1 : i32
    scf.for %scan3A_58 = %scan3A_42 to %scan3A_44 step %scan3A_45  : i32 {
      %mul3A_59 = arith.constant 640 : i32
      %mul3A_60 = arith.muli %arg1, %mul3A_59 : i32
      %mul3A_61 = arith.constant 128 : i32
      %mul3A_62 = arith.muli %scan3A_58, %mul3A_61 : i32
      %add3A_63 = arith.addi %mul3A_60, %mul3A_62 : i32
      "tpu.region"() ({
        %run_scoped3A = tpu.sem_alloc : memref<!tpu.dma_semaphore, #tpu.memory_space<semaphore_mem>>
        %dma_start3A = tpu.memref_slice %arg3[%add3A_63] : memref<10240xi32, #tpu.memory_space<hbm>> -> memref<128xi32, #tpu.memory_space<hbm>>
        %dma_start3A_72 = tpu.memref_slice %arg3[%add3A_63] : memref<10240xi32, #tpu.memory_space<hbm>> -> memref<128xi32, #tpu.memory_space<hbm>>
        tpu.enqueue_dma source(%dma_start3A_72 : memref<128xi32, #tpu.memory_space<hbm>>) target(%arg6 : memref<128xi32, #tpu.memory_space<vmem>>) target_semaphore(%run_scoped3A : memref<!tpu.dma_semaphore, #tpu.memory_space<semaphore_mem>>)
        %dma_wait3A = tpu.memref_slice %arg3[%add3A_63] : memref<10240xi32, #tpu.memory_space<hbm>> -> memref<128xi32, #tpu.memory_space<hbm>>
        %dma_wait3A_73 = tpu.memref_slice %arg3[%add3A_63] : memref<10240xi32, #tpu.memory_space<hbm>> -> memref<128xi32, #tpu.memory_space<hbm>>
        tpu.wait_dma2 semaphore(%run_scoped3A : memref<!tpu.dma_semaphore, #tpu.memory_space<semaphore_mem>>) src(%dma_wait3A_73 : memref<128xi32, #tpu.memory_space<hbm>>) dst(%arg6 : memref<128xi32, #tpu.memory_space<vmem>>)
        tpu.yield
      }) : () -> ()
      %mul3A_64 = arith.constant 10240 : i32
      %mul3A_65 = arith.muli %arg0, %mul3A_64 : i32
      %add3A_66 = arith.addi %mul3A_65, %add3A_63 : i32
      "tpu.region"() ({
        %run_scoped3A = tpu.sem_alloc : memref<!tpu.dma_semaphore, #tpu.memory_space<semaphore_mem>>
        %dma_start3A = arith.constant 0 : i32
        %dma_start3A_72 = tpu.memref_slice %arg2[%add3A_66, %dma_start3A] : memref<20480x128xf32, #tpu.memory_space<hbm>> -> memref<128x128xf32, #tpu.memory_space<hbm>>
        %dma_start3A_73 = arith.constant 0 : i32
        %dma_start3A_74 = tpu.memref_slice %arg2[%add3A_66, %dma_start3A_73] : memref<20480x128xf32, #tpu.memory_space<hbm>> -> memref<128x128xf32, #tpu.memory_space<hbm>>
        tpu.enqueue_dma source(%dma_start3A_74 : memref<128x128xf32, #tpu.memory_space<hbm>>) target(%arg7 : memref<128x128xf32, #tpu.memory_space<vmem>>) target_semaphore(%run_scoped3A : memref<!tpu.dma_semaphore, #tpu.memory_space<semaphore_mem>>)
        %dma_wait3A = arith.constant 0 : i32
        %dma_wait3A_75 = tpu.memref_slice %arg2[%add3A_66, %dma_wait3A] : memref<20480x128xf32, #tpu.memory_space<hbm>> -> memref<128x128xf32, #tpu.memory_space<hbm>>
        %dma_wait3A_76 = arith.constant 0 : i32
        %dma_wait3A_77 = tpu.memref_slice %arg2[%add3A_66, %dma_wait3A_76] : memref<20480x128xf32, #tpu.memory_space<hbm>> -> memref<128x128xf32, #tpu.memory_space<hbm>>
        tpu.wait_dma2 semaphore(%run_scoped3A : memref<!tpu.dma_semaphore, #tpu.memory_space<semaphore_mem>>) src(%dma_wait3A_77 : memref<128x128xf32, #tpu.memory_space<hbm>>) dst(%arg7 : memref<128x128xf32, #tpu.memory_space<vmem>>)
        tpu.yield
      }) : () -> ()
      "tpu.region"() ({
        %run_scoped3A = tpu.sem_alloc : memref<!tpu.dma_semaphore, #tpu.memory_space<semaphore_mem>>
        %dma_start3A = arith.constant 0 : i32
        %dma_start3A_72 = arith.constant 0 : i32
        %dma_start3A_73 = tpu.memref_slice %arg9[%dma_start3A, %dma_start3A_72] : memref<5120x128xf32, #tpu.memory_space<vmem_shared>> -> memref<5120x128xf32, #tpu.memory_space<vmem_shared>>
        tpu.enqueue_indirect_dma source(%arg7 : memref<128x128xf32, #tpu.memory_space<vmem>>) target(%dma_start3A_73 : memref<5120x128xf32, #tpu.memory_space<vmem_shared>>) offsets(%arg6 : memref<128xi32, #tpu.memory_space<vmem>>) semaphore(%run_scoped3A : memref<!tpu.dma_semaphore, #tpu.memory_space<semaphore_mem>>) {add = true}
        %dma_wait3A = arith.constant 0 : i32
        %dma_wait3A_74 = arith.constant 0 : i32
        %dma_wait3A_75 = tpu.memref_slice %arg9[%dma_wait3A, %dma_wait3A_74] : memref<5120x128xf32, #tpu.memory_space<vmem_shared>> -> memref<5120x128xf32, #tpu.memory_space<vmem_shared>>
        tpu.wait_indirect_dma semaphore(%run_scoped3A : memref<!tpu.dma_semaphore, #tpu.memory_space<semaphore_mem>>) src(%arg7 : memref<128x128xf32, #tpu.memory_space<vmem>>) dst(%dma_wait3A_75 : memref<5120x128xf32, #tpu.memory_space<vmem_shared>>)
        tpu.yield
      }) : () -> ()
      %eq3A_67 = arith.constant 0 : i32
      %eq3A_68 = arith.cmpi eq, %arg0, %eq3A_67 : i32
      %convert_element_type3A_69 = arith.extui %eq3A_68 : i1 to i32
      %cond3A_70 = arith.constant 0 : i32
      %cond3A_71 = arith.cmpi ne, %convert_element_type3A_69, %cond3A_70 : i32
      scf.if %cond3A_71 {
        "tpu.region"() ({
          %run_scoped3A = tpu.sem_alloc : memref<!tpu.dma_semaphore, #tpu.memory_space<semaphore_mem>>
          %dma_start3A = arith.constant 0 : i32
          %dma_start3A_72 = arith.constant 0 : i32
          %dma_start3A_73 = tpu.memref_slice %arg10[%dma_start3A, %dma_start3A_72] : memref<5120x128xf32, #tpu.memory_space<vmem_shared>> -> memref<5120x128xf32, #tpu.memory_space<vmem_shared>>
          tpu.enqueue_indirect_dma source(%arg8 : memref<128x128xf32, #tpu.memory_space<vmem>>) target(%dma_start3A_73 : memref<5120x128xf32, #tpu.memory_space<vmem_shared>>) offsets(%arg6 : memref<128xi32, #tpu.memory_space<vmem>>) semaphore(%run_scoped3A : memref<!tpu.dma_semaphore, #tpu.memory_space<semaphore_mem>>) {add = true}
          %dma_wait3A = arith.constant 0 : i32
          %dma_wait3A_74 = arith.constant 0 : i32
          %dma_wait3A_75 = tpu.memref_slice %arg10[%dma_wait3A, %dma_wait3A_74] : memref<5120x128xf32, #tpu.memory_space<vmem_shared>> -> memref<5120x128xf32, #tpu.memory_space<vmem_shared>>
          tpu.wait_indirect_dma semaphore(%run_scoped3A : memref<!tpu.dma_semaphore, #tpu.memory_space<semaphore_mem>>) src(%arg8 : memref<128x128xf32, #tpu.memory_space<vmem>>) dst(%dma_wait3A_75 : memref<5120x128xf32, #tpu.memory_space<vmem_shared>>)
          tpu.yield
        }) : () -> ()
      } else {
      }
    }
    %scan3A_46 = arith.constant 5 : i32
    %barrier3A_47 = arith.constant 0 : index
    tpu.barrier barrier_id(%barrier3A_47)
    %mul3A_48 = arith.constant 320 : i32
    %mul3A_49 = arith.muli %arg1, %mul3A_48 : i32
    %mul3A_50 = arith.constant 5120 : i32
    %mul3A_51 = arith.muli %arg0, %mul3A_50 : i32
    %mul3A_52 = arith.constant 320 : i32
    %mul3A_53 = arith.muli %arg1, %mul3A_52 : i32
    %add3A_54 = arith.addi %mul3A_51, %mul3A_53 : i32
    "tpu.region"() ({
      %run_scoped3A = tpu.sem_alloc : memref<!tpu.dma_semaphore, #tpu.memory_space<semaphore_mem>>
      %dma_start3A = arith.constant 0 : i32
      %dma_start3A_58 = tpu.memref_slice %arg4[%add3A_54, %dma_start3A] : memref<10240x128xf32, #tpu.memory_space<hbm>> -> memref<320x128xf32, #tpu.memory_space<hbm>>
      %dma_start3A_59 = arith.constant 0 : i32
      %dma_start3A_60 = tpu.memref_slice %arg9[%mul3A_49, %dma_start3A_59] : memref<5120x128xf32, #tpu.memory_space<vmem_shared>> -> memref<320x128xf32, #tpu.memory_space<vmem_shared>>
      tpu.enqueue_dma source(%dma_start3A_60 : memref<320x128xf32, #tpu.memory_space<vmem_shared>>) target(%dma_start3A_58 : memref<320x128xf32, #tpu.memory_space<hbm>>) target_semaphore(%run_scoped3A : memref<!tpu.dma_semaphore, #tpu.memory_space<semaphore_mem>>)
      %dma_wait3A = arith.constant 0 : i32
      %dma_wait3A_61 = tpu.memref_slice %arg4[%add3A_54, %dma_wait3A] : memref<10240x128xf32, #tpu.memory_space<hbm>> -> memref<320x128xf32, #tpu.memory_space<hbm>>
      %dma_wait3A_62 = arith.constant 0 : i32
      %dma_wait3A_63 = tpu.memref_slice %arg9[%mul3A_49, %dma_wait3A_62] : memref<5120x128xf32, #tpu.memory_space<vmem_shared>> -> memref<320x128xf32, #tpu.memory_space<vmem_shared>>
      tpu.wait_dma2 semaphore(%run_scoped3A : memref<!tpu.dma_semaphore, #tpu.memory_space<semaphore_mem>>) src(%dma_wait3A_63 : memref<320x128xf32, #tpu.memory_space<vmem_shared>>) dst(%dma_wait3A_61 : memref<320x128xf32, #tpu.memory_space<hbm>>)
      tpu.yield
    }) : () -> ()
    %eq3A_55 = arith.constant 0 : i32
    %eq3A_56 = arith.cmpi eq, %arg0, %eq3A_55 : i32
    %convert_element_type3A = arith.extui %eq3A_56 : i1 to i32
    %cond3A = arith.constant 0 : i32
    %cond3A_57 = arith.cmpi ne, %convert_element_type3A, %cond3A : i32
    scf.if %cond3A_57 {
      %mul3A_58 = arith.constant 320 : i32
      %mul3A_59 = arith.muli %arg1, %mul3A_58 : i32
      %mul3A_60 = arith.constant 320 : i32
      %mul3A_61 = arith.muli %arg1, %mul3A_60 : i32
      "tpu.region"() ({
        %run_scoped3A = tpu.sem_alloc : memref<!tpu.dma_semaphore, #tpu.memory_space<semaphore_mem>>
        %dma_start3A = arith.constant 0 : i32
        %dma_start3A_62 = tpu.memref_slice %arg5[%mul3A_61, %dma_start3A] : memref<5120x128xf32, #tpu.memory_space<hbm>> -> memref<320x128xf32, #tpu.memory_space<hbm>>
        %dma_start3A_63 = arith.constant 0 : i32
        %dma_start3A_64 = tpu.memref_slice %arg10[%mul3A_59, %dma_start3A_63] : memref<5120x128xf32, #tpu.memory_space<vmem_shared>> -> memref<320x128xf32, #tpu.memory_space<vmem_shared>>
        tpu.enqueue_dma source(%dma_start3A_64 : memref<320x128xf32, #tpu.memory_space<vmem_shared>>) target(%dma_start3A_62 : memref<320x128xf32, #tpu.memory_space<hbm>>) target_semaphore(%run_scoped3A : memref<!tpu.dma_semaphore, #tpu.memory_space<semaphore_mem>>)
        %dma_wait3A = arith.constant 0 : i32
        %dma_wait3A_65 = tpu.memref_slice %arg5[%mul3A_61, %dma_wait3A] : memref<5120x128xf32, #tpu.memory_space<hbm>> -> memref<320x128xf32, #tpu.memory_space<hbm>>
        %dma_wait3A_66 = arith.constant 0 : i32
        %dma_wait3A_67 = tpu.memref_slice %arg10[%mul3A_59, %dma_wait3A_66] : memref<5120x128xf32, #tpu.memory_space<vmem_shared>> -> memref<320x128xf32, #tpu.memory_space<vmem_shared>>
        tpu.wait_dma2 semaphore(%run_scoped3A : memref<!tpu.dma_semaphore, #tpu.memory_space<semaphore_mem>>) src(%dma_wait3A_67 : memref<320x128xf32, #tpu.memory_space<vmem_shared>>) dst(%dma_wait3A_65 : memref<320x128xf32, #tpu.memory_space<hbm>>)
        tpu.yield
      }) : () -> ()
    } else {
    }
    return
  }
}

module attributes {stable_mosaic.version = 14 : i64} {
  func.func @_tc1_body(%arg0: i32, %arg1: memref<256x256xf32, #tpu.memory_space<vmem>>, %arg2: memref<256x256xf32, #tpu.memory_space<vmem>>, %arg3: memref<2x256x128xf32, #tpu.memory_space<vmem>>, %arg4: memref<2x256x128xf32, #tpu.memory_space<vmem>>) attributes {dimension_semantics = [#tpu.dimension_semantics<arbitrary>], iteration_bounds = array<i64: 40>, scalar_prefetch = 0 : i64, scratch_operands = 0 : i64, tpu.core_type = #tpu.core_type<tc>, window_params = [{transform_indices = @transform_0, window_bounds = array<i64: 256, 256>}, {pipeline_mode = #tpu.pipeline_mode<synchronous>, transform_indices = @transform_1, window_bounds = array<i64: 256, 256>}, {transform_indices = @transform_2, window_bounds = array<i64: 2, 256, 128>}, {transform_indices = @transform_3, window_bounds = array<i64: 2, 256, 128>}]} {
    %get3A = arith.constant 0 : index
    %get3A_0 = arith.constant 0 : index
    %get3A_1 = vector.load %arg1[%get3A, %get3A_0] : memref<256x256xf32, #tpu.memory_space<vmem>>, vector<256x256xf32>
    %get3A_2 = arith.constant 0 : index
    %get3A_3 = arith.constant 0 : index
    %get3A_4 = vector.load %arg2[%get3A_2, %get3A_3] : memref<256x256xf32, #tpu.memory_space<vmem>>, vector<256x256xf32>
    %dot_general3A = arith.constant dense<0.000000e+00> : vector<256x256xf32>
    %dot_general3A_5 = tpu.matmul %get3A_1, %get3A_4, %dot_general3A {dimension_numbers = #tpu.dot_dimension_numbers<[1], [0], [0], [1], [0, 0, 1, 1], [], []>, transpose_lhs_hint = false} : vector<256x256xf32>, vector<256x256xf32>, vector<256x256xf32> -> vector<256x256xf32>
    %get3A_6 = arith.constant 0 : index
    %get3A_7 = arith.constant 0 : index
    %get3A_8 = arith.constant 0 : index
    %get3A_9 = vector.load %arg3[%get3A_6, %get3A_7, %get3A_8] : memref<2x256x128xf32, #tpu.memory_space<vmem>>, vector<2x256x128xf32>
    %slice3A = vector.extract_strided_slice %get3A_9 {offsets = [0, 0, 0], sizes = [1, 256, 1], strides = [1, 1, 1]} : vector<2x256x128xf32> to vector<1x256x1xf32>
    %squeeze3A = vector.shape_cast %slice3A : vector<1x256x1xf32> to vector<256x1xf32>
    %slice3A_10 = vector.extract_strided_slice %get3A_9 {offsets = [1, 0, 0], sizes = [1, 256, 1], strides = [1, 1, 1]} : vector<2x256x128xf32> to vector<1x256x1xf32>
    %squeeze3A_11 = vector.shape_cast %slice3A_10 : vector<1x256x1xf32> to vector<256x1xf32>
    %add3A = arith.addf %squeeze3A, %squeeze3A_11 : vector<256x1xf32>
    %add3A_12 = arith.constant 1.000000e+00 : f32
    %add3A_13 = vector.broadcast %add3A_12 : f32 to vector<256x1xf32>
    %add3A_14 = arith.addf %add3A, %add3A_13 : vector<256x1xf32>
    %rsqrt3A = math.rsqrt %add3A_14 : vector<256x1xf32>
    %mul3A = vector.broadcast %rsqrt3A : vector<256x1xf32> to vector<256x256xf32>
    %mul3A_15 = arith.mulf %dot_general3A_5, %mul3A : vector<256x256xf32>
    %slice3A_16 = vector.extract_strided_slice %mul3A_15 {offsets = [0, 0], sizes = [256, 128], strides = [1, 1]} : vector<256x256xf32> to vector<256x128xf32>
    %swap3A = arith.constant 0 : index
    %swap3A_17 = arith.constant 0 : index
    %swap3A_18 = arith.constant 0 : index
    %swap3A_19 = vector.load %arg4[%swap3A, %swap3A_17, %swap3A_18] : memref<2x256x128xf32, #tpu.memory_space<vmem>>, vector<1x256x128xf32>
    %swap3A_20 = vector.shape_cast %swap3A_19 : vector<1x256x128xf32> to vector<256x128xf32>
    %swap3A_21 = vector.shape_cast %slice3A_16 : vector<256x128xf32> to vector<1x256x128xf32>
    tpu.vector_store %arg4[%swap3A, %swap3A_17, %swap3A_18], %swap3A_21 {strides = array<i32>} : memref<2x256x128xf32, #tpu.memory_space<vmem>>, vector<1x256x128xf32>,
    %slice3A_22 = vector.extract_strided_slice %mul3A_15 {offsets = [0, 128], sizes = [256, 128], strides = [1, 1]} : vector<256x256xf32> to vector<256x128xf32>
    %swap3A_23 = arith.constant 1 : index
    %swap3A_24 = arith.constant 0 : index
    %swap3A_25 = arith.constant 0 : index
    %swap3A_26 = vector.load %arg4[%swap3A_23, %swap3A_24, %swap3A_25] : memref<2x256x128xf32, #tpu.memory_space<vmem>>, vector<1x256x128xf32>
    %swap3A_27 = vector.shape_cast %swap3A_26 : vector<1x256x128xf32> to vector<256x128xf32>
    %swap3A_28 = vector.shape_cast %slice3A_22 : vector<256x128xf32> to vector<1x256x128xf32>
    tpu.vector_store %arg4[%swap3A_23, %swap3A_24, %swap3A_25], %swap3A_28 {strides = array<i32>} : memref<2x256x128xf32, #tpu.memory_space<vmem>>, vector<1x256x128xf32>,
    return
  }
  func.func @transform_0(%arg0: i32) -> (i32, i32) {
    %c0_i32 = arith.constant 0 : i32
    %c0_i32_0 = arith.constant 0 : i32
    return %arg0, %c0_i32 : i32, i32
  }
  func.func @transform_1(%arg0: i32) -> (i32, i32) {
    %c0_i32 = arith.constant 0 : i32
    %c0_i32_0 = arith.constant 0 : i32
    %c0_i32_1 = arith.constant 0 : i32
    return %c0_i32, %c0_i32_0 : i32, i32
  }
  func.func @transform_2(%arg0: i32) -> (i32, i32, i32) {
    %c0_i32 = arith.constant 0 : i32
    %c0_i32_0 = arith.constant 0 : i32
    %c0_i32_1 = arith.constant 0 : i32
    return %c0_i32, %arg0, %c0_i32_0 : i32, i32, i32
  }
  func.func @transform_3(%arg0: i32) -> (i32, i32, i32) {
    %c0_i32 = arith.constant 0 : i32
    %c0_i32_0 = arith.constant 0 : i32
    %c0_i32_1 = arith.constant 0 : i32
    return %c0_i32, %arg0, %c0_i32_0 : i32, i32, i32
  }
}

module attributes {stable_mosaic.version = 14 : i64} {
  func.func @_tc2_body(%arg0: i32, %arg1: memref<2x256x128xf32, #tpu.memory_space<vmem>>, %arg2: memref<2x256x128xf32, #tpu.memory_space<vmem>>, %arg3: memref<2x256x128xf32, #tpu.memory_space<vmem>>, %arg4: memref<2x1x128xf32, #tpu.memory_space<vmem>>, %arg5: memref<2x256x128xf32, #tpu.memory_space<vmem>>) attributes {dimension_semantics = [#tpu.dimension_semantics<arbitrary>], iteration_bounds = array<i64: 40>, scalar_prefetch = 0 : i64, scratch_operands = 0 : i64, tpu.core_type = #tpu.core_type<tc>, window_params = [{transform_indices = @transform_0, window_bounds = array<i64: 2, 256, 128>}, {transform_indices = @transform_1, window_bounds = array<i64: 2, 256, 128>}, {transform_indices = @transform_2, window_bounds = array<i64: 2, 256, 128>}, {pipeline_mode = #tpu.pipeline_mode<synchronous>, transform_indices = @transform_3, window_bounds = array<i64: 2, 1, 128>}, {transform_indices = @transform_4, window_bounds = array<i64: 2, 256, 128>}]} {
    %get3A = arith.constant 0 : index
    %get3A_0 = arith.constant 0 : index
    %get3A_1 = arith.constant 0 : index
    %get3A_2 = vector.load %arg3[%get3A, %get3A_0, %get3A_1] : memref<2x256x128xf32, #tpu.memory_space<vmem>>, vector<2x256x128xf32>
    %slice3A = vector.extract_strided_slice %get3A_2 {offsets = [0, 0, 0], sizes = [1, 256, 1], strides = [1, 1, 1]} : vector<2x256x128xf32> to vector<1x256x1xf32>
    %squeeze3A = vector.shape_cast %slice3A : vector<1x256x1xf32> to vector<256x1xf32>
    %slice3A_3 = vector.extract_strided_slice %get3A_2 {offsets = [1, 0, 0], sizes = [1, 256, 1], strides = [1, 1, 1]} : vector<2x256x128xf32> to vector<1x256x1xf32>
    %squeeze3A_4 = vector.shape_cast %slice3A_3 : vector<1x256x1xf32> to vector<256x1xf32>
    %add3A = arith.addf %squeeze3A, %squeeze3A_4 : vector<256x1xf32>
    %add3A_5 = arith.constant 1.000000e+00 : f32
    %add3A_6 = vector.broadcast %add3A_5 : f32 to vector<256x1xf32>
    %add3A_7 = arith.addf %add3A, %add3A_6 : vector<256x1xf32>
    %rsqrt3A = math.rsqrt %add3A_7 : vector<256x1xf32>
    %get3A_8 = arith.constant 0 : index
    %get3A_9 = arith.constant 0 : index
    %get3A_10 = arith.constant 0 : index
    %get3A_11 = vector.load %arg1[%get3A_8, %get3A_9, %get3A_10] : memref<2x256x128xf32, #tpu.memory_space<vmem>>, vector<1x256x128xf32>
    %get3A_12 = vector.shape_cast %get3A_11 : vector<1x256x128xf32> to vector<256x128xf32>
    %get3A_13 = arith.constant 0 : index
    %get3A_14 = arith.constant 0 : index
    %get3A_15 = arith.constant 0 : index
    %get3A_16 = vector.load %arg2[%get3A_13, %get3A_14, %get3A_15] : memref<2x256x128xf32, #tpu.memory_space<vmem>>, vector<1x256x128xf32>
    %get3A_17 = vector.shape_cast %get3A_16 : vector<1x256x128xf32> to vector<256x128xf32>
    %add3A_18 = arith.addf %get3A_12, %get3A_17 : vector<256x128xf32>
    %mul3A = vector.broadcast %rsqrt3A : vector<256x1xf32> to vector<256x128xf32>
    %mul3A_19 = arith.mulf %add3A_18, %mul3A : vector<256x128xf32>
    %get3A_20 = arith.constant 0 : index
    %get3A_21 = arith.constant 0 : index
    %get3A_22 = arith.constant 0 : index
    %get3A_23 = vector.load %arg4[%get3A_20, %get3A_21, %get3A_22] : memref<2x1x128xf32, #tpu.memory_space<vmem>>, vector<1x1x128xf32>
    %get3A_24 = vector.shape_cast %get3A_23 : vector<1x1x128xf32> to vector<1x128xf32>
    %add3A_25 = vector.broadcast %get3A_24 : vector<1x128xf32> to vector<256x128xf32>
    %add3A_26 = arith.addf %mul3A_19, %add3A_25 : vector<256x128xf32>
    %tanh3A = math.tanh %add3A_26 : vector<256x128xf32>
    %swap3A = arith.constant 0 : index
    %swap3A_27 = arith.constant 0 : index
    %swap3A_28 = arith.constant 0 : index
    %swap3A_29 = vector.load %arg5[%swap3A, %swap3A_27, %swap3A_28] : memref<2x256x128xf32, #tpu.memory_space<vmem>>, vector<1x256x128xf32>
    %swap3A_30 = vector.shape_cast %swap3A_29 : vector<1x256x128xf32> to vector<256x128xf32>
    %swap3A_31 = vector.shape_cast %tanh3A : vector<256x128xf32> to vector<1x256x128xf32>
    tpu.vector_store %arg5[%swap3A, %swap3A_27, %swap3A_28], %swap3A_31 {strides = array<i32>} : memref<2x256x128xf32, #tpu.memory_space<vmem>>, vector<1x256x128xf32>,
    %get3A_32 = arith.constant 1 : index
    %get3A_33 = arith.constant 0 : index
    %get3A_34 = arith.constant 0 : index
    %get3A_35 = vector.load %arg1[%get3A_32, %get3A_33, %get3A_34] : memref<2x256x128xf32, #tpu.memory_space<vmem>>, vector<1x256x128xf32>
    %get3A_36 = vector.shape_cast %get3A_35 : vector<1x256x128xf32> to vector<256x128xf32>
    %get3A_37 = arith.constant 1 : index
    %get3A_38 = arith.constant 0 : index
    %get3A_39 = arith.constant 0 : index
    %get3A_40 = vector.load %arg2[%get3A_37, %get3A_38, %get3A_39] : memref<2x256x128xf32, #tpu.memory_space<vmem>>, vector<1x256x128xf32>
    %get3A_41 = vector.shape_cast %get3A_40 : vector<1x256x128xf32> to vector<256x128xf32>
    %add3A_42 = arith.addf %get3A_36, %get3A_41 : vector<256x128xf32>
    %mul3A_43 = vector.broadcast %rsqrt3A : vector<256x1xf32> to vector<256x128xf32>
    %mul3A_44 = arith.mulf %add3A_42, %mul3A_43 : vector<256x128xf32>
    %get3A_45 = arith.constant 1 : index
    %get3A_46 = arith.constant 0 : index
    %get3A_47 = arith.constant 0 : index
    %get3A_48 = vector.load %arg4[%get3A_45, %get3A_46, %get3A_47] : memref<2x1x128xf32, #tpu.memory_space<vmem>>, vector<1x1x128xf32>
    %get3A_49 = vector.shape_cast %get3A_48 : vector<1x1x128xf32> to vector<1x128xf32>
    %add3A_50 = vector.broadcast %get3A_49 : vector<1x128xf32> to vector<256x128xf32>
    %add3A_51 = arith.addf %mul3A_44, %add3A_50 : vector<256x128xf32>
    %tanh3A_52 = math.tanh %add3A_51 : vector<256x128xf32>
    %swap3A_53 = arith.constant 1 : index
    %swap3A_54 = arith.constant 0 : index
    %swap3A_55 = arith.constant 0 : index
    %swap3A_56 = vector.load %arg5[%swap3A_53, %swap3A_54, %swap3A_55] : memref<2x256x128xf32, #tpu.memory_space<vmem>>, vector<1x256x128xf32>
    %swap3A_57 = vector.shape_cast %swap3A_56 : vector<1x256x128xf32> to vector<256x128xf32>
    %swap3A_58 = vector.shape_cast %tanh3A_52 : vector<256x128xf32> to vector<1x256x128xf32>
    tpu.vector_store %arg5[%swap3A_53, %swap3A_54, %swap3A_55], %swap3A_58 {strides = array<i32>} : memref<2x256x128xf32, #tpu.memory_space<vmem>>, vector<1x256x128xf32>,
    return
  }
  func.func @transform_0(%arg0: i32) -> (i32, i32, i32) {
    %c0_i32 = arith.constant 0 : i32
    %c0_i32_0 = arith.constant 0 : i32
    %c0_i32_1 = arith.constant 0 : i32
    return %c0_i32, %arg0, %c0_i32_0 : i32, i32, i32
  }
  func.func @transform_1(%arg0: i32) -> (i32, i32, i32) {
    %c0_i32 = arith.constant 0 : i32
    %c0_i32_0 = arith.constant 0 : i32
    %c0_i32_1 = arith.constant 0 : i32
    return %c0_i32, %arg0, %c0_i32_0 : i32, i32, i32
  }
  func.func @transform_2(%arg0: i32) -> (i32, i32, i32) {
    %c0_i32 = arith.constant 0 : i32
    %c0_i32_0 = arith.constant 0 : i32
    %c0_i32_1 = arith.constant 0 : i32
    return %c0_i32, %arg0, %c0_i32_0 : i32, i32, i32
  }
  func.func @transform_3(%arg0: i32) -> (i32, i32, i32) {
    %c0_i32 = arith.constant 0 : i32
    %c0_i32_0 = arith.constant 0 : i32
    %c0_i32_1 = arith.constant 0 : i32
    %c0_i32_2 = arith.constant 0 : i32
    return %c0_i32, %c0_i32_0, %c0_i32_1 : i32, i32, i32
  }
  func.func @transform_4(%arg0: i32) -> (i32, i32, i32) {
    %c0_i32 = arith.constant 0 : i32
    %c0_i32_0 = arith.constant 0 : i32
    %c0_i32_1 = arith.constant 0 : i32
    return %c0_i32, %arg0, %c0_i32_0 : i32, i32, i32
  }
}

module attributes {stable_mosaic.version = 14 : i64} {
  func.func @_tc3_body(%arg0: i32, %arg1: memref<2x512x128xf32, #tpu.memory_space<vmem>>, %arg2: memref<512x128xf32, #tpu.memory_space<vmem>>, %arg3: memref<256x256xf32, #tpu.memory_space<vmem>>, %arg4: memref<1x256xf32, #tpu.memory_space<vmem>>, %arg5: memref<512x256xf32, #tpu.memory_space<vmem>>) attributes {dimension_semantics = [#tpu.dimension_semantics<arbitrary>], iteration_bounds = array<i64: 10>, scalar_prefetch = 0 : i64, scratch_operands = 0 : i64, tpu.core_type = #tpu.core_type<tc>, window_params = [{transform_indices = @transform_0, window_bounds = array<i64: 2, 512, 128>}, {transform_indices = @transform_1, window_bounds = array<i64: 512, 128>}, {pipeline_mode = #tpu.pipeline_mode<synchronous>, transform_indices = @transform_2, window_bounds = array<i64: 256, 256>}, {pipeline_mode = #tpu.pipeline_mode<synchronous>, transform_indices = @transform_3, window_bounds = array<i64: 1, 256>}, {transform_indices = @transform_4, window_bounds = array<i64: 512, 256>}]} {
    %get3A = arith.constant 0 : index
    %get3A_0 = arith.constant 0 : index
    %get3A_1 = vector.load %arg2[%get3A, %get3A_0] : memref<512x128xf32, #tpu.memory_space<vmem>>, vector<512x1xf32>
    %max3A = arith.constant 1.000000e+00 : f32
    %max3A_2 = vector.broadcast %max3A : f32 to vector<512x1xf32>
    %max3A_3 = arith.maximumf %get3A_1, %max3A_2 : vector<512x1xf32>
    %div3A = arith.constant 1.000000e+00 : f32
    %div3A_4 = vector.broadcast %div3A : f32 to vector<512x1xf32>
    %div3A_5 = arith.divf %div3A_4, %max3A_3 : vector<512x1xf32>
    %get3A_6 = arith.constant 0 : index
    %get3A_7 = arith.constant 0 : index
    %get3A_8 = arith.constant 0 : index
    %get3A_9 = vector.load %arg1[%get3A_6, %get3A_7, %get3A_8] : memref<2x512x128xf32, #tpu.memory_space<vmem>>, vector<1x512x128xf32>
    %get3A_10 = vector.shape_cast %get3A_9 : vector<1x512x128xf32> to vector<512x128xf32>
    %mul3A = vector.broadcast %div3A_5 : vector<512x1xf32> to vector<512x128xf32>
    %mul3A_11 = arith.mulf %get3A_10, %mul3A : vector<512x128xf32>
    %get3A_12 = arith.constant 1 : index
    %get3A_13 = arith.constant 0 : index
    %get3A_14 = arith.constant 0 : index
    %get3A_15 = vector.load %arg1[%get3A_12, %get3A_13, %get3A_14] : memref<2x512x128xf32, #tpu.memory_space<vmem>>, vector<1x512x128xf32>
    %get3A_16 = vector.shape_cast %get3A_15 : vector<1x512x128xf32> to vector<512x128xf32>
    %mul3A_17 = vector.broadcast %div3A_5 : vector<512x1xf32> to vector<512x128xf32>
    %mul3A_18 = arith.mulf %get3A_16, %mul3A_17 : vector<512x128xf32>
    %get3A_19 = arith.constant 0 : index
    %get3A_20 = arith.constant 0 : index
    %get3A_21 = vector.load %arg3[%get3A_19, %get3A_20] : memref<256x256xf32, #tpu.memory_space<vmem>>, vector<128x256xf32>
    %dot_general3A = arith.constant dense<0.000000e+00> : vector<512x256xf32>
    %dot_general3A_22 = tpu.matmul %mul3A_11, %get3A_21, %dot_general3A {dimension_numbers = #tpu.dot_dimension_numbers<[1], [0], [0], [1], [0, 0, 1, 1], [], []>, transpose_lhs_hint = false} : vector<512x128xf32>, vector<128x256xf32>, vector<512x256xf32> -> vector<512x256xf32>
    %get3A_23 = arith.constant 128 : index
    %get3A_24 = arith.constant 0 : index
    %get3A_25 = vector.load %arg3[%get3A_23, %get3A_24] : memref<256x256xf32, #tpu.memory_space<vmem>>, vector<128x256xf32>
    %dot_general3A_26 = arith.constant dense<0.000000e+00> : vector<512x256xf32>
    %dot_general3A_27 = tpu.matmul %mul3A_18, %get3A_25, %dot_general3A_26 {dimension_numbers = #tpu.dot_dimension_numbers<[1], [0], [0], [1], [0, 0, 1, 1], [], []>, transpose_lhs_hint = false} : vector<512x128xf32>, vector<128x256xf32>, vector<512x256xf32> -> vector<512x256xf32>
    %add3A = arith.addf %dot_general3A_22, %dot_general3A_27 : vector<512x256xf32>
    %get3A_28 = arith.constant 0 : index
    %get3A_29 = arith.constant 0 : index
    %get3A_30 = vector.load %arg4[%get3A_28, %get3A_29] : memref<1x256xf32, #tpu.memory_space<vmem>>, vector<1x256xf32>
    %add3A_31 = vector.broadcast %get3A_30 : vector<1x256xf32> to vector<512x256xf32>
    %add3A_32 = arith.addf %add3A, %add3A_31 : vector<512x256xf32>
    %swap3A = arith.constant 0 : index
    %swap3A_33 = arith.constant 0 : index
    %swap3A_34 = vector.load %arg5[%swap3A, %swap3A_33] : memref<512x256xf32, #tpu.memory_space<vmem>>, vector<512x256xf32>
    tpu.vector_store %arg5[%swap3A, %swap3A_33], %add3A_32 {strides = array<i32>} : memref<512x256xf32, #tpu.memory_space<vmem>>, vector<512x256xf32>,
    return
  }
  func.func @transform_0(%arg0: i32) -> (i32, i32, i32) {
    %c0_i32 = arith.constant 0 : i32
    %c0_i32_0 = arith.constant 0 : i32
    %c0_i32_1 = arith.constant 0 : i32
    return %c0_i32, %arg0, %c0_i32_0 : i32, i32, i32
  }
  func.func @transform_1(%arg0: i32) -> (i32, i32) {
    %c0_i32 = arith.constant 0 : i32
    %c0_i32_0 = arith.constant 0 : i32
    return %arg0, %c0_i32 : i32, i32
  }
  func.func @transform_2(%arg0: i32) -> (i32, i32) {
    %c0_i32 = arith.constant 0 : i32
    %c0_i32_0 = arith.constant 0 : i32
    %c0_i32_1 = arith.constant 0 : i32
    return %c0_i32, %c0_i32_0 : i32, i32
  }
  func.func @transform_3(%arg0: i32) -> (i32, i32) {
    %c0_i32 = arith.constant 0 : i32
    %c0_i32_0 = arith.constant 0 : i32
    %c0_i32_1 = arith.constant 0 : i32
    return %c0_i32, %c0_i32_0 : i32, i32
  }
  func.func @transform_4(%arg0: i32) -> (i32, i32) {
    %c0_i32 = arith.constant 0 : i32
    %c0_i32_0 = arith.constant 0 : i32
    return %arg0, %c0_i32 : i32, i32
  }
}

</mosaic_0001>

<sc_bundles>
// kernel: kernel.11.cloned.1.call-start
scs
__scs_entry_jumppad:
0x0: {  	(pc) =	sbr.rel $0x88, $3  }
0x1: {  	(tag) =	ssettag $0x0;
	lr =	simm.s32 $0x1  }
0x2: {  	[smem:$0x3F9A] =	sst lr;
	_ =	strace $0xD0000000  }
0x3: {  	_ = 	snop  }
0x4: {  	_ = 	snop  }
0x5: {  	_ = 	snop  }
0x6: {  	_ = 	snop  }
0x7: {  	_ = 	snop  }
__scs_overlays_trampoline_lowered:
0x8: {  	[smem:$0x3FA9] =	sst s0  }
0x9: {  	[smem:$0x3FAA] =	sst s1  }
0xa: {  	[smem:$0x3FAB] =	sst s2  }
0xb: {  	[smem:$0x3FAC] =	sst s3  }
0xc: {  	[smem:$0x3FAD] =	sst s4  }
0xd: {  	[smem:$0x3FAE] =	sst s5  }
0xe: {  	[smem:$0x3FAF] =	sst s6  }
0xf: {  	[smem:$0x3FB0] =	sst s7  }
0x10: {  	[smem:$0x3FB1] =	sst s8  }
0x11: {  	[smem:$0x3FB2] =	sst s9;
	s0 =	simm.s32 @!p0 $0x0  }
0x12: {  	s1 =	sld [smem:$0x3F98];
	s0 =	simm.s32 @p0 $0x1  }
0x13: {  	[smem:$0x3FB3] =	sst s0;
	s0 =	simm.s32 @!p1 $0x0  }
0x14: {  	s2 =	sld [smem:$0x3F97];
	s0 =	simm.s32 @p1 $0x1  }
0x15: {  	[smem:$0x3FB4] =	sst s0;
	s0 =	simm.s32 @!p2 $0x0  }
0x16: {  	s3 =	sld [smem:$0x3FDB];
	s0 =	simm.s32 @p2 $0x1  }
0x17: {  	s4 =	simm.s32 $0x1BF5;
	[smem:$0x3FB6] =	sst s0  }
0x18: {  	s0 =	sld [smem:$0x3F99];
	_ =	swait.ge [sflag:s4], $0x0  }
0x19: {  	s7 =	sld [smem:$0x3F9A]  }
0x1a: {  	s8 =	sadd.s32 $0xFFFFE003, lr  }
0x1b: {  	s9 =	sadd.s32 $0xFFFFFEF7, lr;
	s5 =	simm.s32 $0xFFFFFFFF;
	p2 =	slt.u32 s8, $0xFFFFF086  }
0x1c: {  	p1 =	slt.u32 s9, $0xF7A;
	s5 =	simm.s32 @!p2 $0x0  }
0x1d: {  	s5 =	simm.s32 @p1 $0x1;
	p0 =	seq.s32 s7, s2  }
0x1e: {  	s7 =	smul.u32 @!p0 $0xF7A, s2;
	p2 =	seq.s32 @!p0 s5, $0x0  }
0x1f: {  	s9 =	smul.u32 $0xF7A, s1;
	s8 =	simm.s32 @!p0 $0x1BF5;
	p2 =	por !p2, p0  }
0x20: {  	[sflag:s8] =	ssyncset.s32 @!p0 $0xFFFFF086;
	s6 =	sadd.s32 @!p0 s3, s7;
	s7 =	simm.s32 @!p0 $0x108  }
0x21: {  	s3 =	sadd.s32 s3, s9;
	s6 =	sadd.s32 @!p0 $0x88, s6;
	s7 =	simm.s32 @p2 $0x1082  }
0x22: {  	[simem:s7], [sflag:s8] =	dma.local @!p0 [hbm:s6], $0xF7A  }
0x23: {  	s9 =	sor.u32 $0xD0000000, s2;
	s6 =	simm.s32 $0x108;
	_ =	swait.ge @!p0 [sflag:s8], $0x0  }
0x24: {  	s3 =	sadd.s32 $0x88, s3;
	s6 =	simm.s32 @!p1 $0x1082;
	[sflag:s4] =	ssyncset.s32 $0xFFFFF086  }
0x25: {  	[simem:s6], [sflag:s4] =	dma.local [hbm:s3], $0xF7A  }
0x26: {  	[smem:$0x3F9A] =	sst s1;
	(tag) =	ssettag s2;
	_ =	strace s9  }
0x27: {  	s1 =	sld [smem:$0x3FAA]  }
0x28: {  	s2 =	sld [smem:$0x3FAB]  }
0x29: {  	s4 =	sld [smem:$0x3FAD]  }
0x2a: {  	p0 =	seq.s32 s5, $0x0;
	s5 =	sld [smem:$0x3FAE]  }
0x2b: {  	s6 =	sld [smem:$0x3FAF]  }
0x2c: {  	s7 =	sld [smem:$0x3FB0]  }
0x2d: {  	s3 =	simm.s32 $0x108;
	s8 =	sld [smem:$0x3FB1]  }
0x2e: {  	s3 =	simm.s32 @!p0 $0x1082;
	s9 =	sld [smem:$0x3FB2]  }
0x2f: {  	lr =	sadd.s32 s0, s3;
	s0 =	sld [smem:$0x3FA9]  }
0x30: {  	s3 =	sld [smem:$0x3FAC]  }
0x31: {  	[smem:$0x3FB5] =	sst s10  }
0x32: {  	s10 =	sld [smem:$0x3FB3];
	_ =	sdelay $0x3  }
0x33: {  	p0 =	seq.s32 s10, $0x1;
	s10 =	sld [smem:$0x3FB5];
	_ =	sdelay $0x3  }
0x34: {  	[smem:$0x3FB5] =	sst s10  }
0x35: {  	s10 =	sld [smem:$0x3FB4];
	_ =	sdelay $0x3  }
0x36: {  	p1 =	seq.s32 s10, $0x1;
	s10 =	sld [smem:$0x3FB5];
	_ =	sdelay $0x3  }
0x37: {  	[smem:$0x3FB5] =	sst s10  }
0x38: {  	s10 =	sld [smem:$0x3FB6]  }
0x39: {  	_ = 	snop;
	(pc) =	sbr.ind lr, $3  }
0x3a: {  	_ = 	snop  }
0x3b: {  	_ = 	snop  }
0x3c: {  	p2 =	seq.s32 s10, $0x1;
	s10 =	sld [smem:$0x3FB5]  }
0x3d: {  	_ =	shalt  }
0x3e: {  	_ =	shalt  }
0x3f: {  	_ =	shalt  }
0x40: {  	_ =	shalt  }
0x41: {  	_ =	shalt  }
0x42: {  	_ =	shalt  }
0x43: {  	_ =	shalt  }
0x44: {  	_ =	shalt  }
0x45: {  	_ =	shalt  }
0x46: {  	_ =	shalt  }
0x47: {  	_ =	shalt  }
0x48: {  	_ =	shalt  }
0x49: {  	_ =	shalt  }
0x4a: {  	_ =	shalt  }
0x4b: {  	_ =	shalt  }
0x4c: {  	_ =	shalt  }
0x4d: {  	_ =	shalt  }
0x4e: {  	_ =	shalt  }
0x4f: {  	_ =	shalt  }
0x50: {  	_ =	shalt  }
0x51: {  	_ =	shalt  }
0x52: {  	_ =	shalt  }
0x53: {  	_ =	shalt  }
0x54: {  	_ =	shalt  }
0x55: {  	_ =	shalt  }
0x56: {  	_ =	shalt  }
0x57: {  	_ =	shalt  }
0x58: {  	_ =	shalt  }
0x59: {  	_ =	shalt  }
0x5a: {  	_ =	shalt  }
0x5b: {  	_ =	shalt  }
0x5c: {  	_ =	shalt  }
0x5d: {  	_ =	shalt  }
0x5e: {  	_ =	shalt  }
0x5f: {  	_ =	shalt  }
0x60: {  	_ =	shalt  }
0x61: {  	_ =	shalt  }
0x62: {  	_ =	shalt  }
0x63: {  	_ =	shalt  }
0x64: {  	_ =	shalt  }
0x65: {  	_ =	shalt  }
0x66: {  	_ =	shalt  }
0x67: {  	_ =	shalt  }
0x68: {  	_ =	shalt  }
0x69: {  	_ =	shalt  }
0x6a: {  	_ =	shalt  }
0x6b: {  	_ =	shalt  }
0x6c: {  	_ =	shalt  }
0x6d: {  	_ =	shalt  }
0x6e: {  	_ =	shalt  }
0x6f: {  	_ =	shalt  }
0x70: {  	_ =	shalt  }
0x71: {  	_ =	shalt  }
0x72: {  	_ =	shalt  }
0x73: {  	_ =	shalt  }
0x74: {  	_ =	shalt  }
0x75: {  	_ =	shalt  }
0x76: {  	_ =	shalt  }
0x77: {  	_ =	shalt  }
0x78: {  	_ =	shalt  }
0x79: {  	_ =	shalt  }
0x7a: {  	_ =	shalt  }
0x7b: {  	_ =	shalt  }
0x7c: {  	_ =	shalt  }
0x7d: {  	_ =	shalt  }
0x7e: {  	_ =	shalt  }
0x7f: {  	_ =	shalt  }
0x80: {  	_ =	shalt  }
0x81: {  	_ =	shalt  }
0x82: {  	_ =	shalt  }
0x83: {  	_ =	shalt  }
0x84: {  	_ =	shalt  }
0x85: {  	_ =	shalt  }
0x86: {  	_ =	shalt  }
0x87: {  	_ =	shalt  }
.Lfunc_end0:
.L_simem_size_0:
called_computation.1_lowered:
.L_overlay_start_0:
0x88: {  	s2 =	sld [smem:$0x3FD9]  }
0x89: {  	s3 =	sld [smem:$0x3FFE];
	_ =	sdelay $0x1  }
0x8a: {  	s1 =	srdreg.scid  }
0x8b: {  	s0 =	sand.u32 $0x1, s1  }
0x8c: {  	s17 =	sshll.u32 s0, $0xA;
	s2 =	sadd.s32 s3, s2  }
0x8d: {  	s2 =	sadd.s32 s2, s17  }
0x8e: {  	[smem:$0x3FC1] =	sst s2  }
0x8f: {  	_ = 	snop  }
0x90: {  	s2 =	sld [smem:$0x3FD0];
	(tm) =	ssettm $0x1  }
0x91: {  	s18 =	sld [smem:$0x3FFB];
	_ =	sdelay $0x3  }
0x92: {  	_ =	strace s18  }
0x93: {  	s3 =	sld [smem:$0x3FFC];
	_ =	sdelay $0x3  }
0x94: {  	_ =	strace s3  }
0x95: {  	s3 =	sld [smem:$0x3FFD];
	_ =	sdelay $0x3  }
0x96: {  	_ =	strace s3  }
0x97: {  	_ =	strace $0x8FFFFFFF  }
0x98: {  	s19 =	sld [smem:$0x3FDB];
	_ =	sdelay $0x1  }
0x99: {  	s4 =	simm.s32 $_scs_section_size  }
0x9a: {  	s5 =	simm.s32 $_size__tile_overlayer_lowered;
	s6 =	simm.s32 $_tile_overlayer_lowered  }
0x9b: {  	s22 =	simm.s32 $0x1BFF;
	s21 =	sshll.u32 s6, $0x1;
	s3 =	sadd.s32 s4, s19  }
0x9c: {  	s7 =	simm.s32 $0x0;
	s20 =	sshll.u32 s5, $0x1;
	s5 =	sadd.s32 s21, s3  }
0x9d: {  	[timem:s7], [sflag:s22] =	dma.local [hbm:s5], s20  }
0x9e: {  	_ =	swait.ge [sflag:s22], s20  }
0x9f: {  	s4 =	ssub.s32 $0x0, s20;
	[sflag:s22] =	ssyncset.done $0x0  }
0xa0: {  	[sflag:s22] =	ssyncadd.s32 s4;
	_ =	sdelay $0x1  }
0xa1: {  	s23 =	simm.s32 $0x1B8B  }
0xa2: {  	_ =	swait.ge [sflag:s23], $0x1  }
0xa3: {  	[sflag:s23] =	ssyncset.done $0x0  }
0xa4: {  	s25 =	simm.s32 $0x1B8E;
	s24 =	sld [smem:$0x3FFE];
	[sflag:s23] =	ssyncadd.s32 $0xFFFFFFFF  }
0xa5: {  	s26 =	simm.s32 $execute0_lowered;
	[smem:$0x3FD2] =	sst s25  }
0xa6: {  	s5 =	sshll.u32 s26, $0x1;
	_ =	strace $0x80000049;
	[dreg:$0x1] =	wrdreg $0xFFFFFFFF  }
0xa7: {  	s28 =	simm.s32 $_size_execute0_lowered;
	s3 =	sadd.s32 s3, s5;
	[dreg:$0x0] =	wrdreg $0x0  }
0xa8: {  	s5 =	sshll.u32 s28, $0x1;
	[dreg:$0x2] =	wrdreg s3  }
0xa9: {  	[dreg:$0x3] =	wrdreg s5  }
0xaa: {  	[dreg:$0x4] =	wrdreg $0xC0  }
0xab: {  	_ =	task [dreg:s7], $0x5FFFF  }
0xac: {  	[dreg:$0x1] =	wrdreg $0xFFFFFFFF  }
0xad: {  	[dreg:$0x0] =	wrdreg $0x60  }
0xae: {  	[dreg:$0x2] =	wrdreg s24  }
0xaf: {  	[dreg:$0x3] =	wrdreg s2  }
0xb0: {  	[dreg:$0x4] =	wrdreg $0xA5000  }
0xb1: {  	[dreg:$0x5] =	wrdreg $0x9  }
0xb2: {  	_ =	task.clear_ibuf [dreg:s7], $0x6FFFF;
	_ =	strace $0x90000049  }
0xb3: {  	s29 =	simm.s32 $0x9;
	_ =	strace $0x8000004B  }
0xb4: {  	_ =	swait.ge [sflag:s29], $0x1  }
0xb5: {  	[sflag:s29] =	ssyncadd.s32 $0xFFFFFFFF  }
0xb6: {  	_ =	strace $0x9000004B  }
0xb7: {  	_ =	sfence  }
0xb8: {  	s30 =	sld [smem:$0x0];
	_ =	sdelay $0x2  }
0xb9: {  	s31 =	sshll.u32 s1, $0xD;
	s1 =	sshrl.u32 s1, $0x2  }
0xba: {  	s3 =	sand.u32 $0x4000, s31;
	s1 =	sadd.s32 s1, s30  }
0xbb: {  	s0 =	sor.u32 s3, s0;
	s1 =	sshll.u32 s1, $0x11  }
0xbc: {  	s0 =	sor.u32 s1, s0  }
0xbd: {  	s0 =	sadd.s32 $0x8F2B, s0  }
0xbe: {  	[sflag:s0] =	ssyncadd.remote.s32 $0x1  }
0xbf: {  	_ =	sfence.sel $0xFFFF  }
0xc0: {  	[dreg:$0x0] =	wrdreg $0xFFFFFFFF;
	(pc) =	sbr.abs _section_cstart, $3  }
0xc1: {  	[dreg:$0x1] =	wrdreg $0xFFFFFFFF  }
0xc2: {  	_ =	task.clear_ibuf [dreg:s7], $0x2FFFF;
	_ =	strace $0x9FFFFFFF  }
0xc3: {  	(tm) =	ssettm $0x7FFFFFFF  }
tec
execute0_lowered:
.L_overlay_start_1:
0x0: {  	(tag) =	ssettag $0x1  }
0x1: {  	s0 =	rddreg [dreg:$0x0]  }
0x2: {  	s1 =	rddreg [dreg:$0x1];
	s3 =	srdreg.scid  }
0x3: {  	s12 =	stileid.u32;
	s2 =	rddreg [dreg:$0x2]  }
0x4: {  	s28 =	simm.s32 $0x500;
	s29 =	simm.s32 $0xB;
	s6 =	smul.u32 $0x2800, s12  }
0x5: {  	s30 =	simm.s32 $0x280;
	s31 =	simm.s32 $0x40;
	s8 =	smul.u32 $0x50000, s12  }
0x6: {  	s5 =	sand.u32 $0x1, s3;
	s3 =	simm.s32 $0x0;
	s20 =	smul.u32 $0x5000, s12  }
0x7: {  	s4 =	sadd.s32 $0x5D200, s0;
	s9 =	sadd.s32 $0x3200, s0;
	s15 =	smul.u32 $0xA00, s12  }
0x8: {  	s12 =	simm.s32 $0x180;
	s7 =	smul.u32 $0x28000, s5;
	[smem:$0x7FF] =	sst s3  }
0x9: {  	s17 =	ssub.s32 $0x2, s5;
	s5 =	smul.u32 $0x50000, s5;
	_ =	strace $0x8000004A  }
0xa: {  	s8 =	sshrl.u32 s8, $0x2;
	s18 =	sshrl.u32 s17, $0x1;
	s10 =	sor.u32 $0x40, s20  }
0xb: {  	s6 =	sadd.s32 s6, s7;
	s13 =	sadd.s32 s8, s2;
	s26 =	sadd.s32 s20, s5  }
0xc: {  	s7 =	sshrl.u32 s20, $0x3;
	s5 =	sadd.s32 s5, s10;
	s14 =	sshrl.u32 s10, $0x3  }
0xd: {  	s10 =	simm.s32 $0x4500;
	s19 =	sadd.s32 $0x2000, s13;
	[dreg:$0x4] =	wrdreg s13  }
0xe: {  	s0 =	sadd.s32 s6, s0;
	s8 =	sadd.s32 $0x4000, s13;
	[dreg:$0x5] =	wrdreg s19  }
0xf: {  	s6 =	ssub.s32 s17, s18;
	s21 =	sadd.s32 $0x6000, s13;
	[dreg:$0x6] =	wrdreg s8  }
0x10: {  	s22 =	sadd.s32 $0x8000, s13;
	s23 =	sadd.s32 $0xA000, s13;
	[dreg:$0x7] =	wrdreg s21  }
0x11: {  	s24 =	sadd.s32 $0xC000, s13;
	s25 =	sadd.s32 $0xE000, s13;
	[dreg:$0x8] =	wrdreg s22  }
0x12: {  	s11 =	sshrl.u32 s26, $0x3;
	s7 =	sadd.s32 s9, s7;
	[dreg:$0x9] =	wrdreg s23  }
0x13: {  	s5 =	sshrl.u32 s5, $0x3;
	s16 =	sor.u32 $0x180, s26;
	[dreg:$0xa] =	wrdreg s24  }
0x14: {  	s17 =	sor.u32 $0x140, s26;
	s20 =	sor.u32 $0x100, s26;
	[dreg:$0xb] =	wrdreg s25  }
0x15: {  	s11 =	sadd.s32 s1, s11;
	[dreg:$0xd] =	wrdreg s7;
	s5 =	sadd.s32 s1, s5  }
0x16: {  	s7 =	sadd.s32 s15, s9;
	s18 =	sshrl.u32 s17, $0x3;
	s21 =	sor.u32 $0xC0, s26  }
0x17: {  	s8 =	sor.u32 $0x80, s26;
	s24 =	sadd.s32 $0x10000, s13;
	[dreg:$0xc] =	wrdreg s11  }
0x18: {  	s0 =	sadd.s32 $0xAD200, s0;
	s25 =	smax.u32 s6, $0x1;
	[dreg:$0xe] =	wrdreg s5  }
0x19: {  	s26 =	sadd.s32 $0x12000, s13;
	s6 =	simm.s32 $0x2500;
	[dreg:$0x10] =	wrdreg s7  }
0x1a: {  	s13 =	simm.s32 $0x400;
	s15 =	simm.s32 $0x3;
	[dreg:$0x14] =	wrdreg s24  }
0x1b: {  	s5 =	sadd.s32 s9, s14;
	s19 =	sadd.s32 s18, s1;
	[dreg:$0x15] =	wrdreg s0  }
0x1c: {  	s22 =	sshrl.u32 s21, $0x3;
	s23 =	sshrl.u32 s8, $0x3;
	[dreg:$0x16] =	wrdreg s25  }
0x1d: {  	[dreg:$0x17] =	wrdreg s26;
	s0 =	simm.s32 $0x300;
	s7 =	simm.s32 $0x1  }
0x1e: {  	s8 =	simm.s32 $0x100;
	s9 =	simm.s32 $0x380;
	s11 =	simm.s32 $0x2  }
0x1f: {  	s14 =	simm.s32 $0x6500;
	s24 =	simm.s32 $0x8500;
	s25 =	simm.s32 $0x4  }
0x20: {  	s26 =	simm.s32 $0x5;
	s18 =	simm.s32 $0x7;
	[dreg:$0xf] =	wrdreg s5  }
.Ltmp0:
0x21: {  	s5 =	sshrl.u32 s16, $0x3;
	[dreg:$0x12] =	wrdreg s19;
	(pc) =	sbr.rel .LBB2_1-.Ltmp0, $4  }
0x22: {  	s21 =	sadd.s32 s22, s1;
	s22 =	sadd.s32 s23, s1;
	s5 =	sadd.s32 s5, s1  }
0x23: {  	s16 =	simm.s32 $0x200;
	[dreg:$0x11] =	wrdreg s5;
	s5 =	sshrl.u32 s20, $0x3  }
0x24: {  	s23 =	simm.s32 $0x480;
	s19 =	simm.s32 $0x0;
	s5 =	sadd.s32 s5, s1  }
0x25: {  	v0 =	vimm.f32 $0.0e+00;
	s1 =	simm.s32 $0x80;
	[dreg:$0x13] =	wrdreg s5;
	s5 =	simm.s32 $0x6  }
.LBB2_6:
0x26: {  	[spmem:s2] =	stream.indirect.scatter.add.f32 [tilespmem:s14], [sflag:$0x9], $0x80, s13, s31, $0xb8;
	[tilespmem:$0x1E500] =	vst v63  }
0x27: {  	_ =	swait.ge [sflag:s26], $0x2000  }
0x28: {  	[sflag:s26] =	ssyncset.done $0x0  }
0x29: {  	[sflag:s26] =	ssyncadd.s32 $0xFFFFE000  }
0x2a: {  	[spmem:s2] =	stream.indirect.scatter.add.f32 [tilespmem:s24], [sflag:$0xA], $0x80, s23, s31, $0xb8;
	[tilespmem:$0x1E500] =	vst v63  }
0x2b: {  	_ =	swait.ge [sflag:s5], $0x2000  }
0x2c: {  	[sflag:s5] =	ssyncset.done $0x0  }
0x2d: {  	[sflag:s5] =	ssyncadd.s32 $0xFFFFE000  }
0x2e: {  	_ =	swait.ge [sflag:s18], $0x2000  }
0x2f: {  	[sflag:s18] =	ssyncset.done $0x0  }
0x30: {  	s17 =	simm.s32 $0x8;
	[sflag:s18] =	ssyncadd.s32 $0xFFFFE000  }
0x31: {  	_ =	swait.ge [sflag:s17], $0x2000  }
0x32: {  	[sflag:s17] =	ssyncset.done $0x0  }
0x33: {  	s20 =	simm.s32 $0x9;
	[sflag:s17] =	ssyncadd.s32 $0xFFFFE000  }
0x34: {  	_ =	swait.ge [sflag:s20], $0x2000  }
0x35: {  	[sflag:s20] =	ssyncset.done $0x0  }
0x36: {  	s19 =	simm.s32 $0xA;
	[sflag:s20] =	ssyncadd.s32 $0xFFFFE000  }
0x37: {  	_ =	swait.ge [sflag:s19], $0x2000  }
0x38: {  	[sflag:s19] =	ssyncset.done $0x0  }
0x39: {  	[sflag:s19] =	ssyncadd.s32 $0xFFFFE000  }
0x3a: {  	s20 =	stileid.u32;
	[bflag:$0x0] =	sbarrier.arrive $0xFFFF  }
0x3b: {  	s17 =	sshll.u32 s20, $0x6;
	s19 =	rddreg [dreg:$0x4]  }
0x3c: {  	s17 =	sor.u32 $0x1C0B, s17;
	s20 =	rddreg [dreg:$0x15];
	s19 =	sshrl.u32 s19, $0x3  }
0x3d: {  	[hbm:s20], [sflag:s17] =	dma.local [spmem:s19], $0x2800  }
0x3e: {  	_ =	swait.ge [sflag:s29], $0x2800  }
0x3f: {  	s17 =	rddreg [dreg:$0x18]  }
0x40: {  	s20 =	rddreg [dreg:$0x16];
	s19 =	sadd.s32 $0x1, s17  }
0x41: {  	p0 =	sne.s32 s19, s20  }
.Ltmp1:
0x42: {  	_ = 	snop;
	(pc) =	sbr.rel @!p0 .LBB2_7-.Ltmp1, $3  }
0x43: {  	_ =	sdelay $0x1  }
0x44: {  	[sflag:s29] =	ssyncset.done $0x0  }
0x45: {  	[sflag:s29] =	ssyncadd.s32 $0xFFFFD800  }
.LBB2_1:
0x46: {  	[dreg:$0x18] =	wrdreg s19;
	s17 =	simm.s32 $0x0;
	s19 =	simm.s32 $0x200  }
.LBB2_2:
0x47: {  	p0 =	sne.s32 s19, $0x7E00;
	[tilespmem:s17+$0x570] =	vst v0  }
0x48: {  	[tilespmem:s17+$0x500] =	vst v0  }
0x49: {  	[tilespmem:s17+$0x510] =	vst v0  }
.Ltmp2:
0x4a: {  	[tilespmem:s17+$0x520] =	vst v0;
	(pc) =	sbr.rel @p0 .LBB2_2-.Ltmp2, $4  }
0x4b: {  	[tilespmem:s17+$0x530] =	vst v0  }
0x4c: {  	[tilespmem:s17+$0x540] =	vst v0  }
0x4d: {  	[tilespmem:s17+$0x550] =	vst v0  }
0x4e: {  	[tilespmem:s17+$0x560] =	vst v0;
	s17 =	sshra.s32 s19, $0x2;
	s19 =	sadd.s32 $0x200, s19  }
0x4f: {  	[tilespmem:s17+$0x570] =	vst v0  }
0x50: {  	[tilespmem:s17+$0x500] =	vst v0  }
0x51: {  	[tilespmem:s17+$0x510] =	vst v0  }
0x52: {  	[tilespmem:s17+$0x520] =	vst v0  }
0x53: {  	[tilespmem:s17+$0x530] =	vst v0  }
0x54: {  	[tilespmem:s17+$0x540] =	vst v0  }
0x55: {  	[tilespmem:s17+$0x550] =	vst v0  }
0x56: {  	[tilespmem:s17+$0x560] =	vst v0;
	s20 =	rddreg [dreg:$0x4]  }
0x57: {  	[spmem:s20] =	stream.linear.scatter [tilespmem:s28], [sflag:$0xB], $0x2000, $0x38;
	[tilespmem:$0x1E500] =	vst v63  }
0x58: {  	_ =	swait.ge [sflag:s29], $0x2000  }
0x59: {  	[sflag:s29] =	ssyncset.done $0x0  }
0x5a: {  	s19 =	rddreg [dreg:$0x5];
	[sflag:s29] =	ssyncadd.s32 $0xFFFFE000  }
0x5b: {  	[spmem:s19] =	stream.linear.scatter [tilespmem:s28], [sflag:$0xB], $0x2000, $0x38;
	[tilespmem:$0x1E500] =	vst v63  }
0x5c: {  	_ =	swait.ge [sflag:s29], $0x2000  }
0x5d: {  	[sflag:s29] =	ssyncset.done $0x0  }
0x5e: {  	s20 =	rddreg [dreg:$0x6];
	[sflag:s29] =	ssyncadd.s32 $0xFFFFE000  }
0x5f: {  	[spmem:s20] =	stream.linear.scatter [tilespmem:s28], [sflag:$0xB], $0x2000, $0x38;
	[tilespmem:$0x1E500] =	vst v63  }
0x60: {  	_ =	swait.ge [sflag:s29], $0x2000  }
0x61: {  	[sflag:s29] =	ssyncset.done $0x0  }
0x62: {  	s19 =	rddreg [dreg:$0x7];
	[sflag:s29] =	ssyncadd.s32 $0xFFFFE000  }
0x63: {  	[spmem:s19] =	stream.linear.scatter [tilespmem:s28], [sflag:$0xB], $0x2000, $0x38;
	[tilespmem:$0x1E500] =	vst v63  }
0x64: {  	_ =	swait.ge [sflag:s29], $0x2000  }
0x65: {  	[sflag:s29] =	ssyncset.done $0x0  }
0x66: {  	s20 =	rddreg [dreg:$0x8];
	[sflag:s29] =	ssyncadd.s32 $0xFFFFE000  }
0x67: {  	[spmem:s20] =	stream.linear.scatter [tilespmem:s28], [sflag:$0xB], $0x2000, $0x38;
	[tilespmem:$0x1E500] =	vst v63  }
0x68: {  	_ =	swait.ge [sflag:s29], $0x2000  }
0x69: {  	[sflag:s29] =	ssyncset.done $0x0  }
0x6a: {  	s19 =	rddreg [dreg:$0x9];
	[sflag:s29] =	ssyncadd.s32 $0xFFFFE000  }
0x6b: {  	[spmem:s19] =	stream.linear.scatter [tilespmem:s28], [sflag:$0xB], $0x2000, $0x38;
	[tilespmem:$0x1E500] =	vst v63  }
0x6c: {  	_ =	swait.ge [sflag:s29], $0x2000  }
0x6d: {  	[sflag:s29] =	ssyncset.done $0x0  }
0x6e: {  	s20 =	rddreg [dreg:$0xa];
	[sflag:s29] =	ssyncadd.s32 $0xFFFFE000  }
0x6f: {  	[spmem:s20] =	stream.linear.scatter [tilespmem:s28], [sflag:$0xB], $0x2000, $0x38;
	[tilespmem:$0x1E500] =	vst v63  }
0x70: {  	_ =	swait.ge [sflag:s29], $0x2000  }
0x71: {  	[sflag:s29] =	ssyncset.done $0x0  }
0x72: {  	s19 =	rddreg [dreg:$0xb];
	[sflag:s29] =	ssyncadd.s32 $0xFFFFE000  }
0x73: {  	[spmem:s19] =	stream.linear.scatter [tilespmem:s28], [sflag:$0xB], $0x2000, $0x38;
	[tilespmem:$0x1E500] =	vst v63  }
0x74: {  	_ =	swait.ge [sflag:s29], $0x2000  }
0x75: {  	[sflag:s29] =	ssyncset.done $0x0  }
0x76: {  	s20 =	rddreg [dreg:$0x14];
	[sflag:s29] =	ssyncadd.s32 $0xFFFFE000  }
0x77: {  	[spmem:s20] =	stream.linear.scatter [tilespmem:s28], [sflag:$0xB], $0x2000, $0x38;
	[tilespmem:$0x1E500] =	vst v63  }
0x78: {  	_ =	swait.ge [sflag:s29], $0x2000  }
0x79: {  	[sflag:s29] =	ssyncset.done $0x0  }
0x7a: {  	s19 =	rddreg [dreg:$0x17];
	[sflag:s29] =	ssyncadd.s32 $0xFFFFE000  }
0x7b: {  	[spmem:s19] =	stream.linear.scatter [tilespmem:s28], [sflag:$0xB], $0x2000, $0x38;
	[tilespmem:$0x1E500] =	vst v63  }
0x7c: {  	_ =	swait.ge [sflag:s29], $0x2000  }
0x7d: {  	[sflag:s29] =	ssyncset.done $0x0  }
0x7e: {  	[sflag:s29] =	ssyncadd.s32 $0xFFFFE000  }
0x7f: {  	[bflag:$0x0] =	sbarrier.arrive $0xFFFF  }
0x80: {  	s19 =	simm.s32 $0x0;
	s20 =	rddreg [dreg:$0xc]  }
0x81: {  	[tilespmem:s19], [sflag:$0xB] =	stream.linear.gather [hbm4b:s20+s19], $0x40, $0x38;
	[tilespmem:$0x1E500] =	vst v63  }
0x82: {  	_ =	swait.ge [sflag:s29], $0x40  }
0x83: {  	[sflag:s29] =	ssyncset.done $0x0  }
0x84: {  	s20 =	rddreg [dreg:$0xd];
	[sflag:s29] =	ssyncadd.s32 $0xFFFFFFC0  }
0x85: {  	[tilespmem:s30], [sflag:$0xB] =	stream.linear.gather [hbm4b:s20+s19], $0x40, $0x38;
	[tilespmem:$0x1E500] =	vst v63  }
0x86: {  	_ =	swait.ge [sflag:s29], $0x40  }
0x87: {  	[sflag:s29] =	ssyncset.done $0x0  }
0x88: {  	[sflag:s29] =	ssyncadd.s32 $0xFFFFFFC0  }
0x89: {  	[tilespmem:s28], [sflag:$0x1] =	stream.indirect.gather [hbm4b:s4+s31], $0x80, s19, s31, $0xb8;
	[tilespmem:$0x1E500] =	vst v63  }
0x8a: {  	s20 =	rddreg [dreg:$0xe]  }
0x8b: {  	[tilespmem:s1], [sflag:$0xB] =	stream.linear.gather [hbm4b:s20+s19], $0x40, $0x38;
	[tilespmem:$0x1E500] =	vst v63  }
0x8c: {  	_ =	swait.ge [sflag:s29], $0x40  }
0x8d: {  	[sflag:s29] =	ssyncset.done $0x0  }
0x8e: {  	s20 =	rddreg [dreg:$0xf];
	[sflag:s29] =	ssyncadd.s32 $0xFFFFFFC0  }
0x8f: {  	[tilespmem:s0], [sflag:$0xB] =	stream.linear.gather [hbm4b:s20+s19], $0x40, $0x38;
	[tilespmem:$0x1E500] =	vst v63  }
0x90: {  	_ =	swait.ge [sflag:s29], $0x40  }
0x91: {  	[sflag:s29] =	ssyncset.done $0x0  }
0x92: {  	[sflag:s29] =	ssyncadd.s32 $0xFFFFFFC0  }
0x93: {  	[tilespmem:s6], [sflag:$0x2] =	stream.indirect.gather [hbm4b:s4+s31], $0x80, s1, s31, $0xb8;
	[tilespmem:$0x1E500] =	vst v63  }
.LBB2_4:
0x94: {  	_ =	swait.ge [sflag:s7], $0x2000  }
0x95: {  	p0 =	seq.s32 s19, $0x0;
	[sflag:s7] =	ssyncset.done $0x0  }
0x96: {  	s17 =	simm.s32 @!p0 $0x8;
	[sflag:s7] =	ssyncadd.s32 $0xFFFFE000  }
0x97: {  	_ =	swait.ge @!p0 [sflag:s17], $0x2000  }
0x98: {  	[sflag:s17] =	ssyncset.done @!p0 $0x0  }
0x99: {  	s20 =	sadd.s32 s19, s22;
	[sflag:s17] =	ssyncadd.s32 @!p0 $0xFFFFE000  }
0x9a: {  	[tilespmem:s8], [sflag:$0xB] =	stream.linear.gather [hbm4b:s20+s3], $0x40, $0x38;
	[tilespmem:$0x1E500] =	vst v63  }
0x9b: {  	_ =	swait.ge [sflag:s29], $0x40  }
0x9c: {  	s20 =	rddreg [dreg:$0x10]  }
0x9d: {  	[sflag:s29] =	ssyncset.done $0x0;
	s17 =	sadd.s32 s19, s20  }
0x9e: {  	[sflag:s29] =	ssyncadd.s32 $0xFFFFFFC0;
	s20 =	sadd.s32 $0x10, s17  }
0x9f: {  	[tilespmem:s9], [sflag:$0xB] =	stream.linear.gather [hbm4b:s20+s3], $0x40, $0x38;
	[tilespmem:$0x1E500] =	vst v63  }
0xa0: {  	_ =	swait.ge [sflag:s29], $0x40  }
0xa1: {  	[sflag:s29] =	ssyncset.done $0x0  }
0xa2: {  	[sflag:s29] =	ssyncadd.s32 $0xFFFFFFC0  }
0xa3: {  	[tilespmem:s10], [sflag:$0x3] =	stream.indirect.gather [hbm4b:s4+s31], $0x80, s8, s31, $0xb8;
	[tilespmem:$0x1E500] =	vst v63  }
0xa4: {  	_ = 	snop  }
0xa5: {  	[spmem:s2] =	stream.indirect.scatter.add.f32 [tilespmem:s28], [sflag:$0x6], $0x80, s30, s31, $0xb8;
	[tilespmem:$0x1E500] =	vst v63  }
0xa6: {  	_ =	swait.ge [sflag:s11], $0x2000  }
0xa7: {  	[sflag:s11] =	ssyncset.done $0x0  }
0xa8: {  	s20 =	simm.s32 @!p0 $0x9;
	[sflag:s11] =	ssyncadd.s32 $0xFFFFE000  }
0xa9: {  	_ =	swait.ge @!p0 [sflag:s20], $0x2000  }
0xaa: {  	[sflag:s20] =	ssyncset.done @!p0 $0x0  }
0xab: {  	[sflag:s20] =	ssyncadd.s32 @!p0 $0xFFFFE000;
	s20 =	sadd.s32 s19, s21  }
0xac: {  	[tilespmem:s12], [sflag:$0xB] =	stream.linear.gather [hbm4b:s20+s3], $0x40, $0x38;
	[tilespmem:$0x1E500] =	vst v63  }
0xad: {  	_ =	swait.ge [sflag:s29], $0x40  }
0xae: {  	[sflag:s29] =	ssyncset.done $0x0  }
0xaf: {  	s20 =	sadd.s32 $0x18, s17;
	[sflag:s29] =	ssyncadd.s32 $0xFFFFFFC0  }
0xb0: {  	[tilespmem:s13], [sflag:$0xB] =	stream.linear.gather [hbm4b:s20+s3], $0x40, $0x38;
	[tilespmem:$0x1E500] =	vst v63  }
0xb1: {  	_ =	swait.ge [sflag:s29], $0x40  }
0xb2: {  	[sflag:s29] =	ssyncset.done $0x0  }
0xb3: {  	[sflag:s29] =	ssyncadd.s32 $0xFFFFFFC0  }
0xb4: {  	[tilespmem:s14], [sflag:$0x4] =	stream.indirect.gather [hbm4b:s4+s31], $0x80, s12, s31, $0xb8;
	[tilespmem:$0x1E500] =	vst v63  }
0xb5: {  	_ = 	snop  }
0xb6: {  	[spmem:s2] =	stream.indirect.scatter.add.f32 [tilespmem:s6], [sflag:$0x7], $0x80, s0, s31, $0xb8;
	[tilespmem:$0x1E500] =	vst v63  }
0xb7: {  	_ =	swait.ge [sflag:s15], $0x2000  }
0xb8: {  	[sflag:s15] =	ssyncset.done $0x0  }
0xb9: {  	s20 =	simm.s32 @!p0 $0xA;
	[sflag:s15] =	ssyncadd.s32 $0xFFFFE000  }
0xba: {  	_ =	swait.ge @!p0 [sflag:s20], $0x2000  }
0xbb: {  	[sflag:s20] =	ssyncset.done @!p0 $0x0  }
0xbc: {  	[sflag:s20] =	ssyncadd.s32 @!p0 $0xFFFFE000;
	s20 =	rddreg [dreg:$0x13]  }
0xbd: {  	s20 =	sadd.s32 s19, s20  }
0xbe: {  	[tilespmem:s16], [sflag:$0xB] =	stream.linear.gather [hbm4b:s20+s3], $0x40, $0x38;
	[tilespmem:$0x1E500] =	vst v63  }
0xbf: {  	_ =	swait.ge [sflag:s29], $0x40  }
0xc0: {  	[sflag:s29] =	ssyncset.done $0x0  }
0xc1: {  	s20 =	sadd.s32 $0x20, s17;
	[sflag:s29] =	ssyncadd.s32 $0xFFFFFFC0  }
0xc2: {  	[tilespmem:s23], [sflag:$0xB] =	stream.linear.gather [hbm4b:s20+s3], $0x40, $0x38;
	[tilespmem:$0x1E500] =	vst v63  }
0xc3: {  	_ =	swait.ge [sflag:s29], $0x40  }
0xc4: {  	[sflag:s29] =	ssyncset.done $0x0  }
0xc5: {  	p0 =	seq.s32 s19, $0x9D8;
	[sflag:s29] =	ssyncadd.s32 $0xFFFFFFC0  }
0xc6: {  	[tilespmem:s24], [sflag:$0x5] =	stream.indirect.gather [hbm4b:s4+s31], $0x80, s16, s31, $0xb8;
	[tilespmem:$0x1E500] =	vst v63  }
.Ltmp3:
0xc7: {  	_ = 	snop;
	(pc) =	sbr.rel @p0 .LBB2_6-.Ltmp3, $4  }
0xc8: {  	[spmem:s2] =	stream.indirect.scatter.add.f32 [tilespmem:s10], [sflag:$0x8], $0x80, s9, s31, $0xb8;
	[tilespmem:$0x1E500] =	vst v63  }
0xc9: {  	_ =	swait.ge [sflag:s25], $0x2000  }
0xca: {  	[sflag:s25] =	ssyncset.done $0x0  }
0xcb: {  	[sflag:s25] =	ssyncadd.s32 $0xFFFFE000  }
0xcc: {  	_ =	swait.ge [sflag:s5], $0x2000  }
0xcd: {  	[sflag:s5] =	ssyncset.done $0x0;
	s20 =	rddreg [dreg:$0x12]  }
0xce: {  	[sflag:s5] =	ssyncadd.s32 $0xFFFFE000;
	s20 =	sadd.s32 s19, s20  }
0xcf: {  	[tilespmem:s3], [sflag:$0xB] =	stream.linear.gather [hbm4b:s20+s3], $0x40, $0x38;
	[tilespmem:$0x1E500] =	vst v63  }
0xd0: {  	_ =	swait.ge [sflag:s29], $0x40  }
0xd1: {  	[sflag:s29] =	ssyncset.done $0x0  }
0xd2: {  	s20 =	sadd.s32 $0x28, s17;
	[sflag:s29] =	ssyncadd.s32 $0xFFFFFFC0  }
0xd3: {  	[tilespmem:s30], [sflag:$0xB] =	stream.linear.gather [hbm4b:s20+s3], $0x40, $0x38;
	[tilespmem:$0x1E500] =	vst v63  }
0xd4: {  	_ =	swait.ge [sflag:s29], $0x40  }
0xd5: {  	[sflag:s29] =	ssyncset.done $0x0  }
0xd6: {  	[sflag:s29] =	ssyncadd.s32 $0xFFFFFFC0  }
0xd7: {  	[tilespmem:s28], [sflag:$0x1] =	stream.indirect.gather [hbm4b:s4+s31], $0x80, s3, s31, $0xb8;
	[tilespmem:$0x1E500] =	vst v63  }
0xd8: {  	_ = 	snop  }
0xd9: {  	[spmem:s2] =	stream.indirect.scatter.add.f32 [tilespmem:s14], [sflag:$0x9], $0x80, s13, s31, $0xb8;
	[tilespmem:$0x1E500] =	vst v63  }
0xda: {  	_ =	swait.ge [sflag:s26], $0x2000  }
0xdb: {  	[sflag:s26] =	ssyncset.done $0x0  }
0xdc: {  	[sflag:s26] =	ssyncadd.s32 $0xFFFFE000  }
0xdd: {  	_ =	swait.ge [sflag:s18], $0x2000  }
0xde: {  	[sflag:s18] =	ssyncset.done $0x0;
	s20 =	rddreg [dreg:$0x11]  }
0xdf: {  	[sflag:s18] =	ssyncadd.s32 $0xFFFFE000;
	s20 =	sadd.s32 s19, s20  }
0xe0: {  	[tilespmem:s1], [sflag:$0xB] =	stream.linear.gather [hbm4b:s20+s3], $0x40, $0x38;
	[tilespmem:$0x1E500] =	vst v63  }
0xe1: {  	_ =	swait.ge [sflag:s29], $0x40  }
0xe2: {  	[sflag:s29] =	ssyncset.done $0x0  }
0xe3: {  	s20 =	sadd.s32 $0x30, s17;
	[sflag:s29] =	ssyncadd.s32 $0xFFFFFFC0  }
0xe4: {  	[tilespmem:s0], [sflag:$0xB] =	stream.linear.gather [hbm4b:s20+s3], $0x40, $0x38;
	[tilespmem:$0x1E500] =	vst v63  }
0xe5: {  	_ =	swait.ge [sflag:s29], $0x40  }
.Ltmp4:
0xe6: {  	[sflag:s29] =	ssyncset.done $0x0;
	(pc) =	sbr.rel .LBB2_4-.Ltmp4, $4  }
0xe7: {  	[sflag:s29] =	ssyncadd.s32 $0xFFFFFFC0  }
0xe8: {  	[tilespmem:s6], [sflag:$0x2] =	stream.indirect.gather [hbm4b:s4+s31], $0x80, s1, s31, $0xb8;
	[tilespmem:$0x1E500] =	vst v63  }
0xe9: {  	s19 =	sadd.s32 $0x28, s19  }
0xea: {  	[spmem:s2] =	stream.indirect.scatter.add.f32 [tilespmem:s24], [sflag:$0xA], $0x80, s23, s31, $0xb8;
	[tilespmem:$0x1E500] =	vst v63  }
.LBB2_7:
0xeb: {  	_ =	sfence.sel $0x180000  }
0xec: {  	[bflag:$0x0] =	sbarrier.arrive $0xFFFF  }
0xed: {  	_ =	strace $0x9000004A  }
0xee: {  	s0 =	stileid.u32;
	[bflag:$0x2] =	sbarrier.arrive $0xFFFF  }
0xef: {  	p0 =	sne.s32 s0, $0x0;
	s0 =	rddreg [dreg:$0x3]  }
0xf0: {  	s0 =	sadd.s32 @!p0 $0x100000, s0  }
0xf1: {  	[sflag:s0] =	ssyncadd.tile.s32 @!p0 $0x1;
	_ =	shalt  }
.Lfunc_end2:
_tile_overlayer_lowered:
.L_overlay_start_2:
0xf2: {  	(tag) =	ssettag $0x2  }
0xf3: {  	s0 =	rddreg [dreg:$0x0];
	s2 =	stileid.u32  }
0xf4: {  	s1 =	rddreg [dreg:$0x1];
	p0 =	sne.s32 s2, $0x0  }
0xf5: {  	s3 =	rddreg [dreg:$0x2];
	[bflag:$0x3] =	sbarrier.arrive $0xFFFF;
	s2 =	simm.s32 @!p0 $0x1C0B  }
0xf6: {  	[timem:s3], [sflag:s2] =	dma.local @!p0 [hbm:s0], s1  }
0xf7: {  	s0 =	simm.s32 @!p0 $0xB  }
0xf8: {  	_ =	swait.ge @!p0 [sflag:s0], s1  }
0xf9: {  	s1 =	ssub.s32 @!p0 $0x0, s1;
	[sflag:s0] =	ssyncset.done @!p0 $0x0  }
0xfa: {  	[sflag:s0] =	ssyncadd.s32 @!p0 s1  }
0xfb: {  	[bflag:$0x3] =	sbarrier.arrive $0xFFFF  }
0xfc: {  	_ =	shalt  }

// kernel: kernel.14.cloned.1.call-start
scs
__scs_entry_jumppad:
0x0: {  	(pc) =	sbr.rel $0x88, $3  }
0x1: {  	(tag) =	ssettag $0x0;
	lr =	simm.s32 $0x1  }
0x2: {  	[smem:$0x3F9A] =	sst lr;
	_ =	strace $0xD0000000  }
0x3: {  	_ = 	snop  }
0x4: {  	_ = 	snop  }
0x5: {  	_ = 	snop  }
0x6: {  	_ = 	snop  }
0x7: {  	_ = 	snop  }
__scs_overlays_trampoline_lowered:
0x8: {  	[smem:$0x3FA9] =	sst s0  }
0x9: {  	[smem:$0x3FAA] =	sst s1  }
0xa: {  	[smem:$0x3FAB] =	sst s2  }
0xb: {  	[smem:$0x3FAC] =	sst s3  }
0xc: {  	[smem:$0x3FAD] =	sst s4  }
0xd: {  	[smem:$0x3FAE] =	sst s5  }
0xe: {  	[smem:$0x3FAF] =	sst s6  }
0xf: {  	[smem:$0x3FB0] =	sst s7  }
0x10: {  	[smem:$0x3FB1] =	sst s8  }
0x11: {  	[smem:$0x3FB2] =	sst s9;
	s0 =	simm.s32 @!p0 $0x0  }
0x12: {  	s1 =	sld [smem:$0x3F98];
	s0 =	simm.s32 @p0 $0x1  }
0x13: {  	[smem:$0x3FB3] =	sst s0;
	s0 =	simm.s32 @!p1 $0x0  }
0x14: {  	s2 =	sld [smem:$0x3F97];
	s0 =	simm.s32 @p1 $0x1  }
0x15: {  	[smem:$0x3FB4] =	sst s0;
	s0 =	simm.s32 @!p2 $0x0  }
0x16: {  	s3 =	sld [smem:$0x3FDB];
	s0 =	simm.s32 @p2 $0x1  }
0x17: {  	s4 =	simm.s32 $0x1BF5;
	[smem:$0x3FB6] =	sst s0  }
0x18: {  	s0 =	sld [smem:$0x3F99];
	_ =	swait.ge [sflag:s4], $0x0  }
0x19: {  	s7 =	sld [smem:$0x3F9A]  }
0x1a: {  	s8 =	sadd.s32 $0xFFFFE003, lr  }
0x1b: {  	s9 =	sadd.s32 $0xFFFFFEF7, lr;
	s5 =	simm.s32 $0xFFFFFFFF;
	p2 =	slt.u32 s8, $0xFFFFF086  }
0x1c: {  	p1 =	slt.u32 s9, $0xF7A;
	s5 =	simm.s32 @!p2 $0x0  }
0x1d: {  	s5 =	simm.s32 @p1 $0x1;
	p0 =	seq.s32 s7, s2  }
0x1e: {  	s7 =	smul.u32 @!p0 $0xF7A, s2;
	p2 =	seq.s32 @!p0 s5, $0x0  }
0x1f: {  	s9 =	smul.u32 $0xF7A, s1;
	s8 =	simm.s32 @!p0 $0x1BF5;
	p2 =	por !p2, p0  }
0x20: {  	[sflag:s8] =	ssyncset.s32 @!p0 $0xFFFFF086;
	s6 =	sadd.s32 @!p0 s3, s7;
	s7 =	simm.s32 @!p0 $0x108  }
0x21: {  	s3 =	sadd.s32 s3, s9;
	s6 =	sadd.s32 @!p0 $0x88, s6;
	s7 =	simm.s32 @p2 $0x1082  }
0x22: {  	[simem:s7], [sflag:s8] =	dma.local @!p0 [hbm:s6], $0xF7A  }
0x23: {  	s9 =	sor.u32 $0xD0000000, s2;
	s6 =	simm.s32 $0x108;
	_ =	swait.ge @!p0 [sflag:s8], $0x0  }
0x24: {  	s3 =	sadd.s32 $0x88, s3;
	s6 =	simm.s32 @!p1 $0x1082;
	[sflag:s4] =	ssyncset.s32 $0xFFFFF086  }
0x25: {  	[simem:s6], [sflag:s4] =	dma.local [hbm:s3], $0xF7A  }
0x26: {  	[smem:$0x3F9A] =	sst s1;
	(tag) =	ssettag s2;
	_ =	strace s9  }
0x27: {  	s1 =	sld [smem:$0x3FAA]  }
0x28: {  	s2 =	sld [smem:$0x3FAB]  }
0x29: {  	s4 =	sld [smem:$0x3FAD]  }
0x2a: {  	p0 =	seq.s32 s5, $0x0;
	s5 =	sld [smem:$0x3FAE]  }
0x2b: {  	s6 =	sld [smem:$0x3FAF]  }
0x2c: {  	s7 =	sld [smem:$0x3FB0]  }
0x2d: {  	s3 =	simm.s32 $0x108;
	s8 =	sld [smem:$0x3FB1]  }
0x2e: {  	s3 =	simm.s32 @!p0 $0x1082;
	s9 =	sld [smem:$0x3FB2]  }
0x2f: {  	lr =	sadd.s32 s0, s3;
	s0 =	sld [smem:$0x3FA9]  }
0x30: {  	s3 =	sld [smem:$0x3FAC]  }
0x31: {  	[smem:$0x3FB5] =	sst s10  }
0x32: {  	s10 =	sld [smem:$0x3FB3];
	_ =	sdelay $0x3  }
0x33: {  	p0 =	seq.s32 s10, $0x1;
	s10 =	sld [smem:$0x3FB5];
	_ =	sdelay $0x3  }
0x34: {  	[smem:$0x3FB5] =	sst s10  }
0x35: {  	s10 =	sld [smem:$0x3FB4];
	_ =	sdelay $0x3  }
0x36: {  	p1 =	seq.s32 s10, $0x1;
	s10 =	sld [smem:$0x3FB5];
	_ =	sdelay $0x3  }
0x37: {  	[smem:$0x3FB5] =	sst s10  }
0x38: {  	s10 =	sld [smem:$0x3FB6]  }
0x39: {  	_ = 	snop;
	(pc) =	sbr.ind lr, $3  }
0x3a: {  	_ = 	snop  }
0x3b: {  	_ = 	snop  }
0x3c: {  	p2 =	seq.s32 s10, $0x1;
	s10 =	sld [smem:$0x3FB5]  }
0x3d: {  	_ =	shalt  }
0x3e: {  	_ =	shalt  }
0x3f: {  	_ =	shalt  }
0x40: {  	_ =	shalt  }
0x41: {  	_ =	shalt  }
0x42: {  	_ =	shalt  }
0x43: {  	_ =	shalt  }
0x44: {  	_ =	shalt  }
0x45: {  	_ =	shalt  }
0x46: {  	_ =	shalt  }
0x47: {  	_ =	shalt  }
0x48: {  	_ =	shalt  }
0x49: {  	_ =	shalt  }
0x4a: {  	_ =	shalt  }
0x4b: {  	_ =	shalt  }
0x4c: {  	_ =	shalt  }
0x4d: {  	_ =	shalt  }
0x4e: {  	_ =	shalt  }
0x4f: {  	_ =	shalt  }
0x50: {  	_ =	shalt  }
0x51: {  	_ =	shalt  }
0x52: {  	_ =	shalt  }
0x53: {  	_ =	shalt  }
0x54: {  	_ =	shalt  }
0x55: {  	_ =	shalt  }
0x56: {  	_ =	shalt  }
0x57: {  	_ =	shalt  }
0x58: {  	_ =	shalt  }
0x59: {  	_ =	shalt  }
0x5a: {  	_ =	shalt  }
0x5b: {  	_ =	shalt  }
0x5c: {  	_ =	shalt  }
0x5d: {  	_ =	shalt  }
0x5e: {  	_ =	shalt  }
0x5f: {  	_ =	shalt  }
0x60: {  	_ =	shalt  }
0x61: {  	_ =	shalt  }
0x62: {  	_ =	shalt  }
0x63: {  	_ =	shalt  }
0x64: {  	_ =	shalt  }
0x65: {  	_ =	shalt  }
0x66: {  	_ =	shalt  }
0x67: {  	_ =	shalt  }
0x68: {  	_ =	shalt  }
0x69: {  	_ =	shalt  }
0x6a: {  	_ =	shalt  }
0x6b: {  	_ =	shalt  }
0x6c: {  	_ =	shalt  }
0x6d: {  	_ =	shalt  }
0x6e: {  	_ =	shalt  }
0x6f: {  	_ =	shalt  }
0x70: {  	_ =	shalt  }
0x71: {  	_ =	shalt  }
0x72: {  	_ =	shalt  }
0x73: {  	_ =	shalt  }
0x74: {  	_ =	shalt  }
0x75: {  	_ =	shalt  }
0x76: {  	_ =	shalt  }
0x77: {  	_ =	shalt  }
0x78: {  	_ =	shalt  }
0x79: {  	_ =	shalt  }
0x7a: {  	_ =	shalt  }
0x7b: {  	_ =	shalt  }
0x7c: {  	_ =	shalt  }
0x7d: {  	_ =	shalt  }
0x7e: {  	_ =	shalt  }
0x7f: {  	_ =	shalt  }
0x80: {  	_ =	shalt  }
0x81: {  	_ =	shalt  }
0x82: {  	_ =	shalt  }
0x83: {  	_ =	shalt  }
0x84: {  	_ =	shalt  }
0x85: {  	_ =	shalt  }
0x86: {  	_ =	shalt  }
0x87: {  	_ =	shalt  }
.Lfunc_end0:
.L_simem_size_0:
called_computation.2_lowered:
.L_overlay_start_0:
0x88: {  	s2 =	sld [smem:$0x3FD9]  }
0x89: {  	s3 =	sld [smem:$0x3FFE];
	_ =	sdelay $0x1  }
0x8a: {  	s1 =	srdreg.scid  }
0x8b: {  	s0 =	sand.u32 $0x1, s1  }
0x8c: {  	s17 =	sshll.u32 s0, $0xA;
	s2 =	sadd.s32 s3, s2  }
0x8d: {  	s2 =	sadd.s32 s2, s17  }
0x8e: {  	[smem:$0x3FC1] =	sst s2  }
0x8f: {  	_ = 	snop  }
0x90: {  	s2 =	sld [smem:$0x3FD0];
	(tm) =	ssettm $0x1  }
0x91: {  	s18 =	sld [smem:$0x3FFB];
	_ =	sdelay $0x3  }
0x92: {  	_ =	strace s18  }
0x93: {  	s3 =	sld [smem:$0x3FFC];
	_ =	sdelay $0x3  }
0x94: {  	_ =	strace s3  }
0x95: {  	s3 =	sld [smem:$0x3FFD];
	_ =	sdelay $0x3  }
0x96: {  	_ =	strace s3  }
0x97: {  	_ =	strace $0x8FFFFFFF  }
0x98: {  	s19 =	sld [smem:$0x3FDB];
	_ =	sdelay $0x1  }
0x99: {  	s4 =	simm.s32 $_scs_section_size  }
0x9a: {  	s5 =	simm.s32 $_size__tile_overlayer_lowered;
	s6 =	simm.s32 $_tile_overlayer_lowered  }
0x9b: {  	s22 =	simm.s32 $0x1BFF;
	s21 =	sshll.u32 s6, $0x1;
	s3 =	sadd.s32 s4, s19  }
0x9c: {  	s7 =	simm.s32 $0x0;
	s20 =	sshll.u32 s5, $0x1;
	s5 =	sadd.s32 s21, s3  }
0x9d: {  	[timem:s7], [sflag:s22] =	dma.local [hbm:s5], s20  }
0x9e: {  	_ =	swait.ge [sflag:s22], s20  }
0x9f: {  	s4 =	ssub.s32 $0x0, s20;
	[sflag:s22] =	ssyncset.done $0x0  }
0xa0: {  	[sflag:s22] =	ssyncadd.s32 s4;
	_ =	sdelay $0x1  }
0xa1: {  	s23 =	simm.s32 $0x1B8B  }
0xa2: {  	_ =	swait.ge [sflag:s23], $0x1  }
0xa3: {  	[sflag:s23] =	ssyncset.done $0x0  }
0xa4: {  	s25 =	simm.s32 $0x1B8E;
	s24 =	sld [smem:$0x3FFE];
	[sflag:s23] =	ssyncadd.s32 $0xFFFFFFFF  }
0xa5: {  	s26 =	simm.s32 $execute0_lowered;
	[smem:$0x3FD2] =	sst s25  }
0xa6: {  	s5 =	sshll.u32 s26, $0x1;
	_ =	strace $0x8000004C;
	[dreg:$0x1] =	wrdreg $0xFFFFFFFF  }
0xa7: {  	s28 =	simm.s32 $_size_execute0_lowered;
	s3 =	sadd.s32 s3, s5;
	[dreg:$0x0] =	wrdreg $0x0  }
0xa8: {  	s5 =	sshll.u32 s28, $0x1;
	[dreg:$0x2] =	wrdreg s3  }
0xa9: {  	[dreg:$0x3] =	wrdreg s5  }
0xaa: {  	[dreg:$0x4] =	wrdreg $0xC0  }
0xab: {  	_ =	task [dreg:s7], $0x5FFFF  }
0xac: {  	[dreg:$0x1] =	wrdreg $0xFFFFFFFF  }
0xad: {  	[dreg:$0x0] =	wrdreg $0x60  }
0xae: {  	[dreg:$0x2] =	wrdreg s24  }
0xaf: {  	[dreg:$0x3] =	wrdreg s2  }
0xb0: {  	[dreg:$0x4] =	wrdreg $0x80800  }
0xb1: {  	[dreg:$0x5] =	wrdreg $0x120800  }
0xb2: {  	[dreg:$0x6] =	wrdreg $0x9  }
0xb3: {  	_ =	task.clear_ibuf [dreg:s7], $0x7FFFF;
	_ =	strace $0x9000004C  }
0xb4: {  	s29 =	simm.s32 $0x9;
	_ =	strace $0x8000004E  }
0xb5: {  	_ =	swait.ge [sflag:s29], $0x1  }
0xb6: {  	[sflag:s29] =	ssyncadd.s32 $0xFFFFFFFF  }
0xb7: {  	_ =	strace $0x9000004E  }
0xb8: {  	_ =	sfence  }
0xb9: {  	s30 =	sld [smem:$0x0];
	_ =	sdelay $0x2  }
0xba: {  	s31 =	sshll.u32 s1, $0xD;
	s1 =	sshrl.u32 s1, $0x2  }
0xbb: {  	s3 =	sand.u32 $0x4000, s31;
	s1 =	sadd.s32 s1, s30  }
0xbc: {  	s0 =	sor.u32 s3, s0;
	s1 =	sshll.u32 s1, $0x11  }
0xbd: {  	s0 =	sor.u32 s1, s0  }
0xbe: {  	s0 =	sadd.s32 $0x8F2B, s0  }
0xbf: {  	[sflag:s0] =	ssyncadd.remote.s32 $0x1  }
0xc0: {  	_ =	sfence.sel $0xFFFF  }
0xc1: {  	[dreg:$0x0] =	wrdreg $0xFFFFFFFF;
	(pc) =	sbr.abs _section_cstart, $3  }
0xc2: {  	[dreg:$0x1] =	wrdreg $0xFFFFFFFF  }
0xc3: {  	_ =	task.clear_ibuf [dreg:s7], $0x2FFFF;
	_ =	strace $0x9FFFFFFF  }
0xc4: {  	(tm) =	ssettm $0x7FFFFFFF  }
0xc5: {  	_ =	shalt  }
tec
execute0_lowered:
.L_overlay_start_1:
0x0: {  	(tag) =	ssettag $0x1  }
0x1: {  	s0 =	rddreg [dreg:$0x0]  }
0x2: {  	s7 =	rddreg [dreg:$0x1]  }
0x3: {  	s1 =	rddreg [dreg:$0x2];
	s2 =	stileid.u32  }
0x4: {  	s3 =	rddreg [dreg:$0x3];
	s8 =	smul.u32 $0x1400, s2  }
0x5: {  	s4 =	simm.s32 $0x0;
	s5 =	srdreg.scid;
	s15 =	smul.u32 $0xA000, s2  }
0x6: {  	[smem:$0x7FF] =	sst s4;
	s24 =	sand.u32 $0x1, s5;
	s16 =	smul.u32 $0x280, s2  }
0x7: {  	s23 =	sadd.s32 $0x3200, s0;
	s12 =	sadd.s32 $0xFD200, s0;
	s5 =	smul.u32 $0x14000, s24  }
0x8: {  	_ =	strace $0x8000004D;
	s6 =	ssub.s32 $0x2, s24;
	s19 =	smul.u32 $0x2800, s24  }
0x9: {  	p0 =	sne.s32 s24, $0x0;
	s24 =	simm.s32 $0x80;
	s9 =	sshrl.u32 s6, $0x1  }
0xa: {  	s14 =	sadd.s32 $0x4000, s15;
	s17 =	sadd.s32 $0x80, s16;
	s30 =	sshrl.u32 s16, $0x3  }
0xb: {  	s31 =	sadd.s32 s7, s8;
	s20 =	sadd.s32 $0x100, s16;
	s21 =	sadd.s32 $0x180, s16  }
0xc: {  	s22 =	sadd.s32 $0x200, s16;
	s25 =	sadd.s32 $0x8000, s15;
	s5 =	sadd.s32 s8, s5  }
0xd: {  	s18 =	ssub.s32 s6, s9;
	s6 =	sadd.s32 s15, s3;
	s10 =	sshrl.u32 s17, $0x3  }
0xe: {  	[dreg:$0x5] =	wrdreg s31;
	s7 =	sadd.s32 s12, s30;
	s8 =	sshrl.u32 s20, $0x3  }
0xf: {  	s11 =	sshrl.u32 s21, $0x3;
	s13 =	sshrl.u32 s22, $0x3;
	s26 =	sadd.s32 s19, s16  }
0x10: {  	s28 =	sadd.s32 s19, s17;
	s29 =	sadd.s32 s19, s20;
	s21 =	sadd.s32 s19, s21  }
0x11: {  	s30 =	sadd.s32 s19, s22;
	s16 =	sadd.s32 s25, s3;
	s0 =	sadd.s32 s5, s0  }
0x12: {  	s5 =	sadd.s32 s15, s1;
	[dreg:$0x6] =	wrdreg s7;
	s9 =	sadd.s32 s12, s10  }
0x13: {  	s10 =	sadd.s32 s12, s8;
	s11 =	sadd.s32 s12, s11;
	s12 =	sadd.s32 s12, s13  }
0x14: {  	s13 =	sadd.s32 s14, s1;
	s14 =	sadd.s32 s14, s3;
	s15 =	sadd.s32 s25, s1  }
0x15: {  	s22 =	sshll.u32 s26, $0x4;
	s18 =	smax.u32 s18, $0x1;
	s25 =	sshll.u32 s28, $0x4  }
0x16: {  	s26 =	sshll.u32 s29, $0x4;
	s29 =	sshll.u32 s21, $0x4;
	s31 =	sshll.u32 s30, $0x4  }
0x17: {  	s28 =	simm.s32 $0x0;
	s17 =	sadd.s32 $0x53200, s0;
	s19 =	sadd.s32 s23, s22  }
0x18: {  	v0 =	vimm.f32 $0.0e+00;
	vm0 =	vcmask $0x300;
	s20 =	sadd.s32 s23, s25;
	s21 =	sadd.s32 s23, s26;
	s22 =	sadd.s32 s23, s29  }
0x19: {  	v1 =	vsel vm0, $0x3F800000, v0;
	s23 =	sadd.s32 s23, s31;
	s25 =	simm.s32 $0x1;
	s26 =	simm.s32 $0x2  }
.LBB2_1:
0x1a: {  	s0 =	simm.s32 $0x0;
	s29 =	simm.s32 $0x200  }
.LBB2_2:
0x1b: {  	p1 =	sne.s32 s29, $0xFE00;
	[tilespmem:s0+$0xF0] =	vst v0  }
0x1c: {  	[tilespmem:s0+$0x80] =	vst v0  }
0x1d: {  	[tilespmem:s0+$0x90] =	vst v0  }
.Ltmp0:
0x1e: {  	[tilespmem:s0+$0xA0] =	vst v0;
	(pc) =	sbr.rel @p1 .LBB2_2-.Ltmp0, $4  }
0x1f: {  	[tilespmem:s0+$0xB0] =	vst v0  }
0x20: {  	[tilespmem:s0+$0xC0] =	vst v0  }
0x21: {  	[tilespmem:s0+$0xD0] =	vst v0  }
0x22: {  	[tilespmem:s0+$0xE0] =	vst v0;
	s0 =	sshra.s32 s29, $0x2;
	s29 =	sadd.s32 $0x200, s29  }
0x23: {  	[tilespmem:s0+$0xF0] =	vst v0  }
0x24: {  	[tilespmem:s0+$0x80] =	vst v0  }
0x25: {  	[tilespmem:s0+$0x90] =	vst v0  }
0x26: {  	[tilespmem:s0+$0xA0] =	vst v0  }
0x27: {  	[tilespmem:s0+$0xB0] =	vst v0  }
0x28: {  	[tilespmem:s0+$0xC0] =	vst v0  }
0x29: {  	[tilespmem:s0+$0xD0] =	vst v0  }
0x2a: {  	[tilespmem:s0+$0xE0] =	vst v0;
	s0 =	simm.s32 $0x0;
	s29 =	simm.s32 $0x200  }
.LBB2_4:
0x2b: {  	p1 =	sne.s32 s29, $0xFE00;
	[tilespmem:s0+$0x40F0] =	vst v0  }
0x2c: {  	[tilespmem:s0+$0x4080] =	vst v1  }
0x2d: {  	[tilespmem:s0+$0x4090] =	vst v0  }
.Ltmp1:
0x2e: {  	[tilespmem:s0+$0x40A0] =	vst v0;
	(pc) =	sbr.rel @p1 .LBB2_4-.Ltmp1, $4  }
0x2f: {  	[tilespmem:s0+$0x40B0] =	vst v0  }
0x30: {  	[tilespmem:s0+$0x40C0] =	vst v0  }
0x31: {  	[tilespmem:s0+$0x40D0] =	vst v0  }
0x32: {  	[tilespmem:s0+$0x40E0] =	vst v0;
	s0 =	sshra.s32 s29, $0x2;
	s29 =	sadd.s32 $0x200, s29  }
0x33: {  	[tilespmem:s0+$0x40F0] =	vst v0  }
0x34: {  	[tilespmem:s0+$0x4080] =	vst v1  }
0x35: {  	[tilespmem:s0+$0x4090] =	vst v0  }
0x36: {  	[tilespmem:s0+$0x40A0] =	vst v0  }
0x37: {  	[tilespmem:s0+$0x40B0] =	vst v0  }
0x38: {  	[tilespmem:s0+$0x40C0] =	vst v0  }
0x39: {  	[tilespmem:s0+$0x40D0] =	vst v0  }
0x3a: {  	[tilespmem:s0+$0x40E0] =	vst v0  }
0x3b: {  	[spmem:s5] =	stream.linear.scatter [tilespmem:s24], [sflag:$0x1], $0x4000, $0x38;
	[tilespmem:$0x1C080] =	vst v63  }
0x3c: {  	_ =	swait.ge [sflag:s25], $0x4000  }
0x3d: {  	[sflag:s25] =	ssyncset.done $0x0  }
0x3e: {  	[sflag:s25] =	ssyncadd.s32 $0xFFFFC000  }
0x3f: {  	[spmem:s6] =	stream.linear.scatter [tilespmem:s24], [sflag:$0x1], $0x4000, $0x38;
	[tilespmem:$0x1C080] =	vst v63  }
0x40: {  	_ =	swait.ge [sflag:s25], $0x4000  }
0x41: {  	[sflag:s25] =	ssyncset.done $0x0  }
0x42: {  	[sflag:s25] =	ssyncadd.s32 $0xFFFFC000  }
0x43: {  	[spmem:s13] =	stream.linear.scatter [tilespmem:s24], [sflag:$0x1], $0x4000, $0x38;
	[tilespmem:$0x1C080] =	vst v63  }
0x44: {  	_ =	swait.ge [sflag:s25], $0x4000  }
0x45: {  	[sflag:s25] =	ssyncset.done $0x0  }
0x46: {  	[sflag:s25] =	ssyncadd.s32 $0xFFFFC000  }
0x47: {  	[spmem:s14] =	stream.linear.scatter [tilespmem:s24], [sflag:$0x1], $0x4000, $0x38;
	[tilespmem:$0x1C080] =	vst v63  }
0x48: {  	_ =	swait.ge [sflag:s25], $0x4000  }
0x49: {  	[sflag:s25] =	ssyncset.done $0x0  }
0x4a: {  	[sflag:s25] =	ssyncadd.s32 $0xFFFFC000  }
0x4b: {  	[spmem:s15] =	stream.linear.scatter [tilespmem:s24], [sflag:$0x1], $0x2000, $0x38;
	[tilespmem:$0x1C080] =	vst v63  }
0x4c: {  	_ =	swait.ge [sflag:s25], $0x2000  }
0x4d: {  	[sflag:s25] =	ssyncset.done $0x0  }
0x4e: {  	[sflag:s25] =	ssyncadd.s32 $0xFFFFE000  }
0x4f: {  	[spmem:s16] =	stream.linear.scatter [tilespmem:s24], [sflag:$0x1], $0x2000, $0x38;
	[tilespmem:$0x1C080] =	vst v63  }
0x50: {  	_ =	swait.ge [sflag:s25], $0x2000  }
0x51: {  	[sflag:s25] =	ssyncset.done $0x0  }
0x52: {  	[sflag:s25] =	ssyncadd.s32 $0xFFFFE000  }
0x53: {  	[bflag:$0x0] =	sbarrier.arrive $0xFFFF  }
0x54: {  	s31 =	rddreg [dreg:$0x6]  }
0x55: {  	[tilespmem:s4], [sflag:$0x2] =	stream.linear.gather [hbm4b:s31+s4], $0x80, $0x38;
	[tilespmem:$0x1C080] =	vst v63  }
0x56: {  	_ =	swait.ge [sflag:s26], $0x80  }
0x57: {  	[sflag:s26] =	ssyncset.done $0x0  }
0x58: {  	[sflag:s26] =	ssyncadd.s32 $0xFFFFFF80  }
0x59: {  	[tilespmem:s24], [sflag:$0x2] =	stream.linear.gather [hbm4b:s19+s4], $0x4000, $0x38;
	[tilespmem:$0x1C080] =	vst v63  }
0x5a: {  	_ =	swait.ge [sflag:s26], $0x4000  }
0x5b: {  	[sflag:s26] =	ssyncset.done $0x0  }
0x5c: {  	[sflag:s26] =	ssyncadd.s32 $0xFFFFC000  }
0x5d: {  	[spmem:s1] =	stream.indirect.scatter.add.f32 [tilespmem:s24], [sflag:$0x2], $0x80, s4, s24, $0xb8;
	[tilespmem:$0x1C080] =	vst v63  }
0x5e: {  	_ =	swait.ge [sflag:s26], $0x4000  }
0x5f: {  	s30 =	simm.s32 @!p0 $0x80;
	s0 =	simm.s32 @!p0 $0x4080;
	[sflag:s26] =	ssyncset.done $0x0  }
0x60: {  	s29 =	simm.s32 @!p0 $0x1;
	s31 =	simm.s32 @!p0 $0x0;
	[sflag:s26] =	ssyncadd.s32 $0xFFFFC000  }
0x61: {  	[spmem:s3] =	stream.indirect.scatter.add.f32 @!p0 [tilespmem:s0], [sflag:$0x1], $0x80, s31, s30, $0xb8;
	[tilespmem:$0x1C080] =	vst v63  }
0x62: {  	_ =	swait.ge @!p0 [sflag:s29], $0x4000  }
0x63: {  	[sflag:s29] =	ssyncset.done @!p0 $0x0  }
0x64: {  	[sflag:s29] =	ssyncadd.s32 @!p0 $0xFFFFC000  }
0x65: {  	[tilespmem:s4], [sflag:$0x2] =	stream.linear.gather [hbm4b:s9+s4], $0x80, $0x38;
	[tilespmem:$0x1C080] =	vst v63  }
0x66: {  	_ =	swait.ge [sflag:s26], $0x80  }
0x67: {  	[sflag:s26] =	ssyncset.done $0x0  }
0x68: {  	[sflag:s26] =	ssyncadd.s32 $0xFFFFFF80  }
0x69: {  	[tilespmem:s24], [sflag:$0x2] =	stream.linear.gather [hbm4b:s20+s4], $0x4000, $0x38;
	[tilespmem:$0x1C080] =	vst v63  }
0x6a: {  	_ =	swait.ge [sflag:s26], $0x4000  }
0x6b: {  	[sflag:s26] =	ssyncset.done $0x0  }
0x6c: {  	[sflag:s26] =	ssyncadd.s32 $0xFFFFC000  }
0x6d: {  	[spmem:s1] =	stream.indirect.scatter.add.f32 [tilespmem:s24], [sflag:$0x2], $0x80, s4, s24, $0xb8;
	[tilespmem:$0x1C080] =	vst v63  }
0x6e: {  	_ =	swait.ge [sflag:s26], $0x4000  }
0x6f: {  	[sflag:s26] =	ssyncset.done $0x0  }
0x70: {  	[sflag:s26] =	ssyncadd.s32 $0xFFFFC000  }
0x71: {  	[spmem:s3] =	stream.indirect.scatter.add.f32 @!p0 [tilespmem:s0], [sflag:$0x1], $0x80, s31, s30, $0xb8;
	[tilespmem:$0x1C080] =	vst v63  }
0x72: {  	_ =	swait.ge @!p0 [sflag:s29], $0x4000  }
0x73: {  	[sflag:s29] =	ssyncset.done @!p0 $0x0  }
0x74: {  	[sflag:s29] =	ssyncadd.s32 @!p0 $0xFFFFC000  }
0x75: {  	[tilespmem:s4], [sflag:$0x2] =	stream.linear.gather [hbm4b:s10+s4], $0x80, $0x38;
	[tilespmem:$0x1C080] =	vst v63  }
0x76: {  	_ =	swait.ge [sflag:s26], $0x80  }
0x77: {  	[sflag:s26] =	ssyncset.done $0x0  }
0x78: {  	[sflag:s26] =	ssyncadd.s32 $0xFFFFFF80  }
0x79: {  	[tilespmem:s24], [sflag:$0x2] =	stream.linear.gather [hbm4b:s21+s4], $0x4000, $0x38;
	[tilespmem:$0x1C080] =	vst v63  }
0x7a: {  	_ =	swait.ge [sflag:s26], $0x4000  }
0x7b: {  	[sflag:s26] =	ssyncset.done $0x0  }
0x7c: {  	[sflag:s26] =	ssyncadd.s32 $0xFFFFC000  }
0x7d: {  	[spmem:s1] =	stream.indirect.scatter.add.f32 [tilespmem:s24], [sflag:$0x2], $0x80, s4, s24, $0xb8;
	[tilespmem:$0x1C080] =	vst v63  }
0x7e: {  	_ =	swait.ge [sflag:s26], $0x4000  }
0x7f: {  	[sflag:s26] =	ssyncset.done $0x0  }
0x80: {  	[sflag:s26] =	ssyncadd.s32 $0xFFFFC000  }
0x81: {  	[spmem:s3] =	stream.indirect.scatter.add.f32 @!p0 [tilespmem:s0], [sflag:$0x1], $0x80, s31, s30, $0xb8;
	[tilespmem:$0x1C080] =	vst v63  }
0x82: {  	_ =	swait.ge @!p0 [sflag:s29], $0x4000  }
0x83: {  	[sflag:s29] =	ssyncset.done @!p0 $0x0  }
0x84: {  	[sflag:s29] =	ssyncadd.s32 @!p0 $0xFFFFC000  }
0x85: {  	[tilespmem:s4], [sflag:$0x2] =	stream.linear.gather [hbm4b:s11+s4], $0x80, $0x38;
	[tilespmem:$0x1C080] =	vst v63  }
0x86: {  	_ =	swait.ge [sflag:s26], $0x80  }
0x87: {  	[sflag:s26] =	ssyncset.done $0x0  }
0x88: {  	[sflag:s26] =	ssyncadd.s32 $0xFFFFFF80  }
0x89: {  	[tilespmem:s24], [sflag:$0x2] =	stream.linear.gather [hbm4b:s22+s4], $0x4000, $0x38;
	[tilespmem:$0x1C080] =	vst v63  }
0x8a: {  	_ =	swait.ge [sflag:s26], $0x4000  }
0x8b: {  	[sflag:s26] =	ssyncset.done $0x0  }
0x8c: {  	[sflag:s26] =	ssyncadd.s32 $0xFFFFC000  }
0x8d: {  	[spmem:s1] =	stream.indirect.scatter.add.f32 [tilespmem:s24], [sflag:$0x2], $0x80, s4, s24, $0xb8;
	[tilespmem:$0x1C080] =	vst v63  }
0x8e: {  	_ =	swait.ge [sflag:s26], $0x4000  }
0x8f: {  	[sflag:s26] =	ssyncset.done $0x0  }
0x90: {  	[sflag:s26] =	ssyncadd.s32 $0xFFFFC000  }
0x91: {  	[spmem:s3] =	stream.indirect.scatter.add.f32 @!p0 [tilespmem:s0], [sflag:$0x1], $0x80, s31, s30, $0xb8;
	[tilespmem:$0x1C080] =	vst v63  }
0x92: {  	_ =	swait.ge @!p0 [sflag:s29], $0x4000  }
0x93: {  	[sflag:s29] =	ssyncset.done @!p0 $0x0  }
0x94: {  	[sflag:s29] =	ssyncadd.s32 @!p0 $0xFFFFC000  }
0x95: {  	[tilespmem:s4], [sflag:$0x2] =	stream.linear.gather [hbm4b:s12+s4], $0x80, $0x38;
	[tilespmem:$0x1C080] =	vst v63  }
0x96: {  	_ =	swait.ge [sflag:s26], $0x80  }
0x97: {  	[sflag:s26] =	ssyncset.done $0x0  }
0x98: {  	[sflag:s26] =	ssyncadd.s32 $0xFFFFFF80  }
0x99: {  	[tilespmem:s24], [sflag:$0x2] =	stream.linear.gather [hbm4b:s23+s4], $0x4000, $0x38;
	[tilespmem:$0x1C080] =	vst v63  }
0x9a: {  	_ =	swait.ge [sflag:s26], $0x4000  }
0x9b: {  	[sflag:s26] =	ssyncset.done $0x0  }
0x9c: {  	[sflag:s26] =	ssyncadd.s32 $0xFFFFC000  }
0x9d: {  	[spmem:s1] =	stream.indirect.scatter.add.f32 [tilespmem:s24], [sflag:$0x2], $0x80, s4, s24, $0xb8;
	[tilespmem:$0x1C080] =	vst v63  }
0x9e: {  	_ =	swait.ge [sflag:s26], $0x4000  }
0x9f: {  	s8 =	stileid.u32;
	[sflag:s26] =	ssyncset.done $0x0  }
0xa0: {  	s2 =	sshll.u32 @p0 s8, $0x6;
	[sflag:s26] =	ssyncadd.s32 $0xFFFFC000  }
0xa1: {  	s7 =	sshrl.u32 @p0 s5, $0x3;
	s2 =	sor.u32 @p0 $0x1C01, s2;
	[bflag:$0x0] =	sbarrier.arrive @p0 $0xFFFF  }
0xa2: {  	[hbm:s17], [sflag:s2] =	dma.local @p0 [spmem:s7], $0x1400  }
0xa3: {  	[spmem:s3] =	stream.indirect.scatter.add.f32 @!p0 [tilespmem:s0], [sflag:$0x1], $0x80, s31, s30, $0xb8;
	[tilespmem:$0x1C080] =	vst v63  }
0xa4: {  	_ =	swait.ge @!p0 [sflag:s29], $0x4000  }
0xa5: {  	[sflag:s29] =	ssyncset.done @!p0 $0x0  }
0xa6: {  	s0 =	sshll.u32 @!p0 s8, $0x6;
	[sflag:s29] =	ssyncadd.s32 @!p0 $0xFFFFC000  }
0xa7: {  	s2 =	sshrl.u32 @!p0 s5, $0x3;
	s0 =	sor.u32 @!p0 $0x1C01, s0;
	[bflag:$0x0] =	sbarrier.arrive @!p0 $0xFFFF  }
0xa8: {  	[hbm:s17], [sflag:s0] =	dma.local @!p0 [spmem:s2], $0x1400  }
0xa9: {  	s28 =	sadd.s32 $0x1, s28;
	_ =	swait.ge @!p0 [sflag:s29], $0x1400  }
0xaa: {  	p1 =	sne.s32 s28, s18;
	s2 =	sshrl.u32 @!p0 s6, $0x3;
	[sflag:s29] =	ssyncset.done @!p0 $0x0  }
.Ltmp2:
0xab: {  	s8 =	rddreg [dreg:$0x5];
	[sflag:s29] =	ssyncadd.s32 @!p0 $0xFFFFEC00;
	(pc) =	sbr.rel @p1 .LBB2_1-.Ltmp2, $4  }
0xac: {  	[hbm:s8], [sflag:s0] =	dma.local @!p0 [spmem:s2], $0x1400  }
0xad: {  	_ =	swait.ge [sflag:s25], $0x1400  }
0xae: {  	[sflag:s25] =	ssyncset.done $0x0  }
0xaf: {  	s7 =	stileid.u32;
	[sflag:s25] =	ssyncadd.s32 $0xFFFFEC00  }
0xb0: {  	_ =	sfence.sel $0x180000  }
0xb1: {  	[bflag:$0x0] =	sbarrier.arrive $0xFFFF  }
0xb2: {  	_ =	strace $0x9000004D  }
0xb3: {  	[bflag:$0x2] =	sbarrier.arrive $0xFFFF  }
0xb4: {  	p0 =	sne.s32 s7, $0x0;
	s0 =	rddreg [dreg:$0x4]  }
0xb5: {  	s0 =	sadd.s32 @!p0 $0x100000, s0  }
0xb6: {  	[sflag:s0] =	ssyncadd.tile.s32 @!p0 $0x1;
	_ =	shalt  }
.Lfunc_end2:
_tile_overlayer_lowered:
.L_overlay_start_2:
0xb7: {  	(tag) =	ssettag $0x2  }
0xb8: {  	s0 =	rddreg [dreg:$0x0];
	s2 =	stileid.u32  }
0xb9: {  	s1 =	rddreg [dreg:$0x1];
	p0 =	sne.s32 s2, $0x0  }
0xba: {  	s3 =	rddreg [dreg:$0x2];
	[bflag:$0x3] =	sbarrier.arrive $0xFFFF;
	s2 =	simm.s32 @!p0 $0x1C01  }
0xbb: {  	[timem:s3], [sflag:s2] =	dma.local @!p0 [hbm:s0], s1  }
0xbc: {  	s0 =	simm.s32 @!p0 $0x1  }
0xbd: {  	_ =	swait.ge @!p0 [sflag:s0], s1  }
0xbe: {  	s1 =	ssub.s32 @!p0 $0x0, s1;
	[sflag:s0] =	ssyncset.done @!p0 $0x0  }
0xbf: {  	[sflag:s0] =	ssyncadd.s32 @!p0 s1  }
0xc0: {  	[bflag:$0x3] =	sbarrier.arrive $0xFFFF  }
0xc1: {  	_ =	shalt  }

// kernel: kernel.8.cloned.1.call-start
scs
__scs_entry_jumppad:
0x0: {  	(pc) =	sbr.rel $0x88, $3  }
0x1: {  	(tag) =	ssettag $0x0;
	lr =	simm.s32 $0x1  }
0x2: {  	[smem:$0x3F9A] =	sst lr;
	_ =	strace $0xD0000000  }
0x3: {  	_ = 	snop  }
0x4: {  	_ = 	snop  }
0x5: {  	_ = 	snop  }
0x6: {  	_ = 	snop  }
0x7: {  	_ = 	snop  }
__scs_overlays_trampoline_lowered:
0x8: {  	[smem:$0x3FA9] =	sst s0  }
0x9: {  	[smem:$0x3FAA] =	sst s1  }
0xa: {  	[smem:$0x3FAB] =	sst s2  }
0xb: {  	[smem:$0x3FAC] =	sst s3  }
0xc: {  	[smem:$0x3FAD] =	sst s4  }
0xd: {  	[smem:$0x3FAE] =	sst s5  }
0xe: {  	[smem:$0x3FAF] =	sst s6  }
0xf: {  	[smem:$0x3FB0] =	sst s7  }
0x10: {  	[smem:$0x3FB1] =	sst s8  }
0x11: {  	[smem:$0x3FB2] =	sst s9;
	s0 =	simm.s32 @!p0 $0x0  }
0x12: {  	s1 =	sld [smem:$0x3F98];
	s0 =	simm.s32 @p0 $0x1  }
0x13: {  	[smem:$0x3FB3] =	sst s0;
	s0 =	simm.s32 @!p1 $0x0  }
0x14: {  	s2 =	sld [smem:$0x3F97];
	s0 =	simm.s32 @p1 $0x1  }
0x15: {  	[smem:$0x3FB4] =	sst s0;
	s0 =	simm.s32 @!p2 $0x0  }
0x16: {  	s3 =	sld [smem:$0x3FDB];
	s0 =	simm.s32 @p2 $0x1  }
0x17: {  	s4 =	simm.s32 $0x1BF5;
	[smem:$0x3FB6] =	sst s0  }
0x18: {  	s0 =	sld [smem:$0x3F99];
	_ =	swait.ge [sflag:s4], $0x0  }
0x19: {  	s7 =	sld [smem:$0x3F9A]  }
0x1a: {  	s8 =	sadd.s32 $0xFFFFE003, lr  }
0x1b: {  	s9 =	sadd.s32 $0xFFFFFEF7, lr;
	s5 =	simm.s32 $0xFFFFFFFF;
	p2 =	slt.u32 s8, $0xFFFFF086  }
0x1c: {  	p1 =	slt.u32 s9, $0xF7A;
	s5 =	simm.s32 @!p2 $0x0  }
0x1d: {  	s5 =	simm.s32 @p1 $0x1;
	p0 =	seq.s32 s7, s2  }
0x1e: {  	s7 =	smul.u32 @!p0 $0xF7A, s2;
	p2 =	seq.s32 @!p0 s5, $0x0  }
0x1f: {  	s9 =	smul.u32 $0xF7A, s1;
	s8 =	simm.s32 @!p0 $0x1BF5;
	p2 =	por !p2, p0  }
0x20: {  	[sflag:s8] =	ssyncset.s32 @!p0 $0xFFFFF086;
	s6 =	sadd.s32 @!p0 s3, s7;
	s7 =	simm.s32 @!p0 $0x108  }
0x21: {  	s3 =	sadd.s32 s3, s9;
	s6 =	sadd.s32 @!p0 $0x88, s6;
	s7 =	simm.s32 @p2 $0x1082  }
0x22: {  	[simem:s7], [sflag:s8] =	dma.local @!p0 [hbm:s6], $0xF7A  }
0x23: {  	s9 =	sor.u32 $0xD0000000, s2;
	s6 =	simm.s32 $0x108;
	_ =	swait.ge @!p0 [sflag:s8], $0x0  }
0x24: {  	s3 =	sadd.s32 $0x88, s3;
	s6 =	simm.s32 @!p1 $0x1082;
	[sflag:s4] =	ssyncset.s32 $0xFFFFF086  }
0x25: {  	[simem:s6], [sflag:s4] =	dma.local [hbm:s3], $0xF7A  }
0x26: {  	[smem:$0x3F9A] =	sst s1;
	(tag) =	ssettag s2;
	_ =	strace s9  }
0x27: {  	s1 =	sld [smem:$0x3FAA]  }
0x28: {  	s2 =	sld [smem:$0x3FAB]  }
0x29: {  	s4 =	sld [smem:$0x3FAD]  }
0x2a: {  	p0 =	seq.s32 s5, $0x0;
	s5 =	sld [smem:$0x3FAE]  }
0x2b: {  	s6 =	sld [smem:$0x3FAF]  }
0x2c: {  	s7 =	sld [smem:$0x3FB0]  }
0x2d: {  	s3 =	simm.s32 $0x108;
	s8 =	sld [smem:$0x3FB1]  }
0x2e: {  	s3 =	simm.s32 @!p0 $0x1082;
	s9 =	sld [smem:$0x3FB2]  }
0x2f: {  	lr =	sadd.s32 s0, s3;
	s0 =	sld [smem:$0x3FA9]  }
0x30: {  	s3 =	sld [smem:$0x3FAC]  }
0x31: {  	[smem:$0x3FB5] =	sst s10  }
0x32: {  	s10 =	sld [smem:$0x3FB3];
	_ =	sdelay $0x3  }
0x33: {  	p0 =	seq.s32 s10, $0x1;
	s10 =	sld [smem:$0x3FB5];
	_ =	sdelay $0x3  }
0x34: {  	[smem:$0x3FB5] =	sst s10  }
0x35: {  	s10 =	sld [smem:$0x3FB4];
	_ =	sdelay $0x3  }
0x36: {  	p1 =	seq.s32 s10, $0x1;
	s10 =	sld [smem:$0x3FB5];
	_ =	sdelay $0x3  }
0x37: {  	[smem:$0x3FB5] =	sst s10  }
0x38: {  	s10 =	sld [smem:$0x3FB6]  }
0x39: {  	_ = 	snop;
	(pc) =	sbr.ind lr, $3  }
0x3a: {  	_ = 	snop  }
0x3b: {  	_ = 	snop  }
0x3c: {  	p2 =	seq.s32 s10, $0x1;
	s10 =	sld [smem:$0x3FB5]  }
0x3d: {  	_ =	shalt  }
0x3e: {  	_ =	shalt  }
0x3f: {  	_ =	shalt  }
0x40: {  	_ =	shalt  }
0x41: {  	_ =	shalt  }
0x42: {  	_ =	shalt  }
0x43: {  	_ =	shalt  }
0x44: {  	_ =	shalt  }
0x45: {  	_ =	shalt  }
0x46: {  	_ =	shalt  }
0x47: {  	_ =	shalt  }
0x48: {  	_ =	shalt  }
0x49: {  	_ =	shalt  }
0x4a: {  	_ =	shalt  }
0x4b: {  	_ =	shalt  }
0x4c: {  	_ =	shalt  }
0x4d: {  	_ =	shalt  }
0x4e: {  	_ =	shalt  }
0x4f: {  	_ =	shalt  }
0x50: {  	_ =	shalt  }
0x51: {  	_ =	shalt  }
0x52: {  	_ =	shalt  }
0x53: {  	_ =	shalt  }
0x54: {  	_ =	shalt  }
0x55: {  	_ =	shalt  }
0x56: {  	_ =	shalt  }
0x57: {  	_ =	shalt  }
0x58: {  	_ =	shalt  }
0x59: {  	_ =	shalt  }
0x5a: {  	_ =	shalt  }
0x5b: {  	_ =	shalt  }
0x5c: {  	_ =	shalt  }
0x5d: {  	_ =	shalt  }
0x5e: {  	_ =	shalt  }
0x5f: {  	_ =	shalt  }
0x60: {  	_ =	shalt  }
0x61: {  	_ =	shalt  }
0x62: {  	_ =	shalt  }
0x63: {  	_ =	shalt  }
0x64: {  	_ =	shalt  }
0x65: {  	_ =	shalt  }
0x66: {  	_ =	shalt  }
0x67: {  	_ =	shalt  }
0x68: {  	_ =	shalt  }
0x69: {  	_ =	shalt  }
0x6a: {  	_ =	shalt  }
0x6b: {  	_ =	shalt  }
0x6c: {  	_ =	shalt  }
0x6d: {  	_ =	shalt  }
0x6e: {  	_ =	shalt  }
0x6f: {  	_ =	shalt  }
0x70: {  	_ =	shalt  }
0x71: {  	_ =	shalt  }
0x72: {  	_ =	shalt  }
0x73: {  	_ =	shalt  }
0x74: {  	_ =	shalt  }
0x75: {  	_ =	shalt  }
0x76: {  	_ =	shalt  }
0x77: {  	_ =	shalt  }
0x78: {  	_ =	shalt  }
0x79: {  	_ =	shalt  }
0x7a: {  	_ =	shalt  }
0x7b: {  	_ =	shalt  }
0x7c: {  	_ =	shalt  }
0x7d: {  	_ =	shalt  }
0x7e: {  	_ =	shalt  }
0x7f: {  	_ =	shalt  }
0x80: {  	_ =	shalt  }
0x81: {  	_ =	shalt  }
0x82: {  	_ =	shalt  }
0x83: {  	_ =	shalt  }
0x84: {  	_ =	shalt  }
0x85: {  	_ =	shalt  }
0x86: {  	_ =	shalt  }
0x87: {  	_ =	shalt  }
.Lfunc_end0:
.L_simem_size_0:
called_computation_lowered:
.L_overlay_start_0:
0x88: {  	s2 =	sld [smem:$0x3FD9]  }
0x89: {  	s3 =	sld [smem:$0x3FFE];
	_ =	sdelay $0x1  }
0x8a: {  	s1 =	srdreg.scid  }
0x8b: {  	s0 =	sand.u32 $0x1, s1  }
0x8c: {  	s16 =	sshll.u32 s0, $0xA;
	s2 =	sadd.s32 s3, s2  }
0x8d: {  	s2 =	sadd.s32 s2, s16  }
0x8e: {  	[smem:$0x3FC1] =	sst s2  }
0x8f: {  	_ = 	snop  }
0x90: {  	(tm) =	ssettm $0x1  }
0x91: {  	s17 =	sld [smem:$0x3FFB];
	_ =	sdelay $0x3  }
0x92: {  	_ =	strace s17  }
0x93: {  	s2 =	sld [smem:$0x3FFC];
	_ =	sdelay $0x3  }
0x94: {  	_ =	strace s2  }
0x95: {  	s2 =	sld [smem:$0x3FFD];
	_ =	sdelay $0x3  }
0x96: {  	_ =	strace s2  }
0x97: {  	_ =	strace $0x8FFFFFFF  }
0x98: {  	s18 =	sld [smem:$0x3FDB];
	_ =	sdelay $0x1  }
0x99: {  	s19 =	simm.s32 $_scs_section_size  }
0x9a: {  	s4 =	simm.s32 $_size__tile_overlayer_lowered;
	s5 =	simm.s32 $_tile_overlayer_lowered  }
0x9b: {  	s22 =	simm.s32 $0x1BFF;
	s21 =	sshll.u32 s5, $0x1;
	s2 =	sadd.s32 s19, s18  }
0x9c: {  	s6 =	simm.s32 $0x0;
	s20 =	sshll.u32 s4, $0x1;
	s4 =	sadd.s32 s21, s2  }
0x9d: {  	[timem:s6], [sflag:s22] =	dma.local [hbm:s4], s20  }
0x9e: {  	_ =	swait.ge [sflag:s22], s20  }
0x9f: {  	s3 =	ssub.s32 $0x0, s20;
	[sflag:s22] =	ssyncset.done $0x0  }
0xa0: {  	[sflag:s22] =	ssyncadd.s32 s3;
	_ =	sdelay $0x1  }
0xa1: {  	s23 =	simm.s32 $0x1B8B  }
0xa2: {  	_ =	swait.ge [sflag:s23], $0x1  }
0xa3: {  	[sflag:s23] =	ssyncset.done $0x0  }
0xa4: {  	s25 =	simm.s32 $0x1B8E;
	s24 =	sld [smem:$0x3FFE];
	[sflag:s23] =	ssyncadd.s32 $0xFFFFFFFF  }
0xa5: {  	s26 =	simm.s32 $execute0_lowered;
	[smem:$0x3FD2] =	sst s25  }
0xa6: {  	s4 =	sshll.u32 s26, $0x1;
	_ =	strace $0x80000046;
	[dreg:$0x1] =	wrdreg $0xFFFFFFFF  }
0xa7: {  	s28 =	simm.s32 $_size_execute0_lowered;
	s2 =	sadd.s32 s2, s4;
	[dreg:$0x0] =	wrdreg $0x0  }
0xa8: {  	s4 =	sshll.u32 s28, $0x1;
	[dreg:$0x2] =	wrdreg s2  }
0xa9: {  	[dreg:$0x3] =	wrdreg s4  }
0xaa: {  	[dreg:$0x4] =	wrdreg $0xC0  }
0xab: {  	_ =	task [dreg:s6], $0x5FFFF  }
0xac: {  	[dreg:$0x1] =	wrdreg $0xFFFFFFFF  }
0xad: {  	[dreg:$0x0] =	wrdreg $0x60  }
0xae: {  	[dreg:$0x2] =	wrdreg s24  }
0xaf: {  	[dreg:$0x3] =	wrdreg $0x80800  }
0xb0: {  	[dreg:$0x4] =	wrdreg $0x9  }
0xb1: {  	_ =	task.clear_ibuf [dreg:s6], $0x5FFFF;
	_ =	strace $0x90000046  }
0xb2: {  	s29 =	simm.s32 $0x9;
	_ =	strace $0x80000048  }
0xb3: {  	_ =	swait.ge [sflag:s29], $0x1  }
0xb4: {  	[sflag:s29] =	ssyncadd.s32 $0xFFFFFFFF  }
0xb5: {  	_ =	strace $0x90000048  }
0xb6: {  	_ =	sfence  }
0xb7: {  	s30 =	sld [smem:$0x0];
	_ =	sdelay $0x2  }
0xb8: {  	s31 =	sshll.u32 s1, $0xD;
	s1 =	sshrl.u32 s1, $0x2  }
0xb9: {  	s3 =	sand.u32 $0x4000, s31;
	s1 =	sadd.s32 s1, s30  }
0xba: {  	s0 =	sor.u32 s3, s0;
	s1 =	sshll.u32 s1, $0x11  }
0xbb: {  	s0 =	sor.u32 s1, s0  }
0xbc: {  	s0 =	sadd.s32 $0x8F2B, s0  }
0xbd: {  	[sflag:s0] =	ssyncadd.remote.s32 $0x1  }
0xbe: {  	_ =	sfence.sel $0xFFFF  }
0xbf: {  	[dreg:$0x0] =	wrdreg $0xFFFFFFFF;
	(pc) =	sbr.abs _section_cstart, $3  }
0xc0: {  	[dreg:$0x1] =	wrdreg $0xFFFFFFFF  }
0xc1: {  	_ =	task.clear_ibuf [dreg:s6], $0x2FFFF;
	_ =	strace $0x9FFFFFFF  }
0xc2: {  	(tm) =	ssettm $0x7FFFFFFF  }
0xc3: {  	_ =	shalt  }
tec
execute0_lowered:
.L_overlay_start_1:
0x0: {  	(tag) =	ssettag $0x1  }
0x1: {  	s4 =	rddreg [dreg:$0x0];
	s1 =	stileid.u32  }
0x2: {  	s0 =	srdreg.scid;
	s7 =	smul.u32 $0x2800, s1  }
0x3: {  	s2 =	rddreg [dreg:$0x1];
	s3 =	simm.s32 $0x0;
	s9 =	smul.u32 $0x50000, s1  }
0x4: {  	s14 =	simm.s32 $0x80;
	s5 =	sand.u32 $0x1, s0;
	s13 =	smul.u32 $0x500, s1  }
0x5: {  	s17 =	simm.s32 $0x0;
	s0 =	rddreg [dreg:$0x2];
	s6 =	smul.u32 $0x5000, s5  }
0x6: {  	[smem:$0x7FF] =	sst s3;
	s15 =	sshll.u32 s1, $0x6;
	s8 =	smul.u32 $0x28000, s5  }
0x7: {  	_ =	strace $0x80000047;
	s5 =	ssub.s32 $0x2, s5;
	s15 =	sor.u32 $0x1C01, s15  }
0x8: {  	s29 =	sshrl.u32 s5, $0x1;
	s30 =	sshrl.u32 s9, $0x2;
	s28 =	sadd.s32 s7, s8  }
0x9: {  	s10 =	sadd.s32 s6, s4;
	s12 =	ssub.s32 s5, s29;
	s11 =	sadd.s32 s28, s4  }
0xa: {  	s4 =	sadd.s32 s30, s2;
	s31 =	sadd.s32 s13, s10;
	s10 =	smax.u32 s12, $0x1  }
0xb: {  	s12 =	simm.s32 $0x4080;
	s13 =	simm.s32 $0x1;
	s5 =	sadd.s32 $0x4000, s4  }
0xc: {  	vm0 =	vcmask $0x300;
	v0 =	vimm.f32 $0.0e+00;
	s6 =	sadd.s32 $0x8000, s4;
	s7 =	sadd.s32 $0xC000, s4;
	s8 =	sadd.s32 $0x10000, s4  }
0xd: {  	v1 =	vsel vm0, $0x3F800000, v0;
	s9 =	sadd.s32 $0xD200, s11;
	s11 =	sadd.s32 $0x3200, s31;
	s16 =	sshrl.u32 s4, $0x3  }
.LBB2_1:
0xe: {  	s18 =	simm.s32 $0x0;
	s19 =	simm.s32 $0x200  }
.LBB2_2:
0xf: {  	p0 =	sne.s32 s19, $0xFE00;
	[tilespmem:s18+$0xF0] =	vst v0  }
0x10: {  	[tilespmem:s18+$0x80] =	vst v1  }
0x11: {  	[tilespmem:s18+$0x90] =	vst v0  }
.Ltmp0:
0x12: {  	[tilespmem:s18+$0xA0] =	vst v0;
	(pc) =	sbr.rel @p0 .LBB2_2-.Ltmp0, $4  }
0x13: {  	[tilespmem:s18+$0xB0] =	vst v0  }
0x14: {  	[tilespmem:s18+$0xC0] =	vst v0  }
0x15: {  	[tilespmem:s18+$0xD0] =	vst v0  }
0x16: {  	[tilespmem:s18+$0xE0] =	vst v0;
	s18 =	sshra.s32 s19, $0x2;
	s19 =	sadd.s32 $0x200, s19  }
0x17: {  	[tilespmem:s18+$0xF0] =	vst v0  }
0x18: {  	[tilespmem:s18+$0x80] =	vst v1  }
0x19: {  	[tilespmem:s18+$0x90] =	vst v0  }
0x1a: {  	[tilespmem:s18+$0xA0] =	vst v0  }
0x1b: {  	[tilespmem:s18+$0xB0] =	vst v0  }
0x1c: {  	[tilespmem:s18+$0xC0] =	vst v0  }
0x1d: {  	[tilespmem:s18+$0xD0] =	vst v0  }
0x1e: {  	[tilespmem:s18+$0xE0] =	vst v0;
	s18 =	simm.s32 $0x0;
	s19 =	simm.s32 $0x200  }
.LBB2_4:
0x1f: {  	p0 =	sne.s32 s19, $0xFE00;
	[tilespmem:s18+$0x40F0] =	vst v0  }
0x20: {  	[tilespmem:s18+$0x4080] =	vst v0  }
0x21: {  	[tilespmem:s18+$0x4090] =	vst v0  }
.Ltmp1:
0x22: {  	[tilespmem:s18+$0x40A0] =	vst v0;
	(pc) =	sbr.rel @p0 .LBB2_4-.Ltmp1, $4  }
0x23: {  	[tilespmem:s18+$0x40B0] =	vst v0  }
0x24: {  	[tilespmem:s18+$0x40C0] =	vst v0  }
0x25: {  	[tilespmem:s18+$0x40D0] =	vst v0  }
0x26: {  	[tilespmem:s18+$0x40E0] =	vst v0;
	s18 =	sshra.s32 s19, $0x2;
	s19 =	sadd.s32 $0x200, s19  }
0x27: {  	[tilespmem:s18+$0x40F0] =	vst v0  }
0x28: {  	[tilespmem:s18+$0x4080] =	vst v0  }
0x29: {  	[tilespmem:s18+$0x4090] =	vst v0  }
0x2a: {  	[tilespmem:s18+$0x40A0] =	vst v0  }
0x2b: {  	[tilespmem:s18+$0x40B0] =	vst v0  }
0x2c: {  	[tilespmem:s18+$0x40C0] =	vst v0  }
0x2d: {  	[tilespmem:s18+$0x40D0] =	vst v0  }
0x2e: {  	[tilespmem:s18+$0x40E0] =	vst v0  }
0x2f: {  	[spmem:s4] =	stream.linear.scatter [tilespmem:s12], [sflag:$0x1], $0x4000, $0x38;
	[tilespmem:$0x1C080] =	vst v63  }
0x30: {  	_ =	swait.ge [sflag:s13], $0x4000  }
0x31: {  	[sflag:s13] =	ssyncset.done $0x0  }
0x32: {  	[sflag:s13] =	ssyncadd.s32 $0xFFFFC000  }
0x33: {  	[spmem:s5] =	stream.linear.scatter [tilespmem:s12], [sflag:$0x1], $0x4000, $0x38;
	[tilespmem:$0x1C080] =	vst v63  }
0x34: {  	_ =	swait.ge [sflag:s13], $0x4000  }
0x35: {  	[sflag:s13] =	ssyncset.done $0x0  }
0x36: {  	[sflag:s13] =	ssyncadd.s32 $0xFFFFC000  }
0x37: {  	[spmem:s6] =	stream.linear.scatter [tilespmem:s12], [sflag:$0x1], $0x4000, $0x38;
	[tilespmem:$0x1C080] =	vst v63  }
0x38: {  	_ =	swait.ge [sflag:s13], $0x4000  }
0x39: {  	[sflag:s13] =	ssyncset.done $0x0  }
0x3a: {  	[sflag:s13] =	ssyncadd.s32 $0xFFFFC000  }
0x3b: {  	[spmem:s7] =	stream.linear.scatter [tilespmem:s12], [sflag:$0x1], $0x4000, $0x38;
	[tilespmem:$0x1C080] =	vst v63  }
0x3c: {  	_ =	swait.ge [sflag:s13], $0x4000  }
0x3d: {  	[sflag:s13] =	ssyncset.done $0x0  }
0x3e: {  	[sflag:s13] =	ssyncadd.s32 $0xFFFFC000  }
0x3f: {  	[spmem:s8] =	stream.linear.scatter [tilespmem:s12], [sflag:$0x1], $0x4000, $0x38;
	[tilespmem:$0x1C080] =	vst v63  }
0x40: {  	_ =	swait.ge [sflag:s13], $0x4000  }
0x41: {  	[sflag:s13] =	ssyncset.done $0x0  }
0x42: {  	[sflag:s13] =	ssyncadd.s32 $0xFFFFC000  }
0x43: {  	s31 =	sadd.s32 $0x0, s11;
	[bflag:$0x0] =	sbarrier.arrive $0xFFFF  }
0x44: {  	[tilespmem:s3], [sflag:$0x1] =	stream.linear.gather [hbm4b:s31+s3], $0x80, $0x38;
	[tilespmem:$0x1C080] =	vst v63  }
0x45: {  	_ =	swait.ge [sflag:s13], $0x80  }
0x46: {  	[sflag:s13] =	ssyncset.done $0x0  }
0x47: {  	[sflag:s13] =	ssyncadd.s32 $0xFFFFFF80  }
0x48: {  	[spmem:s2] =	stream.indirect.scatter.add.f32 [tilespmem:s14], [sflag:$0x1], $0x80, s3, s14, $0xb8;
	[tilespmem:$0x1C080] =	vst v63  }
0x49: {  	_ =	swait.ge [sflag:s13], $0x4000  }
0x4a: {  	s18 =	simm.s32 $0x10;
	s19 =	simm.s32 $0x20;
	[sflag:s13] =	ssyncset.done $0x0  }
.LBB2_6:
0x4b: {  	s20 =	sadd.s32 s18, s11  }
0x4c: {  	[sflag:s13] =	ssyncadd.s32 $0xFFFFC000;
	s18 =	smov.u32 s19;
	s21 =	sadd.s32 $0x10, s19  }
0x4d: {  	[tilespmem:s3], [sflag:$0x1] =	stream.linear.gather [hbm4b:s20+s3], $0x80, $0x38;
	[tilespmem:$0x1C080] =	vst v63  }
0x4e: {  	p0 =	sne.s32 s19, $0x4F0;
	_ =	swait.ge [sflag:s13], $0x80  }
.Ltmp2:
0x4f: {  	[sflag:s13] =	ssyncset.done $0x0;
	(pc) =	sbr.rel @p0 .LBB2_6-.Ltmp2, $4  }
0x50: {  	[sflag:s13] =	ssyncadd.s32 $0xFFFFFF80  }
0x51: {  	[spmem:s2] =	stream.indirect.scatter.add.f32 [tilespmem:s14], [sflag:$0x1], $0x80, s3, s14, $0xb8;
	[tilespmem:$0x1C080] =	vst v63  }
0x52: {  	_ =	swait.ge [sflag:s13], $0x4000  }
0x53: {  	s19 =	smov.u32 s21;
	[sflag:s13] =	ssyncset.done $0x0  }
0x54: {  	s18 =	sadd.s32 s18, s11;
	[sflag:s13] =	ssyncadd.s32 $0xFFFFC000  }
0x55: {  	[tilespmem:s3], [sflag:$0x1] =	stream.linear.gather [hbm4b:s18+s3], $0x80, $0x38;
	[tilespmem:$0x1C080] =	vst v63  }
0x56: {  	_ =	swait.ge [sflag:s13], $0x80  }
0x57: {  	[sflag:s13] =	ssyncset.done $0x0  }
0x58: {  	[sflag:s13] =	ssyncadd.s32 $0xFFFFFF80  }
0x59: {  	[spmem:s2] =	stream.indirect.scatter.add.f32 [tilespmem:s14], [sflag:$0x1], $0x80, s3, s14, $0xb8;
	[tilespmem:$0x1C080] =	vst v63  }
0x5a: {  	_ =	swait.ge [sflag:s13], $0x4000  }
0x5b: {  	s17 =	sadd.s32 $0x1, s17;
	[sflag:s13] =	ssyncset.done $0x0  }
0x5c: {  	p0 =	sne.s32 s17, s10;
	[sflag:s13] =	ssyncadd.s32 $0xFFFFC000  }
.Ltmp3:
0x5d: {  	[bflag:$0x0] =	sbarrier.arrive $0xFFFF;
	(pc) =	sbr.rel @p0 .LBB2_1-.Ltmp3, $4  }
0x5e: {  	[hbm:s9], [sflag:s15] =	dma.local [spmem:s16], $0x2800  }
0x5f: {  	_ =	swait.ge [sflag:s13], $0x2800  }
0x60: {  	[sflag:s13] =	ssyncset.done $0x0  }
0x61: {  	[sflag:s13] =	ssyncadd.s32 $0xFFFFD800  }
0x62: {  	_ =	sfence.sel $0x180000  }
0x63: {  	[bflag:$0x0] =	sbarrier.arrive $0xFFFF  }
0x64: {  	p0 =	sne.s32 s1, $0x0;
	_ =	strace $0x90000047  }
0x65: {  	s0 =	sadd.s32 @!p0 $0x100000, s0;
	[bflag:$0x2] =	sbarrier.arrive $0xFFFF  }
0x66: {  	[sflag:s0] =	ssyncadd.tile.s32 @!p0 $0x1;
	_ =	shalt  }
.Lfunc_end2:
_tile_overlayer_lowered:
.L_overlay_start_2:
0x67: {  	(tag) =	ssettag $0x2  }
0x68: {  	s0 =	rddreg [dreg:$0x0];
	s2 =	stileid.u32  }
0x69: {  	s1 =	rddreg [dreg:$0x1];
	p0 =	sne.s32 s2, $0x0  }
0x6a: {  	s3 =	rddreg [dreg:$0x2];
	[bflag:$0x3] =	sbarrier.arrive $0xFFFF;
	s2 =	simm.s32 @!p0 $0x1C01  }
0x6b: {  	[timem:s3], [sflag:s2] =	dma.local @!p0 [hbm:s0], s1  }
0x6c: {  	s0 =	simm.s32 @!p0 $0x1  }
0x6d: {  	_ =	swait.ge @!p0 [sflag:s0], s1  }
0x6e: {  	s1 =	ssub.s32 @!p0 $0x0, s1;
	[sflag:s0] =	ssyncset.done @!p0 $0x0  }
0x6f: {  	[sflag:s0] =	ssyncadd.s32 @!p0 s1  }
0x70: {  	[bflag:$0x3] =	sbarrier.arrive $0xFFFF  }
0x71: {  	_ =	shalt  }

</sc_bundles>
